<compile_context>
chip_gen: v7x
topology: tpu7x:2x2x1
jax: 0.10.2.dev20260603
libtpu: 0.0.44.dev20260713+nightly
codegen_flags: <defaults>
</compile_context>

<pallas_src>
import jax
import jax.numpy as jnp
from jax import lax
from jax.experimental import pallas as pl
from jax.experimental.pallas import tpu as pltpu
from jax.experimental.pallas import tpu_sc as plsc

B, S = 1024, 2048
BB = 64
LS = S // 128
SC_W = 1920
CH = 128
NW = 32
RPW = B // NW
TCOL = SC_W // 128



OFFS = ((0, 512), (512, 512), (1024, 512), (1536, 128), (1664, 128), (1792, 128))


def _sc_body(reg, tgt, fl_hbm, out_hbm,
             flv, rA, tA, rB, tB, accv, semA, semB, osem):
    nc = 2
    wid = lax.axis_index("s") * nc + lax.axis_index("c")
    base = wid * RPW
    pltpu.sync_copy(fl_hbm.at[pl.ds(base, RPW)], flv)
    v0 = flv[pl.ds(0, 16)]
    v1 = flv[pl.ds(16, 16)]
    lane_iota = lax.iota(jnp.int32, 16)

    def getLc(r):
        vv = jnp.where(r < 16, v0, v1)
        L = jnp.sum(jnp.where(lane_iota == (r % 16), vv, 0))
        return jnp.minimum(L, SC_W)

    def row_copies(b, rb, tb, sem):
        for off, sz in OFFS:
            yield off, pltpu.make_async_copy(
                reg.at[:, b, pl.ds(off, sz)], rb.at[:, pl.ds(off, sz)], sem)
            yield off, pltpu.make_async_copy(
                tgt.at[:, b, pl.ds(off, sz)], tb.at[:, pl.ds(off, sz)], sem)

    def issue_row(r, rb, tb, sem):
        b = base + r
        Lc = getLc(r)
        for off, cp in row_copies(b, rb, tb, sem):
            pl.when(Lc > off)(cp.start)

    def drain_row(r, rb, tb, sem):
        b = base + r
        Lc = getLc(r)
        for off, cp in row_copies(b, rb, tb, sem):
            pl.when(Lc > off)(cp.wait)

    def compute_row(r, rb, tb, acc):
        Lc = getLc(r)
        nfull = Lc // 16

        def vstep(i, a):
            for c in range(3):
                d = rb[c, pl.ds(i * 16, 16)] - tb[c, pl.ds(i * 16, 16)]
                a = a + d * d
            return a

        acc = lax.fori_loop(0, nfull, vstep, acc, unroll=False)

        def tail(a):
            o = nfull * 16
            m = o + lane_iota < Lc
            for c in range(3):
                d = rb[c, pl.ds(o, 16)] - tb[c, pl.ds(o, 16)]
                a = a + jnp.where(m, d * d, jnp.float32(0.0))
            return a

        return lax.cond(Lc > nfull * 16, tail, lambda a: a, acc)

    issue_row(0, rA, tA, semA)

    def pair_step(g, acc):
        r0 = 2 * g
        r1 = r0 + 1
        issue_row(r1, rB, tB, semB)
        drain_row(r0, rA, tA, semA)
        acc = compute_row(r0, rA, tA, acc)

        @pl.when(g < RPW // 2 - 1)
        def _():
            issue_row(r0 + 2, rA, tA, semA)

        drain_row(r1, rB, tB, semB)
        return compute_row(r1, rB, tB, acc)

    acc = lax.fori_loop(0, RPW // 2, pair_step,
                        jnp.zeros((16,), jnp.float32), unroll=False)
    accv[...] = acc
    cp = pltpu.make_async_copy(accv, out_hbm.at[pl.ds(wid * 16, 16)], osem)
    cp.start()
    cp.wait()


@jax.jit
def _sc_reg_partials(reg_t, tgt_t, fl):
    mesh = plsc.VectorSubcoreMesh(core_axis_name="c", subcore_axis_name="s")
    fn = pl.kernel(
        _sc_body,
        out_type=jax.ShapeDtypeStruct((NW * 16,), jnp.float32),
        mesh=mesh,
        scratch_types=[
            pltpu.VMEM((RPW,), jnp.int32),
            pltpu.VMEM((3, SC_W), jnp.float32),
            pltpu.VMEM((3, SC_W), jnp.float32),
            pltpu.VMEM((3, SC_W), jnp.float32),
            pltpu.VMEM((3, SC_W), jnp.float32),
            pltpu.VMEM((16,), jnp.float32),
            pltpu.SemaphoreType.DMA,
            pltpu.SemaphoreType.DMA,
            pltpu.SemaphoreType.DMA,
        ],
        compiler_params=pltpu.CompilerParams(
            use_tc_tiling_on_sc=True, needs_layout_passes=False),
    )
    return fn(reg_t, tgt_t, fl)



def _tc_body(fl_ref, cls_ref, regt_ref, tgtt_ref,
             cls_out_ref, fl_out_ref, tail_out_ref, acc_ref):
    i = pl.program_id(0)
    n = pl.num_programs(0)

    fl_i = fl_ref[:, :]
    fl_f = fl_i.astype(jnp.float32)

    x = cls_ref[:, :, :]
    t3 = (lax.broadcasted_iota(jnp.int32, (BB, LS, 128), 1) * 128
          + lax.broadcasted_iota(jnp.int32, (BB, LS, 128), 2))
    fl3 = fl_i.reshape(BB, 1, 1)
    onehot = (t3 == fl3).astype(jnp.float32)
    bce = jnp.maximum(x, 0.0) - x * onehot + jnp.log1p(jnp.exp(-jnp.abs(x)))
    w = jnp.where(t3 < fl3, 1.0 / fl_f.reshape(BB, 1, 1), 1.0)
    cls_part = jnp.sum(jnp.where(t3 <= fl3, bce * w, 0.0))

    tg = SC_W + lax.broadcasted_iota(jnp.int32, (BB, 128), 1)
    maskt = tg < fl_i
    tail_part = 0.0
    for c in range(3):
        d = regt_ref[c, :, :] - tgtt_ref[c, :, :]
        tail_part += jnp.sum(jnp.where(maskt, d * d, 0.0))

    fl_sum = jnp.sum(fl_f)

    @pl.when(i == 0)
    def _init():
        acc_ref[0] = 0.0
        acc_ref[1] = 0.0
        acc_ref[2] = 0.0

    acc_ref[0] += cls_part
    acc_ref[1] += fl_sum
    acc_ref[2] += tail_part

    @pl.when(i == n - 1)
    def _fin():
        cls_out_ref[0, 0] = acc_ref[0] / (acc_ref[1] + float(B))
        fl_out_ref[0, 0] = acc_ref[1]
        tail_out_ref[0, 0] = acc_ref[2]


@jax.jit
def _tc_cls_tail(fl_col, cls3, reg_t, tgt_t):
    return pl.pallas_call(
        _tc_body,
        grid=(B // BB,),
        in_specs=[
            pl.BlockSpec((BB, 1), lambda i: (i, 0)),
            pl.BlockSpec((BB, LS, 128), lambda i: (i, 0, 0)),
            pl.BlockSpec((3, BB, 128), lambda i: (0, i, TCOL)),
            pl.BlockSpec((3, BB, 128), lambda i: (0, i, TCOL)),
        ],
        out_specs=[
            pl.BlockSpec(memory_space=pltpu.SMEM),
            pl.BlockSpec(memory_space=pltpu.SMEM),
            pl.BlockSpec(memory_space=pltpu.SMEM),
        ],
        out_shape=[jax.ShapeDtypeStruct((1, 1), jnp.float32)] * 3,
        scratch_shapes=[pltpu.SMEM((3,), jnp.float32)],
    )(fl_col, cls3, reg_t, tgt_t)


def kernel(reg_out, cls_out, tgt, tgt_mask, fixation_len):
    del tgt_mask
    reg_t = jnp.transpose(reg_out, (2, 0, 1))
    tgt_t = jnp.transpose(tgt, (2, 0, 1))
    cls3 = cls_out.reshape(B, LS, 128)
    fl = fixation_len.astype(jnp.int32)
    fl_col = fl.reshape(B, 1)
    partials = _sc_reg_partials(reg_t, tgt_t, fl)
    cls_loss, fl_sum, tail_sum = _tc_cls_tail(fl_col, cls3, reg_t, tgt_t)
    cls_loss = cls_loss.reshape(())
    m3_sum = fl_sum.reshape(())
    reg_loss = (jnp.sum(partials) + tail_sum.reshape(())) / (m3_sum * 3.0)
    loss = 0.5 * cls_loss + 0.5 * reg_loss
    return (loss, cls_loss, reg_loss)

# --- scband reference (transcript-rebuilt; emitter-appended) ---
"""Pipeline reference for scband-entire-reg-loss-function-9577777070117 (READ-ONLY COPY).

The authoritative reference and input builder live on the scoring server;
editing this copy changes nothing except your own understanding.
"""

import jax, jax.numpy as jnp
import numpy as np

B, S = 1024, 2048


def setup_inputs(seed: int = 0) -> dict:
    key = jax.random.key(seed)
    k1, k2, k3, k4 = jax.random.split(key, 4)
    # fixation_len in [1, S-2] so that index fixation_len and mask prefix fixation_len+1 are valid
    fixation_len = jax.random.randint(k1, (B,), 1, S - 1)
    reg_out = jax.random.normal(k2, (B, S, 3), dtype=jnp.float32)
    cls_out = jax.random.normal(k3, (B, S, 1), dtype=jnp.float32)
    tgt = jax.random.normal(k4, (B, S - 1, 3), dtype=jnp.float32)
    pos = jnp.arange(S)
    # prefix attention mask consistent with fixation_len: True at positions 0..fixation_len[b]
    tgt_mask = pos[None, :] <= fixation_len[:, None]
    return {"reg_out": reg_out, "cls_out": cls_out, "tgt": tgt,
            "tgt_mask": tgt_mask, "fixation_len": fixation_len}


def _bce_with_logits(x, t):
    # numerically stable elementwise binary_cross_entropy_with_logits (reduction handled by caller)
    return jnp.maximum(x, 0.0) - x * t + jnp.log1p(jnp.exp(-jnp.abs(x)))


def reference(reg_out, cls_out, tgt, tgt_mask, fixation_len):
    cls_weight = 0.5
    Bv, Sv, _ = cls_out.shape
    pos = jnp.arange(Sv)
    fl = fixation_len.astype(jnp.float32)
    # create_weights: weights[b, t] = 1/fixation_len[b] for t in [0, fixation_len[b]-1], else 1.0
    # (equivalent to weights[:, :-1][attn_mask[:, 1:]] = repeat_interleave(1/fixation_len, fixation_len))
    weights = jnp.where(pos[None, :] < fixation_len[:, None], 1.0 / fl[:, None], 1.0)[:, :, None]
    # create_cls_targets: one-hot at fixation_len
    cls_targets = jax.nn.one_hot(fixation_len, Sv, dtype=jnp.float32)[:, :, None]
    m = tgt_mask.astype(jnp.float32)[:, :, None]
    # cls loss: weighted BCE-with-logits, mean over masked elements (last dim of cls_out is 1)
    elem = _bce_with_logits(cls_out, cls_targets) * weights
    cls_loss = jnp.sum(elem * m) / jnp.sum(m)
    # reg loss: MSE over masked (shifted) positions, broadcast over 3 channels
    m3 = tgt_mask[:, 1:].astype(jnp.float32)[:, :, None]
    diff = reg_out[:, :-1, :] - tgt
    reg_loss = jnp.sum(diff * diff * m3) / (jnp.sum(m3) * 3.0)
    loss = cls_weight * cls_loss + (1.0 - cls_weight) * reg_loss
    return (loss, cls_loss, reg_loss)

if __name__ == "__main__":
    import jax
    _d = setup_inputs()
    print(jax.jit(kernel)(*tuple(_d.values())))

</pallas_src>

<mosaic_0001>
#map = affine_map<(d0, d1) -> (0, 0, 0)>
#map1 = affine_map<(d0, d1) -> (0)>
module attributes {stable_mosaic.version = 14 : i64} {
  func.func @_sc_body(%arg0: i32, %arg1: i32, %arg2: memref<3x1024x2048xf32, #tpu.memory_space<hbm>>, %arg3: memref<3x1024x2047xf32, #tpu.memory_space<hbm>>, %arg4: memref<1024xi32, #tpu.memory_space<hbm>>, %arg5: memref<512xf32, #tpu.memory_space<hbm>>, %arg6: memref<32xi32, #tpu.memory_space<vmem>>, %arg7: memref<3x1920xf32, #tpu.memory_space<vmem>>, %arg8: memref<3x1920xf32, #tpu.memory_space<vmem>>, %arg9: memref<3x1920xf32, #tpu.memory_space<vmem>>, %arg10: memref<3x1920xf32, #tpu.memory_space<vmem>>, %arg11: memref<16xf32, #tpu.memory_space<vmem>>, %arg12: memref<!tpu.dma_semaphore, #tpu.memory_space<semaphore_mem>>, %arg13: memref<!tpu.dma_semaphore, #tpu.memory_space<semaphore_mem>>, %arg14: memref<!tpu.dma_semaphore, #tpu.memory_space<semaphore_mem>>) attributes {dimension_semantics = [#tpu.dimension_semantics<core_parallel>, #tpu.dimension_semantics<subcore_parallel>], iteration_bounds = array<i64: 2, 16>, scalar_prefetch = 0 : i64, scratch_operands = 9 : i64, tpu.core_type = #tpu.core_type<sc_vector_subcore>, window_params = [{transform_indices = #map}, {transform_indices = #map}, {transform_indices = #map1}, {transform_indices = #map1}]} {
    %mul3A = arith.constant 2 : i32
    %mul3A_0 = arith.muli %arg1, %mul3A : i32
    %add3A = arith.addi %mul3A_0, %arg0 : i32
    %mul3A_1 = arith.constant 32 : i32
    %mul3A_2 = arith.muli %add3A, %mul3A_1 : i32
    "tpu.region"() ({
      %run_scoped3A = tpu.sem_alloc : memref<!tpu.dma_semaphore, #tpu.memory_space<semaphore_mem>>
      %dma_start3A_85 = tpu.memref_slice %arg4[%mul3A_2] : memref<1024xi32, #tpu.memory_space<hbm>> -> memref<32xi32, #tpu.memory_space<hbm>>
      %dma_start3A_86 = tpu.memref_slice %arg4[%mul3A_2] : memref<1024xi32, #tpu.memory_space<hbm>> -> memref<32xi32, #tpu.memory_space<hbm>>
      tpu.enqueue_dma source(%dma_start3A_86 : memref<32xi32, #tpu.memory_space<hbm>>) target(%arg6 : memref<32xi32, #tpu.memory_space<vmem>>) target_semaphore(%run_scoped3A : memref<!tpu.dma_semaphore, #tpu.memory_space<semaphore_mem>>)
      %dma_wait3A_87 = tpu.memref_slice %arg4[%mul3A_2] : memref<1024xi32, #tpu.memory_space<hbm>> -> memref<32xi32, #tpu.memory_space<hbm>>
      %dma_wait3A_88 = tpu.memref_slice %arg4[%mul3A_2] : memref<1024xi32, #tpu.memory_space<hbm>> -> memref<32xi32, #tpu.memory_space<hbm>>
      tpu.wait_dma2 semaphore(%run_scoped3A : memref<!tpu.dma_semaphore, #tpu.memory_space<semaphore_mem>>) src(%dma_wait3A_88 : memref<32xi32, #tpu.memory_space<hbm>>) dst(%arg6 : memref<32xi32, #tpu.memory_space<vmem>>)
      tpu.yield
    }) : () -> ()
    %get3A = arith.constant 0 : index
    %get3A_3 = tpu.vector_load %arg6[%get3A] {strides = array<i32>} : memref<32xi32, #tpu.memory_space<vmem>>, vector<16xi32>,
    %get3A_4 = arith.constant 16 : index
    %get3A_5 = tpu.vector_load %arg6[%get3A_4] {strides = array<i32>} : memref<32xi32, #tpu.memory_space<vmem>>, vector<16xi32>,
    %iota3A = tpu.iota {dimensions = array<i32: 0>} : vector<16xi32>
    %add3A_6 = arith.constant 0 : i32
    %add3A_7 = arith.addi %mul3A_2, %add3A_6 : i32
    %jit3A = arith.constant true
    %select_n3A = arith.select %jit3A, %get3A_3, %get3A_5 : vector<16xi32>
    %eq3A = arith.constant 0 : i32
    %eq3A_8 = vector.broadcast %eq3A : i32 to vector<16xi32>
    %eq3A_9 = arith.cmpi eq, %iota3A, %eq3A_8 : vector<16xi32>
    %jit3A_10 = arith.constant 0 : i32
    %broadcast_in_dim3A = vector.broadcast %jit3A_10 : i32 to vector<16xi32>
    %select_n3A_11 = arith.select %eq3A_9, %select_n3A, %broadcast_in_dim3A : vector<16xi1>, vector<16xi32>
    %reduce_sum3A = arith.constant true
    %reduce_sum3A_12 = vector.broadcast %reduce_sum3A : i1 to vector<16xi1>
    %reduce_sum3A_13 = tpu.scan <sum>, %select_n3A_11 masked %reduce_sum3A_12 : vector<16xi32>, vector<16xi1> -> vector<16xi32>
    %reduce_sum3A_14 = vector.extract %reduce_sum3A_13[15] : i32 from vector<16xi32>
    %min3A = arith.constant 1920 : i32
    %min3A_15 = arith.minsi %reduce_sum3A_14, %min3A : i32
    %gt3A = arith.constant 0 : i32
    %gt3A_16 = arith.cmpi sgt, %min3A_15, %gt3A : i32
    %convert_element_type3A = arith.extui %gt3A_16 : i1 to i32
    %cond3A = arith.constant 0 : i32
    %cond3A_17 = arith.cmpi ne, %convert_element_type3A, %cond3A : i32
    scf.if %cond3A_17 {
      %dma_start3A_85 = arith.constant 0 : i32
      %dma_start3A_86 = arith.constant 0 : i32
      %dma_start3A_87 = tpu.memref_slice %arg7[%dma_start3A_85, %dma_start3A_86] : memref<3x1920xf32, #tpu.memory_space<vmem>> -> memref<3x512xf32, #tpu.memory_space<vmem>>
      %dma_start3A_88 = arith.constant 0 : i32
      %dma_start3A_89 = arith.constant 0 : i32
      %dma_start3A_90 = tpu.memref_slice %arg2[%dma_start3A_88, %add3A_7, %dma_start3A_89] : memref<3x1024x2048xf32, #tpu.memory_space<hbm>> -> memref<3x1x512xf32, #tpu.memory_space<hbm>>
      %dma_start3A_91 = tpu.memref_squeeze %dma_start3A_90 : memref<3x1x512xf32, #tpu.memory_space<hbm>> -> memref<3x512xf32, #tpu.memory_space<hbm>>
      %dma_start3A_92 = arith.constant 0 : i32
      %dma_start3A_93 = arith.constant 0 : i32
      %dma_start3A_94 = tpu.memref_slice %arg7[%dma_start3A_92, %dma_start3A_93] : memref<3x1920xf32, #tpu.memory_space<vmem>> -> memref<3x512xf32, #tpu.memory_space<vmem>>
      %dma_start3A_95 = arith.constant 0 : i32
      %dma_start3A_96 = arith.constant 0 : i32
      %dma_start3A_97 = tpu.memref_slice %arg2[%dma_start3A_95, %add3A_7, %dma_start3A_96] : memref<3x1024x2048xf32, #tpu.memory_space<hbm>> -> memref<3x1x512xf32, #tpu.memory_space<hbm>>
      %dma_start3A_98 = tpu.memref_squeeze %dma_start3A_97 : memref<3x1x512xf32, #tpu.memory_space<hbm>> -> memref<3x512xf32, #tpu.memory_space<hbm>>
      tpu.enqueue_dma source(%dma_start3A_98 : memref<3x512xf32, #tpu.memory_space<hbm>>) target(%dma_start3A_94 : memref<3x512xf32, #tpu.memory_space<vmem>>) target_semaphore(%arg12 : memref<!tpu.dma_semaphore, #tpu.memory_space<semaphore_mem>>)
    } else {
    }
    %gt3A_18 = arith.constant 0 : i32
    %gt3A_19 = arith.cmpi sgt, %min3A_15, %gt3A_18 : i32
    %convert_element_type3A_20 = arith.extui %gt3A_19 : i1 to i32
    %cond3A_21 = arith.constant 0 : i32
    %cond3A_22 = arith.cmpi ne, %convert_element_type3A_20, %cond3A_21 : i32
    scf.if %cond3A_22 {
      %dma_start3A_85 = arith.constant 0 : i32
      %dma_start3A_86 = arith.constant 0 : i32
      %dma_start3A_87 = tpu.memref_slice %arg8[%dma_start3A_85, %dma_start3A_86] : memref<3x1920xf32, #tpu.memory_space<vmem>> -> memref<3x512xf32, #tpu.memory_space<vmem>>
      %dma_start3A_88 = arith.constant 0 : i32
      %dma_start3A_89 = arith.constant 0 : i32
      %dma_start3A_90 = tpu.memref_slice %arg3[%dma_start3A_88, %add3A_7, %dma_start3A_89] : memref<3x1024x2047xf32, #tpu.memory_space<hbm>> -> memref<3x1x512xf32, #tpu.memory_space<hbm>>
      %dma_start3A_91 = tpu.memref_squeeze %dma_start3A_90 : memref<3x1x512xf32, #tpu.memory_space<hbm>> -> memref<3x512xf32, #tpu.memory_space<hbm>>
      %dma_start3A_92 = arith.constant 0 : i32
      %dma_start3A_93 = arith.constant 0 : i32
      %dma_start3A_94 = tpu.memref_slice %arg8[%dma_start3A_92, %dma_start3A_93] : memref<3x1920xf32, #tpu.memory_space<vmem>> -> memref<3x512xf32, #tpu.memory_space<vmem>>
      %dma_start3A_95 = arith.constant 0 : i32
      %dma_start3A_96 = arith.constant 0 : i32
      %dma_start3A_97 = tpu.memref_slice %arg3[%dma_start3A_95, %add3A_7, %dma_start3A_96] : memref<3x1024x2047xf32, #tpu.memory_space<hbm>> -> memref<3x1x512xf32, #tpu.memory_space<hbm>>
      %dma_start3A_98 = tpu.memref_squeeze %dma_start3A_97 : memref<3x1x512xf32, #tpu.memory_space<hbm>> -> memref<3x512xf32, #tpu.memory_space<hbm>>
      tpu.enqueue_dma source(%dma_start3A_98 : memref<3x512xf32, #tpu.memory_space<hbm>>) target(%dma_start3A_94 : memref<3x512xf32, #tpu.memory_space<vmem>>) target_semaphore(%arg12 : memref<!tpu.dma_semaphore, #tpu.memory_space<semaphore_mem>>)
    } else {
    }
    %gt3A_23 = arith.constant 512 : i32
    %gt3A_24 = arith.cmpi sgt, %min3A_15, %gt3A_23 : i32
    %convert_element_type3A_25 = arith.extui %gt3A_24 : i1 to i32
    %cond3A_26 = arith.constant 0 : i32
    %cond3A_27 = arith.cmpi ne, %convert_element_type3A_25, %cond3A_26 : i32
    scf.if %cond3A_27 {
      %dma_start3A_85 = arith.constant 0 : i32
      %dma_start3A_86 = arith.constant 512 : i32
      %dma_start3A_87 = tpu.memref_slice %arg7[%dma_start3A_85, %dma_start3A_86] : memref<3x1920xf32, #tpu.memory_space<vmem>> -> memref<3x512xf32, #tpu.memory_space<vmem>>
      %dma_start3A_88 = arith.constant 0 : i32
      %dma_start3A_89 = arith.constant 512 : i32
      %dma_start3A_90 = tpu.memref_slice %arg2[%dma_start3A_88, %add3A_7, %dma_start3A_89] : memref<3x1024x2048xf32, #tpu.memory_space<hbm>> -> memref<3x1x512xf32, #tpu.memory_space<hbm>>
      %dma_start3A_91 = tpu.memref_squeeze %dma_start3A_90 : memref<3x1x512xf32, #tpu.memory_space<hbm>> -> memref<3x512xf32, #tpu.memory_space<hbm>>
      %dma_start3A_92 = arith.constant 0 : i32
      %dma_start3A_93 = arith.constant 512 : i32
      %dma_start3A_94 = tpu.memref_slice %arg7[%dma_start3A_92, %dma_start3A_93] : memref<3x1920xf32, #tpu.memory_space<vmem>> -> memref<3x512xf32, #tpu.memory_space<vmem>>
      %dma_start3A_95 = arith.constant 0 : i32
      %dma_start3A_96 = arith.constant 512 : i32
      %dma_start3A_97 = tpu.memref_slice %arg2[%dma_start3A_95, %add3A_7, %dma_start3A_96] : memref<3x1024x2048xf32, #tpu.memory_space<hbm>> -> memref<3x1x512xf32, #tpu.memory_space<hbm>>
      %dma_start3A_98 = tpu.memref_squeeze %dma_start3A_97 : memref<3x1x512xf32, #tpu.memory_space<hbm>> -> memref<3x512xf32, #tpu.memory_space<hbm>>
      tpu.enqueue_dma source(%dma_start3A_98 : memref<3x512xf32, #tpu.memory_space<hbm>>) target(%dma_start3A_94 : memref<3x512xf32, #tpu.memory_space<vmem>>) target_semaphore(%arg12 : memref<!tpu.dma_semaphore, #tpu.memory_space<semaphore_mem>>)
    } else {
    }
    %gt3A_28 = arith.constant 512 : i32
    %gt3A_29 = arith.cmpi sgt, %min3A_15, %gt3A_28 : i32
    %convert_element_type3A_30 = arith.extui %gt3A_29 : i1 to i32
    %cond3A_31 = arith.constant 0 : i32
    %cond3A_32 = arith.cmpi ne, %convert_element_type3A_30, %cond3A_31 : i32
    scf.if %cond3A_32 {
      %dma_start3A_85 = arith.constant 0 : i32
      %dma_start3A_86 = arith.constant 512 : i32
      %dma_start3A_87 = tpu.memref_slice %arg8[%dma_start3A_85, %dma_start3A_86] : memref<3x1920xf32, #tpu.memory_space<vmem>> -> memref<3x512xf32, #tpu.memory_space<vmem>>
      %dma_start3A_88 = arith.constant 0 : i32
      %dma_start3A_89 = arith.constant 512 : i32
      %dma_start3A_90 = tpu.memref_slice %arg3[%dma_start3A_88, %add3A_7, %dma_start3A_89] : memref<3x1024x2047xf32, #tpu.memory_space<hbm>> -> memref<3x1x512xf32, #tpu.memory_space<hbm>>
      %dma_start3A_91 = tpu.memref_squeeze %dma_start3A_90 : memref<3x1x512xf32, #tpu.memory_space<hbm>> -> memref<3x512xf32, #tpu.memory_space<hbm>>
      %dma_start3A_92 = arith.constant 0 : i32
      %dma_start3A_93 = arith.constant 512 : i32
      %dma_start3A_94 = tpu.memref_slice %arg8[%dma_start3A_92, %dma_start3A_93] : memref<3x1920xf32, #tpu.memory_space<vmem>> -> memref<3x512xf32, #tpu.memory_space<vmem>>
      %dma_start3A_95 = arith.constant 0 : i32
      %dma_start3A_96 = arith.constant 512 : i32
      %dma_start3A_97 = tpu.memref_slice %arg3[%dma_start3A_95, %add3A_7, %dma_start3A_96] : memref<3x1024x2047xf32, #tpu.memory_space<hbm>> -> memref<3x1x512xf32, #tpu.memory_space<hbm>>
      %dma_start3A_98 = tpu.memref_squeeze %dma_start3A_97 : memref<3x1x512xf32, #tpu.memory_space<hbm>> -> memref<3x512xf32, #tpu.memory_space<hbm>>
      tpu.enqueue_dma source(%dma_start3A_98 : memref<3x512xf32, #tpu.memory_space<hbm>>) target(%dma_start3A_94 : memref<3x512xf32, #tpu.memory_space<vmem>>) target_semaphore(%arg12 : memref<!tpu.dma_semaphore, #tpu.memory_space<semaphore_mem>>)
    } else {
    }
    %gt3A_33 = arith.constant 1024 : i32
    %gt3A_34 = arith.cmpi sgt, %min3A_15, %gt3A_33 : i32
    %convert_element_type3A_35 = arith.extui %gt3A_34 : i1 to i32
    %cond3A_36 = arith.constant 0 : i32
    %cond3A_37 = arith.cmpi ne, %convert_element_type3A_35, %cond3A_36 : i32
    scf.if %cond3A_37 {
      %dma_start3A_85 = arith.constant 0 : i32
      %dma_start3A_86 = arith.constant 1024 : i32
      %dma_start3A_87 = tpu.memref_slice %arg7[%dma_start3A_85, %dma_start3A_86] : memref<3x1920xf32, #tpu.memory_space<vmem>> -> memref<3x512xf32, #tpu.memory_space<vmem>>
      %dma_start3A_88 = arith.constant 0 : i32
      %dma_start3A_89 = arith.constant 1024 : i32
      %dma_start3A_90 = tpu.memref_slice %arg2[%dma_start3A_88, %add3A_7, %dma_start3A_89] : memref<3x1024x2048xf32, #tpu.memory_space<hbm>> -> memref<3x1x512xf32, #tpu.memory_space<hbm>>
      %dma_start3A_91 = tpu.memref_squeeze %dma_start3A_90 : memref<3x1x512xf32, #tpu.memory_space<hbm>> -> memref<3x512xf32, #tpu.memory_space<hbm>>
      %dma_start3A_92 = arith.constant 0 : i32
      %dma_start3A_93 = arith.constant 1024 : i32
      %dma_start3A_94 = tpu.memref_slice %arg7[%dma_start3A_92, %dma_start3A_93] : memref<3x1920xf32, #tpu.memory_space<vmem>> -> memref<3x512xf32, #tpu.memory_space<vmem>>
      %dma_start3A_95 = arith.constant 0 : i32
      %dma_start3A_96 = arith.constant 1024 : i32
      %dma_start3A_97 = tpu.memref_slice %arg2[%dma_start3A_95, %add3A_7, %dma_start3A_96] : memref<3x1024x2048xf32, #tpu.memory_space<hbm>> -> memref<3x1x512xf32, #tpu.memory_space<hbm>>
      %dma_start3A_98 = tpu.memref_squeeze %dma_start3A_97 : memref<3x1x512xf32, #tpu.memory_space<hbm>> -> memref<3x512xf32, #tpu.memory_space<hbm>>
      tpu.enqueue_dma source(%dma_start3A_98 : memref<3x512xf32, #tpu.memory_space<hbm>>) target(%dma_start3A_94 : memref<3x512xf32, #tpu.memory_space<vmem>>) target_semaphore(%arg12 : memref<!tpu.dma_semaphore, #tpu.memory_space<semaphore_mem>>)
    } else {
    }
    %gt3A_38 = arith.constant 1024 : i32
    %gt3A_39 = arith.cmpi sgt, %min3A_15, %gt3A_38 : i32
    %convert_element_type3A_40 = arith.extui %gt3A_39 : i1 to i32
    %cond3A_41 = arith.constant 0 : i32
    %cond3A_42 = arith.cmpi ne, %convert_element_type3A_40, %cond3A_41 : i32
    scf.if %cond3A_42 {
      %dma_start3A_85 = arith.constant 0 : i32
      %dma_start3A_86 = arith.constant 1024 : i32
      %dma_start3A_87 = tpu.memref_slice %arg8[%dma_start3A_85, %dma_start3A_86] : memref<3x1920xf32, #tpu.memory_space<vmem>> -> memref<3x512xf32, #tpu.memory_space<vmem>>
      %dma_start3A_88 = arith.constant 0 : i32
      %dma_start3A_89 = arith.constant 1024 : i32
      %dma_start3A_90 = tpu.memref_slice %arg3[%dma_start3A_88, %add3A_7, %dma_start3A_89] : memref<3x1024x2047xf32, #tpu.memory_space<hbm>> -> memref<3x1x512xf32, #tpu.memory_space<hbm>>
      %dma_start3A_91 = tpu.memref_squeeze %dma_start3A_90 : memref<3x1x512xf32, #tpu.memory_space<hbm>> -> memref<3x512xf32, #tpu.memory_space<hbm>>
      %dma_start3A_92 = arith.constant 0 : i32
      %dma_start3A_93 = arith.constant 1024 : i32
      %dma_start3A_94 = tpu.memref_slice %arg8[%dma_start3A_92, %dma_start3A_93] : memref<3x1920xf32, #tpu.memory_space<vmem>> -> memref<3x512xf32, #tpu.memory_space<vmem>>
      %dma_start3A_95 = arith.constant 0 : i32
      %dma_start3A_96 = arith.constant 1024 : i32
      %dma_start3A_97 = tpu.memref_slice %arg3[%dma_start3A_95, %add3A_7, %dma_start3A_96] : memref<3x1024x2047xf32, #tpu.memory_space<hbm>> -> memref<3x1x512xf32, #tpu.memory_space<hbm>>
      %dma_start3A_98 = tpu.memref_squeeze %dma_start3A_97 : memref<3x1x512xf32, #tpu.memory_space<hbm>> -> memref<3x512xf32, #tpu.memory_space<hbm>>
      tpu.enqueue_dma source(%dma_start3A_98 : memref<3x512xf32, #tpu.memory_space<hbm>>) target(%dma_start3A_94 : memref<3x512xf32, #tpu.memory_space<vmem>>) target_semaphore(%arg12 : memref<!tpu.dma_semaphore, #tpu.memory_space<semaphore_mem>>)
    } else {
    }
    %gt3A_43 = arith.constant 1536 : i32
    %gt3A_44 = arith.cmpi sgt, %min3A_15, %gt3A_43 : i32
    %convert_element_type3A_45 = arith.extui %gt3A_44 : i1 to i32
    %cond3A_46 = arith.constant 0 : i32
    %cond3A_47 = arith.cmpi ne, %convert_element_type3A_45, %cond3A_46 : i32
    scf.if %cond3A_47 {
      %dma_start3A_85 = arith.constant 0 : i32
      %dma_start3A_86 = arith.constant 1536 : i32
      %dma_start3A_87 = tpu.memref_slice %arg7[%dma_start3A_85, %dma_start3A_86] : memref<3x1920xf32, #tpu.memory_space<vmem>> -> memref<3x128xf32, #tpu.memory_space<vmem>>
      %dma_start3A_88 = arith.constant 0 : i32
      %dma_start3A_89 = arith.constant 1536 : i32
      %dma_start3A_90 = tpu.memref_slice %arg2[%dma_start3A_88, %add3A_7, %dma_start3A_89] : memref<3x1024x2048xf32, #tpu.memory_space<hbm>> -> memref<3x1x128xf32, #tpu.memory_space<hbm>>
      %dma_start3A_91 = tpu.memref_squeeze %dma_start3A_90 : memref<3x1x128xf32, #tpu.memory_space<hbm>> -> memref<3x128xf32, #tpu.memory_space<hbm>>
      %dma_start3A_92 = arith.constant 0 : i32
      %dma_start3A_93 = arith.constant 1536 : i32
      %dma_start3A_94 = tpu.memref_slice %arg7[%dma_start3A_92, %dma_start3A_93] : memref<3x1920xf32, #tpu.memory_space<vmem>> -> memref<3x128xf32, #tpu.memory_space<vmem>>
      %dma_start3A_95 = arith.constant 0 : i32
      %dma_start3A_96 = arith.constant 1536 : i32
      %dma_start3A_97 = tpu.memref_slice %arg2[%dma_start3A_95, %add3A_7, %dma_start3A_96] : memref<3x1024x2048xf32, #tpu.memory_space<hbm>> -> memref<3x1x128xf32, #tpu.memory_space<hbm>>
      %dma_start3A_98 = tpu.memref_squeeze %dma_start3A_97 : memref<3x1x128xf32, #tpu.memory_space<hbm>> -> memref<3x128xf32, #tpu.memory_space<hbm>>
      tpu.enqueue_dma source(%dma_start3A_98 : memref<3x128xf32, #tpu.memory_space<hbm>>) target(%dma_start3A_94 : memref<3x128xf32, #tpu.memory_space<vmem>>) target_semaphore(%arg12 : memref<!tpu.dma_semaphore, #tpu.memory_space<semaphore_mem>>)
    } else {
    }
    %gt3A_48 = arith.constant 1536 : i32
    %gt3A_49 = arith.cmpi sgt, %min3A_15, %gt3A_48 : i32
    %convert_element_type3A_50 = arith.extui %gt3A_49 : i1 to i32
    %cond3A_51 = arith.constant 0 : i32
    %cond3A_52 = arith.cmpi ne, %convert_element_type3A_50, %cond3A_51 : i32
    scf.if %cond3A_52 {
      %dma_start3A_85 = arith.constant 0 : i32
      %dma_start3A_86 = arith.constant 1536 : i32
      %dma_start3A_87 = tpu.memref_slice %arg8[%dma_start3A_85, %dma_start3A_86] : memref<3x1920xf32, #tpu.memory_space<vmem>> -> memref<3x128xf32, #tpu.memory_space<vmem>>
      %dma_start3A_88 = arith.constant 0 : i32
      %dma_start3A_89 = arith.constant 1536 : i32
      %dma_start3A_90 = tpu.memref_slice %arg3[%dma_start3A_88, %add3A_7, %dma_start3A_89] : memref<3x1024x2047xf32, #tpu.memory_space<hbm>> -> memref<3x1x128xf32, #tpu.memory_space<hbm>>
      %dma_start3A_91 = tpu.memref_squeeze %dma_start3A_90 : memref<3x1x128xf32, #tpu.memory_space<hbm>> -> memref<3x128xf32, #tpu.memory_space<hbm>>
      %dma_start3A_92 = arith.constant 0 : i32
      %dma_start3A_93 = arith.constant 1536 : i32
      %dma_start3A_94 = tpu.memref_slice %arg8[%dma_start3A_92, %dma_start3A_93] : memref<3x1920xf32, #tpu.memory_space<vmem>> -> memref<3x128xf32, #tpu.memory_space<vmem>>
      %dma_start3A_95 = arith.constant 0 : i32
      %dma_start3A_96 = arith.constant 1536 : i32
      %dma_start3A_97 = tpu.memref_slice %arg3[%dma_start3A_95, %add3A_7, %dma_start3A_96] : memref<3x1024x2047xf32, #tpu.memory_space<hbm>> -> memref<3x1x128xf32, #tpu.memory_space<hbm>>
      %dma_start3A_98 = tpu.memref_squeeze %dma_start3A_97 : memref<3x1x128xf32, #tpu.memory_space<hbm>> -> memref<3x128xf32, #tpu.memory_space<hbm>>
      tpu.enqueue_dma source(%dma_start3A_98 : memref<3x128xf32, #tpu.memory_space<hbm>>) target(%dma_start3A_94 : memref<3x128xf32, #tpu.memory_space<vmem>>) target_semaphore(%arg12 : memref<!tpu.dma_semaphore, #tpu.memory_space<semaphore_mem>>)
    } else {
    }
    %gt3A_53 = arith.constant 1664 : i32
    %gt3A_54 = arith.cmpi sgt, %min3A_15, %gt3A_53 : i32
    %convert_element_type3A_55 = arith.extui %gt3A_54 : i1 to i32
    %cond3A_56 = arith.constant 0 : i32
    %cond3A_57 = arith.cmpi ne, %convert_element_type3A_55, %cond3A_56 : i32
    scf.if %cond3A_57 {
      %dma_start3A_85 = arith.constant 0 : i32
      %dma_start3A_86 = arith.constant 1664 : i32
      %dma_start3A_87 = tpu.memref_slice %arg7[%dma_start3A_85, %dma_start3A_86] : memref<3x1920xf32, #tpu.memory_space<vmem>> -> memref<3x128xf32, #tpu.memory_space<vmem>>
      %dma_start3A_88 = arith.constant 0 : i32
      %dma_start3A_89 = arith.constant 1664 : i32
      %dma_start3A_90 = tpu.memref_slice %arg2[%dma_start3A_88, %add3A_7, %dma_start3A_89] : memref<3x1024x2048xf32, #tpu.memory_space<hbm>> -> memref<3x1x128xf32, #tpu.memory_space<hbm>>
      %dma_start3A_91 = tpu.memref_squeeze %dma_start3A_90 : memref<3x1x128xf32, #tpu.memory_space<hbm>> -> memref<3x128xf32, #tpu.memory_space<hbm>>
      %dma_start3A_92 = arith.constant 0 : i32
      %dma_start3A_93 = arith.constant 1664 : i32
      %dma_start3A_94 = tpu.memref_slice %arg7[%dma_start3A_92, %dma_start3A_93] : memref<3x1920xf32, #tpu.memory_space<vmem>> -> memref<3x128xf32, #tpu.memory_space<vmem>>
      %dma_start3A_95 = arith.constant 0 : i32
      %dma_start3A_96 = arith.constant 1664 : i32
      %dma_start3A_97 = tpu.memref_slice %arg2[%dma_start3A_95, %add3A_7, %dma_start3A_96] : memref<3x1024x2048xf32, #tpu.memory_space<hbm>> -> memref<3x1x128xf32, #tpu.memory_space<hbm>>
      %dma_start3A_98 = tpu.memref_squeeze %dma_start3A_97 : memref<3x1x128xf32, #tpu.memory_space<hbm>> -> memref<3x128xf32, #tpu.memory_space<hbm>>
      tpu.enqueue_dma source(%dma_start3A_98 : memref<3x128xf32, #tpu.memory_space<hbm>>) target(%dma_start3A_94 : memref<3x128xf32, #tpu.memory_space<vmem>>) target_semaphore(%arg12 : memref<!tpu.dma_semaphore, #tpu.memory_space<semaphore_mem>>)
    } else {
    }
    %gt3A_58 = arith.constant 1664 : i32
    %gt3A_59 = arith.cmpi sgt, %min3A_15, %gt3A_58 : i32
    %convert_element_type3A_60 = arith.extui %gt3A_59 : i1 to i32
    %cond3A_61 = arith.constant 0 : i32
    %cond3A_62 = arith.cmpi ne, %convert_element_type3A_60, %cond3A_61 : i32
    scf.if %cond3A_62 {
      %dma_start3A_85 = arith.constant 0 : i32
      %dma_start3A_86 = arith.constant 1664 : i32
      %dma_start3A_87 = tpu.memref_slice %arg8[%dma_start3A_85, %dma_start3A_86] : memref<3x1920xf32, #tpu.memory_space<vmem>> -> memref<3x128xf32, #tpu.memory_space<vmem>>
      %dma_start3A_88 = arith.constant 0 : i32
      %dma_start3A_89 = arith.constant 1664 : i32
      %dma_start3A_90 = tpu.memref_slice %arg3[%dma_start3A_88, %add3A_7, %dma_start3A_89] : memref<3x1024x2047xf32, #tpu.memory_space<hbm>> -> memref<3x1x128xf32, #tpu.memory_space<hbm>>
      %dma_start3A_91 = tpu.memref_squeeze %dma_start3A_90 : memref<3x1x128xf32, #tpu.memory_space<hbm>> -> memref<3x128xf32, #tpu.memory_space<hbm>>
      %dma_start3A_92 = arith.constant 0 : i32
      %dma_start3A_93 = arith.constant 1664 : i32
      %dma_start3A_94 = tpu.memref_slice %arg8[%dma_start3A_92, %dma_start3A_93] : memref<3x1920xf32, #tpu.memory_space<vmem>> -> memref<3x128xf32, #tpu.memory_space<vmem>>
      %dma_start3A_95 = arith.constant 0 : i32
      %dma_start3A_96 = arith.constant 1664 : i32
      %dma_start3A_97 = tpu.memref_slice %arg3[%dma_start3A_95, %add3A_7, %dma_start3A_96] : memref<3x1024x2047xf32, #tpu.memory_space<hbm>> -> memref<3x1x128xf32, #tpu.memory_space<hbm>>
      %dma_start3A_98 = tpu.memref_squeeze %dma_start3A_97 : memref<3x1x128xf32, #tpu.memory_space<hbm>> -> memref<3x128xf32, #tpu.memory_space<hbm>>
      tpu.enqueue_dma source(%dma_start3A_98 : memref<3x128xf32, #tpu.memory_space<hbm>>) target(%dma_start3A_94 : memref<3x128xf32, #tpu.memory_space<vmem>>) target_semaphore(%arg12 : memref<!tpu.dma_semaphore, #tpu.memory_space<semaphore_mem>>)
    } else {
    }
    %gt3A_63 = arith.constant 1792 : i32
    %gt3A_64 = arith.cmpi sgt, %min3A_15, %gt3A_63 : i32
    %convert_element_type3A_65 = arith.extui %gt3A_64 : i1 to i32
    %cond3A_66 = arith.constant 0 : i32
    %cond3A_67 = arith.cmpi ne, %convert_element_type3A_65, %cond3A_66 : i32
    scf.if %cond3A_67 {
      %dma_start3A_85 = arith.constant 0 : i32
      %dma_start3A_86 = arith.constant 1792 : i32
      %dma_start3A_87 = tpu.memref_slice %arg7[%dma_start3A_85, %dma_start3A_86] : memref<3x1920xf32, #tpu.memory_space<vmem>> -> memref<3x128xf32, #tpu.memory_space<vmem>>
      %dma_start3A_88 = arith.constant 0 : i32
      %dma_start3A_89 = arith.constant 1792 : i32
      %dma_start3A_90 = tpu.memref_slice %arg2[%dma_start3A_88, %add3A_7, %dma_start3A_89] : memref<3x1024x2048xf32, #tpu.memory_space<hbm>> -> memref<3x1x128xf32, #tpu.memory_space<hbm>>
      %dma_start3A_91 = tpu.memref_squeeze %dma_start3A_90 : memref<3x1x128xf32, #tpu.memory_space<hbm>> -> memref<3x128xf32, #tpu.memory_space<hbm>>
      %dma_start3A_92 = arith.constant 0 : i32
      %dma_start3A_93 = arith.constant 1792 : i32
      %dma_start3A_94 = tpu.memref_slice %arg7[%dma_start3A_92, %dma_start3A_93] : memref<3x1920xf32, #tpu.memory_space<vmem>> -> memref<3x128xf32, #tpu.memory_space<vmem>>
      %dma_start3A_95 = arith.constant 0 : i32
      %dma_start3A_96 = arith.constant 1792 : i32
      %dma_start3A_97 = tpu.memref_slice %arg2[%dma_start3A_95, %add3A_7, %dma_start3A_96] : memref<3x1024x2048xf32, #tpu.memory_space<hbm>> -> memref<3x1x128xf32, #tpu.memory_space<hbm>>
      %dma_start3A_98 = tpu.memref_squeeze %dma_start3A_97 : memref<3x1x128xf32, #tpu.memory_space<hbm>> -> memref<3x128xf32, #tpu.memory_space<hbm>>
      tpu.enqueue_dma source(%dma_start3A_98 : memref<3x128xf32, #tpu.memory_space<hbm>>) target(%dma_start3A_94 : memref<3x128xf32, #tpu.memory_space<vmem>>) target_semaphore(%arg12 : memref<!tpu.dma_semaphore, #tpu.memory_space<semaphore_mem>>)
    } else {
    }
    %gt3A_68 = arith.constant 1792 : i32
    %gt3A_69 = arith.cmpi sgt, %min3A_15, %gt3A_68 : i32
    %convert_element_type3A_70 = arith.extui %gt3A_69 : i1 to i32
    %cond3A_71 = arith.constant 0 : i32
    %cond3A_72 = arith.cmpi ne, %convert_element_type3A_70, %cond3A_71 : i32
    scf.if %cond3A_72 {
      %dma_start3A_85 = arith.constant 0 : i32
      %dma_start3A_86 = arith.constant 1792 : i32
      %dma_start3A_87 = tpu.memref_slice %arg8[%dma_start3A_85, %dma_start3A_86] : memref<3x1920xf32, #tpu.memory_space<vmem>> -> memref<3x128xf32, #tpu.memory_space<vmem>>
      %dma_start3A_88 = arith.constant 0 : i32
      %dma_start3A_89 = arith.constant 1792 : i32
      %dma_start3A_90 = tpu.memref_slice %arg3[%dma_start3A_88, %add3A_7, %dma_start3A_89] : memref<3x1024x2047xf32, #tpu.memory_space<hbm>> -> memref<3x1x128xf32, #tpu.memory_space<hbm>>
      %dma_start3A_91 = tpu.memref_squeeze %dma_start3A_90 : memref<3x1x128xf32, #tpu.memory_space<hbm>> -> memref<3x128xf32, #tpu.memory_space<hbm>>
      %dma_start3A_92 = arith.constant 0 : i32
      %dma_start3A_93 = arith.constant 1792 : i32
      %dma_start3A_94 = tpu.memref_slice %arg8[%dma_start3A_92, %dma_start3A_93] : memref<3x1920xf32, #tpu.memory_space<vmem>> -> memref<3x128xf32, #tpu.memory_space<vmem>>
      %dma_start3A_95 = arith.constant 0 : i32
      %dma_start3A_96 = arith.constant 1792 : i32
      %dma_start3A_97 = tpu.memref_slice %arg3[%dma_start3A_95, %add3A_7, %dma_start3A_96] : memref<3x1024x2047xf32, #tpu.memory_space<hbm>> -> memref<3x1x128xf32, #tpu.memory_space<hbm>>
      %dma_start3A_98 = tpu.memref_squeeze %dma_start3A_97 : memref<3x1x128xf32, #tpu.memory_space<hbm>> -> memref<3x128xf32, #tpu.memory_space<hbm>>
      tpu.enqueue_dma source(%dma_start3A_98 : memref<3x128xf32, #tpu.memory_space<hbm>>) target(%dma_start3A_94 : memref<3x128xf32, #tpu.memory_space<vmem>>) target_semaphore(%arg12 : memref<!tpu.dma_semaphore, #tpu.memory_space<semaphore_mem>>)
    } else {
    }
    %broadcast_in_dim3A_73 = arith.constant 0.000000e+00 : f32
    %broadcast_in_dim3A_74 = vector.broadcast %broadcast_in_dim3A_73 : f32 to vector<16xf32>
    %scan3A = arith.constant 0 : i32
    %scan3A_75 = arith.constant 16 : i32
    %scan3A_76 = arith.addi %scan3A, %scan3A_75 : i32
    %scan3A_77 = arith.constant 1 : i32
    %scan3A_78 = scf.for %scan3A_85 = %scan3A to %scan3A_76 step %scan3A_77 iter_args(%scan3A_86 = %broadcast_in_dim3A_74) -> (vector<16xf32>)  : i32 {
      %mul3A_87 = arith.constant 2 : i32
      %mul3A_88 = arith.muli %mul3A_87, %scan3A_85 : i32
      %add3A_89 = arith.constant 1 : i32
      %add3A_90 = arith.addi %mul3A_88, %add3A_89 : i32
      %add3A_91 = arith.addi %mul3A_2, %add3A_90 : i32
      %lt3A = arith.constant 16 : i32
      %lt3A_92 = arith.cmpi slt, %add3A_90, %lt3A : i32
      %select_n3A_93 = arith.select %lt3A_92, %get3A_3, %get3A_5 : vector<16xi32>
      %jit3A_94 = arith.constant 16 : i32
      %eq3A_95 = arith.constant 0 : i32
      %eq3A_96 = arith.cmpi eq, %jit3A_94, %eq3A_95 : i32
      %jit3A_97 = arith.constant 1 : i32
      %select_n3A_98 = arith.select %eq3A_96, %jit3A_97, %jit3A_94 : i32
      %rem3A = arith.remsi %add3A_90, %select_n3A_98 : i32
      %ne3A = arith.constant 0 : i32
      %ne3A_99 = arith.cmpi ne, %rem3A, %ne3A : i32
      %lt3A_100 = arith.constant 0 : i32
      %lt3A_101 = arith.cmpi slt, %rem3A, %lt3A_100 : i32
      %lt3A_102 = arith.constant 0 : i32
      %lt3A_103 = arith.cmpi slt, %select_n3A_98, %lt3A_102 : i32
      %ne3A_104 = arith.xori %lt3A_101, %lt3A_103 : i1
      %and3A = arith.andi %ne3A_104, %ne3A_99 : i1
      %add3A_105 = arith.addi %rem3A, %select_n3A_98 : i32
      %select_n3A_106 = arith.select %and3A, %add3A_105, %rem3A : i32
      %eq3A_107 = vector.broadcast %select_n3A_106 : i32 to vector<16xi32>
      %eq3A_108 = arith.cmpi eq, %iota3A, %eq3A_107 : vector<16xi32>
      %jit3A_109 = arith.constant 0 : i32
      %broadcast_in_dim3A_110 = vector.broadcast %jit3A_109 : i32 to vector<16xi32>
      %select_n3A_111 = arith.select %eq3A_108, %select_n3A_93, %broadcast_in_dim3A_110 : vector<16xi1>, vector<16xi32>
      %reduce_sum3A_112 = arith.constant true
      %reduce_sum3A_113 = vector.broadcast %reduce_sum3A_112 : i1 to vector<16xi1>
      %reduce_sum3A_114 = tpu.scan <sum>, %select_n3A_111 masked %reduce_sum3A_113 : vector<16xi32>, vector<16xi1> -> vector<16xi32>
      %reduce_sum3A_115 = vector.extract %reduce_sum3A_114[15] : i32 from vector<16xi32>
      %min3A_116 = arith.constant 1920 : i32
      %min3A_117 = arith.minsi %reduce_sum3A_115, %min3A_116 : i32
      %gt3A_118 = arith.constant 0 : i32
      %gt3A_119 = arith.cmpi sgt, %min3A_117, %gt3A_118 : i32
      %convert_element_type3A_120 = arith.extui %gt3A_119 : i1 to i32
      %cond3A_121 = arith.constant 0 : i32
      %cond3A_122 = arith.cmpi ne, %convert_element_type3A_120, %cond3A_121 : i32
      scf.if %cond3A_122 {
        %dma_start3A_505 = arith.constant 0 : i32
        %dma_start3A_506 = arith.constant 0 : i32
        %dma_start3A_507 = tpu.memref_slice %arg9[%dma_start3A_505, %dma_start3A_506] : memref<3x1920xf32, #tpu.memory_space<vmem>> -> memref<3x512xf32, #tpu.memory_space<vmem>>
        %dma_start3A_508 = arith.constant 0 : i32
        %dma_start3A_509 = arith.constant 0 : i32
        %dma_start3A_510 = tpu.memref_slice %arg2[%dma_start3A_508, %add3A_91, %dma_start3A_509] : memref<3x1024x2048xf32, #tpu.memory_space<hbm>> -> memref<3x1x512xf32, #tpu.memory_space<hbm>>
        %dma_start3A_511 = tpu.memref_squeeze %dma_start3A_510 : memref<3x1x512xf32, #tpu.memory_space<hbm>> -> memref<3x512xf32, #tpu.memory_space<hbm>>
        %dma_start3A_512 = arith.constant 0 : i32
        %dma_start3A_513 = arith.constant 0 : i32
        %dma_start3A_514 = tpu.memref_slice %arg9[%dma_start3A_512, %dma_start3A_513] : memref<3x1920xf32, #tpu.memory_space<vmem>> -> memref<3x512xf32, #tpu.memory_space<vmem>>
        %dma_start3A_515 = arith.constant 0 : i32
        %dma_start3A_516 = arith.constant 0 : i32
        %dma_start3A_517 = tpu.memref_slice %arg2[%dma_start3A_515, %add3A_91, %dma_start3A_516] : memref<3x1024x2048xf32, #tpu.memory_space<hbm>> -> memref<3x1x512xf32, #tpu.memory_space<hbm>>
        %dma_start3A_518 = tpu.memref_squeeze %dma_start3A_517 : memref<3x1x512xf32, #tpu.memory_space<hbm>> -> memref<3x512xf32, #tpu.memory_space<hbm>>
        tpu.enqueue_dma source(%dma_start3A_518 : memref<3x512xf32, #tpu.memory_space<hbm>>) target(%dma_start3A_514 : memref<3x512xf32, #tpu.memory_space<vmem>>) target_semaphore(%arg13 : memref<!tpu.dma_semaphore, #tpu.memory_space<semaphore_mem>>)
      } else {
      }
      %gt3A_123 = arith.constant 0 : i32
      %gt3A_124 = arith.cmpi sgt, %min3A_117, %gt3A_123 : i32
      %convert_element_type3A_125 = arith.extui %gt3A_124 : i1 to i32
      %cond3A_126 = arith.constant 0 : i32
      %cond3A_127 = arith.cmpi ne, %convert_element_type3A_125, %cond3A_126 : i32
      scf.if %cond3A_127 {
        %dma_start3A_505 = arith.constant 0 : i32
        %dma_start3A_506 = arith.constant 0 : i32
        %dma_start3A_507 = tpu.memref_slice %arg10[%dma_start3A_505, %dma_start3A_506] : memref<3x1920xf32, #tpu.memory_space<vmem>> -> memref<3x512xf32, #tpu.memory_space<vmem>>
        %dma_start3A_508 = arith.constant 0 : i32
        %dma_start3A_509 = arith.constant 0 : i32
        %dma_start3A_510 = tpu.memref_slice %arg3[%dma_start3A_508, %add3A_91, %dma_start3A_509] : memref<3x1024x2047xf32, #tpu.memory_space<hbm>> -> memref<3x1x512xf32, #tpu.memory_space<hbm>>
        %dma_start3A_511 = tpu.memref_squeeze %dma_start3A_510 : memref<3x1x512xf32, #tpu.memory_space<hbm>> -> memref<3x512xf32, #tpu.memory_space<hbm>>
        %dma_start3A_512 = arith.constant 0 : i32
        %dma_start3A_513 = arith.constant 0 : i32
        %dma_start3A_514 = tpu.memref_slice %arg10[%dma_start3A_512, %dma_start3A_513] : memref<3x1920xf32, #tpu.memory_space<vmem>> -> memref<3x512xf32, #tpu.memory_space<vmem>>
        %dma_start3A_515 = arith.constant 0 : i32
        %dma_start3A_516 = arith.constant 0 : i32
        %dma_start3A_517 = tpu.memref_slice %arg3[%dma_start3A_515, %add3A_91, %dma_start3A_516] : memref<3x1024x2047xf32, #tpu.memory_space<hbm>> -> memref<3x1x512xf32, #tpu.memory_space<hbm>>
        %dma_start3A_518 = tpu.memref_squeeze %dma_start3A_517 : memref<3x1x512xf32, #tpu.memory_space<hbm>> -> memref<3x512xf32, #tpu.memory_space<hbm>>
        tpu.enqueue_dma source(%dma_start3A_518 : memref<3x512xf32, #tpu.memory_space<hbm>>) target(%dma_start3A_514 : memref<3x512xf32, #tpu.memory_space<vmem>>) target_semaphore(%arg13 : memref<!tpu.dma_semaphore, #tpu.memory_space<semaphore_mem>>)
      } else {
      }
      %gt3A_128 = arith.constant 512 : i32
      %gt3A_129 = arith.cmpi sgt, %min3A_117, %gt3A_128 : i32
      %convert_element_type3A_130 = arith.extui %gt3A_129 : i1 to i32
      %cond3A_131 = arith.constant 0 : i32
      %cond3A_132 = arith.cmpi ne, %convert_element_type3A_130, %cond3A_131 : i32
      scf.if %cond3A_132 {
        %dma_start3A_505 = arith.constant 0 : i32
        %dma_start3A_506 = arith.constant 512 : i32
        %dma_start3A_507 = tpu.memref_slice %arg9[%dma_start3A_505, %dma_start3A_506] : memref<3x1920xf32, #tpu.memory_space<vmem>> -> memref<3x512xf32, #tpu.memory_space<vmem>>
        %dma_start3A_508 = arith.constant 0 : i32
        %dma_start3A_509 = arith.constant 512 : i32
        %dma_start3A_510 = tpu.memref_slice %arg2[%dma_start3A_508, %add3A_91, %dma_start3A_509] : memref<3x1024x2048xf32, #tpu.memory_space<hbm>> -> memref<3x1x512xf32, #tpu.memory_space<hbm>>
        %dma_start3A_511 = tpu.memref_squeeze %dma_start3A_510 : memref<3x1x512xf32, #tpu.memory_space<hbm>> -> memref<3x512xf32, #tpu.memory_space<hbm>>
        %dma_start3A_512 = arith.constant 0 : i32
        %dma_start3A_513 = arith.constant 512 : i32
        %dma_start3A_514 = tpu.memref_slice %arg9[%dma_start3A_512, %dma_start3A_513] : memref<3x1920xf32, #tpu.memory_space<vmem>> -> memref<3x512xf32, #tpu.memory_space<vmem>>
        %dma_start3A_515 = arith.constant 0 : i32
        %dma_start3A_516 = arith.constant 512 : i32
        %dma_start3A_517 = tpu.memref_slice %arg2[%dma_start3A_515, %add3A_91, %dma_start3A_516] : memref<3x1024x2048xf32, #tpu.memory_space<hbm>> -> memref<3x1x512xf32, #tpu.memory_space<hbm>>
        %dma_start3A_518 = tpu.memref_squeeze %dma_start3A_517 : memref<3x1x512xf32, #tpu.memory_space<hbm>> -> memref<3x512xf32, #tpu.memory_space<hbm>>
        tpu.enqueue_dma source(%dma_start3A_518 : memref<3x512xf32, #tpu.memory_space<hbm>>) target(%dma_start3A_514 : memref<3x512xf32, #tpu.memory_space<vmem>>) target_semaphore(%arg13 : memref<!tpu.dma_semaphore, #tpu.memory_space<semaphore_mem>>)
      } else {
      }
      %gt3A_133 = arith.constant 512 : i32
      %gt3A_134 = arith.cmpi sgt, %min3A_117, %gt3A_133 : i32
      %convert_element_type3A_135 = arith.extui %gt3A_134 : i1 to i32
      %cond3A_136 = arith.constant 0 : i32
      %cond3A_137 = arith.cmpi ne, %convert_element_type3A_135, %cond3A_136 : i32
      scf.if %cond3A_137 {
        %dma_start3A_505 = arith.constant 0 : i32
        %dma_start3A_506 = arith.constant 512 : i32
        %dma_start3A_507 = tpu.memref_slice %arg10[%dma_start3A_505, %dma_start3A_506] : memref<3x1920xf32, #tpu.memory_space<vmem>> -> memref<3x512xf32, #tpu.memory_space<vmem>>
        %dma_start3A_508 = arith.constant 0 : i32
        %dma_start3A_509 = arith.constant 512 : i32
        %dma_start3A_510 = tpu.memref_slice %arg3[%dma_start3A_508, %add3A_91, %dma_start3A_509] : memref<3x1024x2047xf32, #tpu.memory_space<hbm>> -> memref<3x1x512xf32, #tpu.memory_space<hbm>>
        %dma_start3A_511 = tpu.memref_squeeze %dma_start3A_510 : memref<3x1x512xf32, #tpu.memory_space<hbm>> -> memref<3x512xf32, #tpu.memory_space<hbm>>
        %dma_start3A_512 = arith.constant 0 : i32
        %dma_start3A_513 = arith.constant 512 : i32
        %dma_start3A_514 = tpu.memref_slice %arg10[%dma_start3A_512, %dma_start3A_513] : memref<3x1920xf32, #tpu.memory_space<vmem>> -> memref<3x512xf32, #tpu.memory_space<vmem>>
        %dma_start3A_515 = arith.constant 0 : i32
        %dma_start3A_516 = arith.constant 512 : i32
        %dma_start3A_517 = tpu.memref_slice %arg3[%dma_start3A_515, %add3A_91, %dma_start3A_516] : memref<3x1024x2047xf32, #tpu.memory_space<hbm>> -> memref<3x1x512xf32, #tpu.memory_space<hbm>>
        %dma_start3A_518 = tpu.memref_squeeze %dma_start3A_517 : memref<3x1x512xf32, #tpu.memory_space<hbm>> -> memref<3x512xf32, #tpu.memory_space<hbm>>
        tpu.enqueue_dma source(%dma_start3A_518 : memref<3x512xf32, #tpu.memory_space<hbm>>) target(%dma_start3A_514 : memref<3x512xf32, #tpu.memory_space<vmem>>) target_semaphore(%arg13 : memref<!tpu.dma_semaphore, #tpu.memory_space<semaphore_mem>>)
      } else {
      }
      %gt3A_138 = arith.constant 1024 : i32
      %gt3A_139 = arith.cmpi sgt, %min3A_117, %gt3A_138 : i32
      %convert_element_type3A_140 = arith.extui %gt3A_139 : i1 to i32
      %cond3A_141 = arith.constant 0 : i32
      %cond3A_142 = arith.cmpi ne, %convert_element_type3A_140, %cond3A_141 : i32
      scf.if %cond3A_142 {
        %dma_start3A_505 = arith.constant 0 : i32
        %dma_start3A_506 = arith.constant 1024 : i32
        %dma_start3A_507 = tpu.memref_slice %arg9[%dma_start3A_505, %dma_start3A_506] : memref<3x1920xf32, #tpu.memory_space<vmem>> -> memref<3x512xf32, #tpu.memory_space<vmem>>
        %dma_start3A_508 = arith.constant 0 : i32
        %dma_start3A_509 = arith.constant 1024 : i32
        %dma_start3A_510 = tpu.memref_slice %arg2[%dma_start3A_508, %add3A_91, %dma_start3A_509] : memref<3x1024x2048xf32, #tpu.memory_space<hbm>> -> memref<3x1x512xf32, #tpu.memory_space<hbm>>
        %dma_start3A_511 = tpu.memref_squeeze %dma_start3A_510 : memref<3x1x512xf32, #tpu.memory_space<hbm>> -> memref<3x512xf32, #tpu.memory_space<hbm>>
        %dma_start3A_512 = arith.constant 0 : i32
        %dma_start3A_513 = arith.constant 1024 : i32
        %dma_start3A_514 = tpu.memref_slice %arg9[%dma_start3A_512, %dma_start3A_513] : memref<3x1920xf32, #tpu.memory_space<vmem>> -> memref<3x512xf32, #tpu.memory_space<vmem>>
        %dma_start3A_515 = arith.constant 0 : i32
        %dma_start3A_516 = arith.constant 1024 : i32
        %dma_start3A_517 = tpu.memref_slice %arg2[%dma_start3A_515, %add3A_91, %dma_start3A_516] : memref<3x1024x2048xf32, #tpu.memory_space<hbm>> -> memref<3x1x512xf32, #tpu.memory_space<hbm>>
        %dma_start3A_518 = tpu.memref_squeeze %dma_start3A_517 : memref<3x1x512xf32, #tpu.memory_space<hbm>> -> memref<3x512xf32, #tpu.memory_space<hbm>>
        tpu.enqueue_dma source(%dma_start3A_518 : memref<3x512xf32, #tpu.memory_space<hbm>>) target(%dma_start3A_514 : memref<3x512xf32, #tpu.memory_space<vmem>>) target_semaphore(%arg13 : memref<!tpu.dma_semaphore, #tpu.memory_space<semaphore_mem>>)
      } else {
      }
      %gt3A_143 = arith.constant 1024 : i32
      %gt3A_144 = arith.cmpi sgt, %min3A_117, %gt3A_143 : i32
      %convert_element_type3A_145 = arith.extui %gt3A_144 : i1 to i32
      %cond3A_146 = arith.constant 0 : i32
      %cond3A_147 = arith.cmpi ne, %convert_element_type3A_145, %cond3A_146 : i32
      scf.if %cond3A_147 {
        %dma_start3A_505 = arith.constant 0 : i32
        %dma_start3A_506 = arith.constant 1024 : i32
        %dma_start3A_507 = tpu.memref_slice %arg10[%dma_start3A_505, %dma_start3A_506] : memref<3x1920xf32, #tpu.memory_space<vmem>> -> memref<3x512xf32, #tpu.memory_space<vmem>>
        %dma_start3A_508 = arith.constant 0 : i32
        %dma_start3A_509 = arith.constant 1024 : i32
        %dma_start3A_510 = tpu.memref_slice %arg3[%dma_start3A_508, %add3A_91, %dma_start3A_509] : memref<3x1024x2047xf32, #tpu.memory_space<hbm>> -> memref<3x1x512xf32, #tpu.memory_space<hbm>>
        %dma_start3A_511 = tpu.memref_squeeze %dma_start3A_510 : memref<3x1x512xf32, #tpu.memory_space<hbm>> -> memref<3x512xf32, #tpu.memory_space<hbm>>
        %dma_start3A_512 = arith.constant 0 : i32
        %dma_start3A_513 = arith.constant 1024 : i32
        %dma_start3A_514 = tpu.memref_slice %arg10[%dma_start3A_512, %dma_start3A_513] : memref<3x1920xf32, #tpu.memory_space<vmem>> -> memref<3x512xf32, #tpu.memory_space<vmem>>
        %dma_start3A_515 = arith.constant 0 : i32
        %dma_start3A_516 = arith.constant 1024 : i32
        %dma_start3A_517 = tpu.memref_slice %arg3[%dma_start3A_515, %add3A_91, %dma_start3A_516] : memref<3x1024x2047xf32, #tpu.memory_space<hbm>> -> memref<3x1x512xf32, #tpu.memory_space<hbm>>
        %dma_start3A_518 = tpu.memref_squeeze %dma_start3A_517 : memref<3x1x512xf32, #tpu.memory_space<hbm>> -> memref<3x512xf32, #tpu.memory_space<hbm>>
        tpu.enqueue_dma source(%dma_start3A_518 : memref<3x512xf32, #tpu.memory_space<hbm>>) target(%dma_start3A_514 : memref<3x512xf32, #tpu.memory_space<vmem>>) target_semaphore(%arg13 : memref<!tpu.dma_semaphore, #tpu.memory_space<semaphore_mem>>)
      } else {
      }
      %gt3A_148 = arith.constant 1536 : i32
      %gt3A_149 = arith.cmpi sgt, %min3A_117, %gt3A_148 : i32
      %convert_element_type3A_150 = arith.extui %gt3A_149 : i1 to i32
      %cond3A_151 = arith.constant 0 : i32
      %cond3A_152 = arith.cmpi ne, %convert_element_type3A_150, %cond3A_151 : i32
      scf.if %cond3A_152 {
        %dma_start3A_505 = arith.constant 0 : i32
        %dma_start3A_506 = arith.constant 1536 : i32
        %dma_start3A_507 = tpu.memref_slice %arg9[%dma_start3A_505, %dma_start3A_506] : memref<3x1920xf32, #tpu.memory_space<vmem>> -> memref<3x128xf32, #tpu.memory_space<vmem>>
        %dma_start3A_508 = arith.constant 0 : i32
        %dma_start3A_509 = arith.constant 1536 : i32
        %dma_start3A_510 = tpu.memref_slice %arg2[%dma_start3A_508, %add3A_91, %dma_start3A_509] : memref<3x1024x2048xf32, #tpu.memory_space<hbm>> -> memref<3x1x128xf32, #tpu.memory_space<hbm>>
        %dma_start3A_511 = tpu.memref_squeeze %dma_start3A_510 : memref<3x1x128xf32, #tpu.memory_space<hbm>> -> memref<3x128xf32, #tpu.memory_space<hbm>>
        %dma_start3A_512 = arith.constant 0 : i32
        %dma_start3A_513 = arith.constant 1536 : i32
        %dma_start3A_514 = tpu.memref_slice %arg9[%dma_start3A_512, %dma_start3A_513] : memref<3x1920xf32, #tpu.memory_space<vmem>> -> memref<3x128xf32, #tpu.memory_space<vmem>>
        %dma_start3A_515 = arith.constant 0 : i32
        %dma_start3A_516 = arith.constant 1536 : i32
        %dma_start3A_517 = tpu.memref_slice %arg2[%dma_start3A_515, %add3A_91, %dma_start3A_516] : memref<3x1024x2048xf32, #tpu.memory_space<hbm>> -> memref<3x1x128xf32, #tpu.memory_space<hbm>>
        %dma_start3A_518 = tpu.memref_squeeze %dma_start3A_517 : memref<3x1x128xf32, #tpu.memory_space<hbm>> -> memref<3x128xf32, #tpu.memory_space<hbm>>
        tpu.enqueue_dma source(%dma_start3A_518 : memref<3x128xf32, #tpu.memory_space<hbm>>) target(%dma_start3A_514 : memref<3x128xf32, #tpu.memory_space<vmem>>) target_semaphore(%arg13 : memref<!tpu.dma_semaphore, #tpu.memory_space<semaphore_mem>>)
      } else {
      }
      %gt3A_153 = arith.constant 1536 : i32
      %gt3A_154 = arith.cmpi sgt, %min3A_117, %gt3A_153 : i32
      %convert_element_type3A_155 = arith.extui %gt3A_154 : i1 to i32
      %cond3A_156 = arith.constant 0 : i32
      %cond3A_157 = arith.cmpi ne, %convert_element_type3A_155, %cond3A_156 : i32
      scf.if %cond3A_157 {
        %dma_start3A_505 = arith.constant 0 : i32
        %dma_start3A_506 = arith.constant 1536 : i32
        %dma_start3A_507 = tpu.memref_slice %arg10[%dma_start3A_505, %dma_start3A_506] : memref<3x1920xf32, #tpu.memory_space<vmem>> -> memref<3x128xf32, #tpu.memory_space<vmem>>
        %dma_start3A_508 = arith.constant 0 : i32
        %dma_start3A_509 = arith.constant 1536 : i32
        %dma_start3A_510 = tpu.memref_slice %arg3[%dma_start3A_508, %add3A_91, %dma_start3A_509] : memref<3x1024x2047xf32, #tpu.memory_space<hbm>> -> memref<3x1x128xf32, #tpu.memory_space<hbm>>
        %dma_start3A_511 = tpu.memref_squeeze %dma_start3A_510 : memref<3x1x128xf32, #tpu.memory_space<hbm>> -> memref<3x128xf32, #tpu.memory_space<hbm>>
        %dma_start3A_512 = arith.constant 0 : i32
        %dma_start3A_513 = arith.constant 1536 : i32
        %dma_start3A_514 = tpu.memref_slice %arg10[%dma_start3A_512, %dma_start3A_513] : memref<3x1920xf32, #tpu.memory_space<vmem>> -> memref<3x128xf32, #tpu.memory_space<vmem>>
        %dma_start3A_515 = arith.constant 0 : i32
        %dma_start3A_516 = arith.constant 1536 : i32
        %dma_start3A_517 = tpu.memref_slice %arg3[%dma_start3A_515, %add3A_91, %dma_start3A_516] : memref<3x1024x2047xf32, #tpu.memory_space<hbm>> -> memref<3x1x128xf32, #tpu.memory_space<hbm>>
        %dma_start3A_518 = tpu.memref_squeeze %dma_start3A_517 : memref<3x1x128xf32, #tpu.memory_space<hbm>> -> memref<3x128xf32, #tpu.memory_space<hbm>>
        tpu.enqueue_dma source(%dma_start3A_518 : memref<3x128xf32, #tpu.memory_space<hbm>>) target(%dma_start3A_514 : memref<3x128xf32, #tpu.memory_space<vmem>>) target_semaphore(%arg13 : memref<!tpu.dma_semaphore, #tpu.memory_space<semaphore_mem>>)
      } else {
      }
      %gt3A_158 = arith.constant 1664 : i32
      %gt3A_159 = arith.cmpi sgt, %min3A_117, %gt3A_158 : i32
      %convert_element_type3A_160 = arith.extui %gt3A_159 : i1 to i32
      %cond3A_161 = arith.constant 0 : i32
      %cond3A_162 = arith.cmpi ne, %convert_element_type3A_160, %cond3A_161 : i32
      scf.if %cond3A_162 {
        %dma_start3A_505 = arith.constant 0 : i32
        %dma_start3A_506 = arith.constant 1664 : i32
        %dma_start3A_507 = tpu.memref_slice %arg9[%dma_start3A_505, %dma_start3A_506] : memref<3x1920xf32, #tpu.memory_space<vmem>> -> memref<3x128xf32, #tpu.memory_space<vmem>>
        %dma_start3A_508 = arith.constant 0 : i32
        %dma_start3A_509 = arith.constant 1664 : i32
        %dma_start3A_510 = tpu.memref_slice %arg2[%dma_start3A_508, %add3A_91, %dma_start3A_509] : memref<3x1024x2048xf32, #tpu.memory_space<hbm>> -> memref<3x1x128xf32, #tpu.memory_space<hbm>>
        %dma_start3A_511 = tpu.memref_squeeze %dma_start3A_510 : memref<3x1x128xf32, #tpu.memory_space<hbm>> -> memref<3x128xf32, #tpu.memory_space<hbm>>
        %dma_start3A_512 = arith.constant 0 : i32
        %dma_start3A_513 = arith.constant 1664 : i32
        %dma_start3A_514 = tpu.memref_slice %arg9[%dma_start3A_512, %dma_start3A_513] : memref<3x1920xf32, #tpu.memory_space<vmem>> -> memref<3x128xf32, #tpu.memory_space<vmem>>
        %dma_start3A_515 = arith.constant 0 : i32
        %dma_start3A_516 = arith.constant 1664 : i32
        %dma_start3A_517 = tpu.memref_slice %arg2[%dma_start3A_515, %add3A_91, %dma_start3A_516] : memref<3x1024x2048xf32, #tpu.memory_space<hbm>> -> memref<3x1x128xf32, #tpu.memory_space<hbm>>
        %dma_start3A_518 = tpu.memref_squeeze %dma_start3A_517 : memref<3x1x128xf32, #tpu.memory_space<hbm>> -> memref<3x128xf32, #tpu.memory_space<hbm>>
        tpu.enqueue_dma source(%dma_start3A_518 : memref<3x128xf32, #tpu.memory_space<hbm>>) target(%dma_start3A_514 : memref<3x128xf32, #tpu.memory_space<vmem>>) target_semaphore(%arg13 : memref<!tpu.dma_semaphore, #tpu.memory_space<semaphore_mem>>)
      } else {
      }
      %gt3A_163 = arith.constant 1664 : i32
      %gt3A_164 = arith.cmpi sgt, %min3A_117, %gt3A_163 : i32
      %convert_element_type3A_165 = arith.extui %gt3A_164 : i1 to i32
      %cond3A_166 = arith.constant 0 : i32
      %cond3A_167 = arith.cmpi ne, %convert_element_type3A_165, %cond3A_166 : i32
      scf.if %cond3A_167 {
        %dma_start3A_505 = arith.constant 0 : i32
        %dma_start3A_506 = arith.constant 1664 : i32
        %dma_start3A_507 = tpu.memref_slice %arg10[%dma_start3A_505, %dma_start3A_506] : memref<3x1920xf32, #tpu.memory_space<vmem>> -> memref<3x128xf32, #tpu.memory_space<vmem>>
        %dma_start3A_508 = arith.constant 0 : i32
        %dma_start3A_509 = arith.constant 1664 : i32
        %dma_start3A_510 = tpu.memref_slice %arg3[%dma_start3A_508, %add3A_91, %dma_start3A_509] : memref<3x1024x2047xf32, #tpu.memory_space<hbm>> -> memref<3x1x128xf32, #tpu.memory_space<hbm>>
        %dma_start3A_511 = tpu.memref_squeeze %dma_start3A_510 : memref<3x1x128xf32, #tpu.memory_space<hbm>> -> memref<3x128xf32, #tpu.memory_space<hbm>>
        %dma_start3A_512 = arith.constant 0 : i32
        %dma_start3A_513 = arith.constant 1664 : i32
        %dma_start3A_514 = tpu.memref_slice %arg10[%dma_start3A_512, %dma_start3A_513] : memref<3x1920xf32, #tpu.memory_space<vmem>> -> memref<3x128xf32, #tpu.memory_space<vmem>>
        %dma_start3A_515 = arith.constant 0 : i32
        %dma_start3A_516 = arith.constant 1664 : i32
        %dma_start3A_517 = tpu.memref_slice %arg3[%dma_start3A_515, %add3A_91, %dma_start3A_516] : memref<3x1024x2047xf32, #tpu.memory_space<hbm>> -> memref<3x1x128xf32, #tpu.memory_space<hbm>>
        %dma_start3A_518 = tpu.memref_squeeze %dma_start3A_517 : memref<3x1x128xf32, #tpu.memory_space<hbm>> -> memref<3x128xf32, #tpu.memory_space<hbm>>
        tpu.enqueue_dma source(%dma_start3A_518 : memref<3x128xf32, #tpu.memory_space<hbm>>) target(%dma_start3A_514 : memref<3x128xf32, #tpu.memory_space<vmem>>) target_semaphore(%arg13 : memref<!tpu.dma_semaphore, #tpu.memory_space<semaphore_mem>>)
      } else {
      }
      %gt3A_168 = arith.constant 1792 : i32
      %gt3A_169 = arith.cmpi sgt, %min3A_117, %gt3A_168 : i32
      %convert_element_type3A_170 = arith.extui %gt3A_169 : i1 to i32
      %cond3A_171 = arith.constant 0 : i32
      %cond3A_172 = arith.cmpi ne, %convert_element_type3A_170, %cond3A_171 : i32
      scf.if %cond3A_172 {
        %dma_start3A_505 = arith.constant 0 : i32
        %dma_start3A_506 = arith.constant 1792 : i32
        %dma_start3A_507 = tpu.memref_slice %arg9[%dma_start3A_505, %dma_start3A_506] : memref<3x1920xf32, #tpu.memory_space<vmem>> -> memref<3x128xf32, #tpu.memory_space<vmem>>
        %dma_start3A_508 = arith.constant 0 : i32
        %dma_start3A_509 = arith.constant 1792 : i32
        %dma_start3A_510 = tpu.memref_slice %arg2[%dma_start3A_508, %add3A_91, %dma_start3A_509] : memref<3x1024x2048xf32, #tpu.memory_space<hbm>> -> memref<3x1x128xf32, #tpu.memory_space<hbm>>
        %dma_start3A_511 = tpu.memref_squeeze %dma_start3A_510 : memref<3x1x128xf32, #tpu.memory_space<hbm>> -> memref<3x128xf32, #tpu.memory_space<hbm>>
        %dma_start3A_512 = arith.constant 0 : i32
        %dma_start3A_513 = arith.constant 1792 : i32
        %dma_start3A_514 = tpu.memref_slice %arg9[%dma_start3A_512, %dma_start3A_513] : memref<3x1920xf32, #tpu.memory_space<vmem>> -> memref<3x128xf32, #tpu.memory_space<vmem>>
        %dma_start3A_515 = arith.constant 0 : i32
        %dma_start3A_516 = arith.constant 1792 : i32
        %dma_start3A_517 = tpu.memref_slice %arg2[%dma_start3A_515, %add3A_91, %dma_start3A_516] : memref<3x1024x2048xf32, #tpu.memory_space<hbm>> -> memref<3x1x128xf32, #tpu.memory_space<hbm>>
        %dma_start3A_518 = tpu.memref_squeeze %dma_start3A_517 : memref<3x1x128xf32, #tpu.memory_space<hbm>> -> memref<3x128xf32, #tpu.memory_space<hbm>>
        tpu.enqueue_dma source(%dma_start3A_518 : memref<3x128xf32, #tpu.memory_space<hbm>>) target(%dma_start3A_514 : memref<3x128xf32, #tpu.memory_space<vmem>>) target_semaphore(%arg13 : memref<!tpu.dma_semaphore, #tpu.memory_space<semaphore_mem>>)
      } else {
      }
      %gt3A_173 = arith.constant 1792 : i32
      %gt3A_174 = arith.cmpi sgt, %min3A_117, %gt3A_173 : i32
      %convert_element_type3A_175 = arith.extui %gt3A_174 : i1 to i32
      %cond3A_176 = arith.constant 0 : i32
      %cond3A_177 = arith.cmpi ne, %convert_element_type3A_175, %cond3A_176 : i32
      scf.if %cond3A_177 {
        %dma_start3A_505 = arith.constant 0 : i32
        %dma_start3A_506 = arith.constant 1792 : i32
        %dma_start3A_507 = tpu.memref_slice %arg10[%dma_start3A_505, %dma_start3A_506] : memref<3x1920xf32, #tpu.memory_space<vmem>> -> memref<3x128xf32, #tpu.memory_space<vmem>>
        %dma_start3A_508 = arith.constant 0 : i32
        %dma_start3A_509 = arith.constant 1792 : i32
        %dma_start3A_510 = tpu.memref_slice %arg3[%dma_start3A_508, %add3A_91, %dma_start3A_509] : memref<3x1024x2047xf32, #tpu.memory_space<hbm>> -> memref<3x1x128xf32, #tpu.memory_space<hbm>>
        %dma_start3A_511 = tpu.memref_squeeze %dma_start3A_510 : memref<3x1x128xf32, #tpu.memory_space<hbm>> -> memref<3x128xf32, #tpu.memory_space<hbm>>
        %dma_start3A_512 = arith.constant 0 : i32
        %dma_start3A_513 = arith.constant 1792 : i32
        %dma_start3A_514 = tpu.memref_slice %arg10[%dma_start3A_512, %dma_start3A_513] : memref<3x1920xf32, #tpu.memory_space<vmem>> -> memref<3x128xf32, #tpu.memory_space<vmem>>
        %dma_start3A_515 = arith.constant 0 : i32
        %dma_start3A_516 = arith.constant 1792 : i32
        %dma_start3A_517 = tpu.memref_slice %arg3[%dma_start3A_515, %add3A_91, %dma_start3A_516] : memref<3x1024x2047xf32, #tpu.memory_space<hbm>> -> memref<3x1x128xf32, #tpu.memory_space<hbm>>
        %dma_start3A_518 = tpu.memref_squeeze %dma_start3A_517 : memref<3x1x128xf32, #tpu.memory_space<hbm>> -> memref<3x128xf32, #tpu.memory_space<hbm>>
        tpu.enqueue_dma source(%dma_start3A_518 : memref<3x128xf32, #tpu.memory_space<hbm>>) target(%dma_start3A_514 : memref<3x128xf32, #tpu.memory_space<vmem>>) target_semaphore(%arg13 : memref<!tpu.dma_semaphore, #tpu.memory_space<semaphore_mem>>)
      } else {
      }
      %add3A_178 = arith.addi %mul3A_2, %mul3A_88 : i32
      %lt3A_179 = arith.constant 16 : i32
      %lt3A_180 = arith.cmpi slt, %mul3A_88, %lt3A_179 : i32
      %select_n3A_181 = arith.select %lt3A_180, %get3A_3, %get3A_5 : vector<16xi32>
      %jit3A_182 = arith.constant 16 : i32
      %eq3A_183 = arith.constant 0 : i32
      %eq3A_184 = arith.cmpi eq, %jit3A_182, %eq3A_183 : i32
      %jit3A_185 = arith.constant 1 : i32
      %select_n3A_186 = arith.select %eq3A_184, %jit3A_185, %jit3A_182 : i32
      %rem3A_187 = arith.remsi %mul3A_88, %select_n3A_186 : i32
      %ne3A_188 = arith.constant 0 : i32
      %ne3A_189 = arith.cmpi ne, %rem3A_187, %ne3A_188 : i32
      %lt3A_190 = arith.constant 0 : i32
      %lt3A_191 = arith.cmpi slt, %rem3A_187, %lt3A_190 : i32
      %lt3A_192 = arith.constant 0 : i32
      %lt3A_193 = arith.cmpi slt, %select_n3A_186, %lt3A_192 : i32
      %ne3A_194 = arith.xori %lt3A_191, %lt3A_193 : i1
      %and3A_195 = arith.andi %ne3A_194, %ne3A_189 : i1
      %add3A_196 = arith.addi %rem3A_187, %select_n3A_186 : i32
      %select_n3A_197 = arith.select %and3A_195, %add3A_196, %rem3A_187 : i32
      %eq3A_198 = vector.broadcast %select_n3A_197 : i32 to vector<16xi32>
      %eq3A_199 = arith.cmpi eq, %iota3A, %eq3A_198 : vector<16xi32>
      %jit3A_200 = arith.constant 0 : i32
      %broadcast_in_dim3A_201 = vector.broadcast %jit3A_200 : i32 to vector<16xi32>
      %select_n3A_202 = arith.select %eq3A_199, %select_n3A_181, %broadcast_in_dim3A_201 : vector<16xi1>, vector<16xi32>
      %reduce_sum3A_203 = arith.constant true
      %reduce_sum3A_204 = vector.broadcast %reduce_sum3A_203 : i1 to vector<16xi1>
      %reduce_sum3A_205 = tpu.scan <sum>, %select_n3A_202 masked %reduce_sum3A_204 : vector<16xi32>, vector<16xi1> -> vector<16xi32>
      %reduce_sum3A_206 = vector.extract %reduce_sum3A_205[15] : i32 from vector<16xi32>
      %min3A_207 = arith.constant 1920 : i32
      %min3A_208 = arith.minsi %reduce_sum3A_206, %min3A_207 : i32
      %gt3A_209 = arith.constant 0 : i32
      %gt3A_210 = arith.cmpi sgt, %min3A_208, %gt3A_209 : i32
      %convert_element_type3A_211 = arith.extui %gt3A_210 : i1 to i32
      %cond3A_212 = arith.constant 0 : i32
      %cond3A_213 = arith.cmpi ne, %convert_element_type3A_211, %cond3A_212 : i32
      scf.if %cond3A_213 {
        %dma_wait3A_505 = arith.constant 0 : i32
        %dma_wait3A_506 = arith.constant 0 : i32
        %dma_wait3A_507 = tpu.memref_slice %arg7[%dma_wait3A_505, %dma_wait3A_506] : memref<3x1920xf32, #tpu.memory_space<vmem>> -> memref<3x512xf32, #tpu.memory_space<vmem>>
        %dma_wait3A_508 = arith.constant 0 : i32
        %dma_wait3A_509 = arith.constant 0 : i32
        %dma_wait3A_510 = tpu.memref_slice %arg2[%dma_wait3A_508, %add3A_178, %dma_wait3A_509] : memref<3x1024x2048xf32, #tpu.memory_space<hbm>> -> memref<3x1x512xf32, #tpu.memory_space<hbm>>
        %dma_wait3A_511 = tpu.memref_squeeze %dma_wait3A_510 : memref<3x1x512xf32, #tpu.memory_space<hbm>> -> memref<3x512xf32, #tpu.memory_space<hbm>>
        %dma_wait3A_512 = arith.constant 0 : i32
        %dma_wait3A_513 = arith.constant 0 : i32
        %dma_wait3A_514 = tpu.memref_slice %arg7[%dma_wait3A_512, %dma_wait3A_513] : memref<3x1920xf32, #tpu.memory_space<vmem>> -> memref<3x512xf32, #tpu.memory_space<vmem>>
        %dma_wait3A_515 = arith.constant 0 : i32
        %dma_wait3A_516 = arith.constant 0 : i32
        %dma_wait3A_517 = tpu.memref_slice %arg2[%dma_wait3A_515, %add3A_178, %dma_wait3A_516] : memref<3x1024x2048xf32, #tpu.memory_space<hbm>> -> memref<3x1x512xf32, #tpu.memory_space<hbm>>
        %dma_wait3A_518 = tpu.memref_squeeze %dma_wait3A_517 : memref<3x1x512xf32, #tpu.memory_space<hbm>> -> memref<3x512xf32, #tpu.memory_space<hbm>>
        tpu.wait_dma2 semaphore(%arg12 : memref<!tpu.dma_semaphore, #tpu.memory_space<semaphore_mem>>) src(%dma_wait3A_518 : memref<3x512xf32, #tpu.memory_space<hbm>>) dst(%dma_wait3A_514 : memref<3x512xf32, #tpu.memory_space<vmem>>)
      } else {
      }
      %gt3A_214 = arith.constant 0 : i32
      %gt3A_215 = arith.cmpi sgt, %min3A_208, %gt3A_214 : i32
      %convert_element_type3A_216 = arith.extui %gt3A_215 : i1 to i32
      %cond3A_217 = arith.constant 0 : i32
      %cond3A_218 = arith.cmpi ne, %convert_element_type3A_216, %cond3A_217 : i32
      scf.if %cond3A_218 {
        %dma_wait3A_505 = arith.constant 0 : i32
        %dma_wait3A_506 = arith.constant 0 : i32
        %dma_wait3A_507 = tpu.memref_slice %arg8[%dma_wait3A_505, %dma_wait3A_506] : memref<3x1920xf32, #tpu.memory_space<vmem>> -> memref<3x512xf32, #tpu.memory_space<vmem>>
        %dma_wait3A_508 = arith.constant 0 : i32
        %dma_wait3A_509 = arith.constant 0 : i32
        %dma_wait3A_510 = tpu.memref_slice %arg3[%dma_wait3A_508, %add3A_178, %dma_wait3A_509] : memref<3x1024x2047xf32, #tpu.memory_space<hbm>> -> memref<3x1x512xf32, #tpu.memory_space<hbm>>
        %dma_wait3A_511 = tpu.memref_squeeze %dma_wait3A_510 : memref<3x1x512xf32, #tpu.memory_space<hbm>> -> memref<3x512xf32, #tpu.memory_space<hbm>>
        %dma_wait3A_512 = arith.constant 0 : i32
        %dma_wait3A_513 = arith.constant 0 : i32
        %dma_wait3A_514 = tpu.memref_slice %arg8[%dma_wait3A_512, %dma_wait3A_513] : memref<3x1920xf32, #tpu.memory_space<vmem>> -> memref<3x512xf32, #tpu.memory_space<vmem>>
        %dma_wait3A_515 = arith.constant 0 : i32
        %dma_wait3A_516 = arith.constant 0 : i32
        %dma_wait3A_517 = tpu.memref_slice %arg3[%dma_wait3A_515, %add3A_178, %dma_wait3A_516] : memref<3x1024x2047xf32, #tpu.memory_space<hbm>> -> memref<3x1x512xf32, #tpu.memory_space<hbm>>
        %dma_wait3A_518 = tpu.memref_squeeze %dma_wait3A_517 : memref<3x1x512xf32, #tpu.memory_space<hbm>> -> memref<3x512xf32, #tpu.memory_space<hbm>>
        tpu.wait_dma2 semaphore(%arg12 : memref<!tpu.dma_semaphore, #tpu.memory_space<semaphore_mem>>) src(%dma_wait3A_518 : memref<3x512xf32, #tpu.memory_space<hbm>>) dst(%dma_wait3A_514 : memref<3x512xf32, #tpu.memory_space<vmem>>)
      } else {
      }
      %gt3A_219 = arith.constant 512 : i32
      %gt3A_220 = arith.cmpi sgt, %min3A_208, %gt3A_219 : i32
      %convert_element_type3A_221 = arith.extui %gt3A_220 : i1 to i32
      %cond3A_222 = arith.constant 0 : i32
      %cond3A_223 = arith.cmpi ne, %convert_element_type3A_221, %cond3A_222 : i32
      scf.if %cond3A_223 {
        %dma_wait3A_505 = arith.constant 0 : i32
        %dma_wait3A_506 = arith.constant 512 : i32
        %dma_wait3A_507 = tpu.memref_slice %arg7[%dma_wait3A_505, %dma_wait3A_506] : memref<3x1920xf32, #tpu.memory_space<vmem>> -> memref<3x512xf32, #tpu.memory_space<vmem>>
        %dma_wait3A_508 = arith.constant 0 : i32
        %dma_wait3A_509 = arith.constant 512 : i32
        %dma_wait3A_510 = tpu.memref_slice %arg2[%dma_wait3A_508, %add3A_178, %dma_wait3A_509] : memref<3x1024x2048xf32, #tpu.memory_space<hbm>> -> memref<3x1x512xf32, #tpu.memory_space<hbm>>
        %dma_wait3A_511 = tpu.memref_squeeze %dma_wait3A_510 : memref<3x1x512xf32, #tpu.memory_space<hbm>> -> memref<3x512xf32, #tpu.memory_space<hbm>>
        %dma_wait3A_512 = arith.constant 0 : i32
        %dma_wait3A_513 = arith.constant 512 : i32
        %dma_wait3A_514 = tpu.memref_slice %arg7[%dma_wait3A_512, %dma_wait3A_513] : memref<3x1920xf32, #tpu.memory_space<vmem>> -> memref<3x512xf32, #tpu.memory_space<vmem>>
        %dma_wait3A_515 = arith.constant 0 : i32
        %dma_wait3A_516 = arith.constant 512 : i32
        %dma_wait3A_517 = tpu.memref_slice %arg2[%dma_wait3A_515, %add3A_178, %dma_wait3A_516] : memref<3x1024x2048xf32, #tpu.memory_space<hbm>> -> memref<3x1x512xf32, #tpu.memory_space<hbm>>
        %dma_wait3A_518 = tpu.memref_squeeze %dma_wait3A_517 : memref<3x1x512xf32, #tpu.memory_space<hbm>> -> memref<3x512xf32, #tpu.memory_space<hbm>>
        tpu.wait_dma2 semaphore(%arg12 : memref<!tpu.dma_semaphore, #tpu.memory_space<semaphore_mem>>) src(%dma_wait3A_518 : memref<3x512xf32, #tpu.memory_space<hbm>>) dst(%dma_wait3A_514 : memref<3x512xf32, #tpu.memory_space<vmem>>)
      } else {
      }
      %gt3A_224 = arith.constant 512 : i32
      %gt3A_225 = arith.cmpi sgt, %min3A_208, %gt3A_224 : i32
      %convert_element_type3A_226 = arith.extui %gt3A_225 : i1 to i32
      %cond3A_227 = arith.constant 0 : i32
      %cond3A_228 = arith.cmpi ne, %convert_element_type3A_226, %cond3A_227 : i32
      scf.if %cond3A_228 {
        %dma_wait3A_505 = arith.constant 0 : i32
        %dma_wait3A_506 = arith.constant 512 : i32
        %dma_wait3A_507 = tpu.memref_slice %arg8[%dma_wait3A_505, %dma_wait3A_506] : memref<3x1920xf32, #tpu.memory_space<vmem>> -> memref<3x512xf32, #tpu.memory_space<vmem>>
        %dma_wait3A_508 = arith.constant 0 : i32
        %dma_wait3A_509 = arith.constant 512 : i32
        %dma_wait3A_510 = tpu.memref_slice %arg3[%dma_wait3A_508, %add3A_178, %dma_wait3A_509] : memref<3x1024x2047xf32, #tpu.memory_space<hbm>> -> memref<3x1x512xf32, #tpu.memory_space<hbm>>
        %dma_wait3A_511 = tpu.memref_squeeze %dma_wait3A_510 : memref<3x1x512xf32, #tpu.memory_space<hbm>> -> memref<3x512xf32, #tpu.memory_space<hbm>>
        %dma_wait3A_512 = arith.constant 0 : i32
        %dma_wait3A_513 = arith.constant 512 : i32
        %dma_wait3A_514 = tpu.memref_slice %arg8[%dma_wait3A_512, %dma_wait3A_513] : memref<3x1920xf32, #tpu.memory_space<vmem>> -> memref<3x512xf32, #tpu.memory_space<vmem>>
        %dma_wait3A_515 = arith.constant 0 : i32
        %dma_wait3A_516 = arith.constant 512 : i32
        %dma_wait3A_517 = tpu.memref_slice %arg3[%dma_wait3A_515, %add3A_178, %dma_wait3A_516] : memref<3x1024x2047xf32, #tpu.memory_space<hbm>> -> memref<3x1x512xf32, #tpu.memory_space<hbm>>
        %dma_wait3A_518 = tpu.memref_squeeze %dma_wait3A_517 : memref<3x1x512xf32, #tpu.memory_space<hbm>> -> memref<3x512xf32, #tpu.memory_space<hbm>>
        tpu.wait_dma2 semaphore(%arg12 : memref<!tpu.dma_semaphore, #tpu.memory_space<semaphore_mem>>) src(%dma_wait3A_518 : memref<3x512xf32, #tpu.memory_space<hbm>>) dst(%dma_wait3A_514 : memref<3x512xf32, #tpu.memory_space<vmem>>)
      } else {
      }
      %gt3A_229 = arith.constant 1024 : i32
      %gt3A_230 = arith.cmpi sgt, %min3A_208, %gt3A_229 : i32
      %convert_element_type3A_231 = arith.extui %gt3A_230 : i1 to i32
      %cond3A_232 = arith.constant 0 : i32
      %cond3A_233 = arith.cmpi ne, %convert_element_type3A_231, %cond3A_232 : i32
      scf.if %cond3A_233 {
        %dma_wait3A_505 = arith.constant 0 : i32
        %dma_wait3A_506 = arith.constant 1024 : i32
        %dma_wait3A_507 = tpu.memref_slice %arg7[%dma_wait3A_505, %dma_wait3A_506] : memref<3x1920xf32, #tpu.memory_space<vmem>> -> memref<3x512xf32, #tpu.memory_space<vmem>>
        %dma_wait3A_508 = arith.constant 0 : i32
        %dma_wait3A_509 = arith.constant 1024 : i32
        %dma_wait3A_510 = tpu.memref_slice %arg2[%dma_wait3A_508, %add3A_178, %dma_wait3A_509] : memref<3x1024x2048xf32, #tpu.memory_space<hbm>> -> memref<3x1x512xf32, #tpu.memory_space<hbm>>
        %dma_wait3A_511 = tpu.memref_squeeze %dma_wait3A_510 : memref<3x1x512xf32, #tpu.memory_space<hbm>> -> memref<3x512xf32, #tpu.memory_space<hbm>>
        %dma_wait3A_512 = arith.constant 0 : i32
        %dma_wait3A_513 = arith.constant 1024 : i32
        %dma_wait3A_514 = tpu.memref_slice %arg7[%dma_wait3A_512, %dma_wait3A_513] : memref<3x1920xf32, #tpu.memory_space<vmem>> -> memref<3x512xf32, #tpu.memory_space<vmem>>
        %dma_wait3A_515 = arith.constant 0 : i32
        %dma_wait3A_516 = arith.constant 1024 : i32
        %dma_wait3A_517 = tpu.memref_slice %arg2[%dma_wait3A_515, %add3A_178, %dma_wait3A_516] : memref<3x1024x2048xf32, #tpu.memory_space<hbm>> -> memref<3x1x512xf32, #tpu.memory_space<hbm>>
        %dma_wait3A_518 = tpu.memref_squeeze %dma_wait3A_517 : memref<3x1x512xf32, #tpu.memory_space<hbm>> -> memref<3x512xf32, #tpu.memory_space<hbm>>
        tpu.wait_dma2 semaphore(%arg12 : memref<!tpu.dma_semaphore, #tpu.memory_space<semaphore_mem>>) src(%dma_wait3A_518 : memref<3x512xf32, #tpu.memory_space<hbm>>) dst(%dma_wait3A_514 : memref<3x512xf32, #tpu.memory_space<vmem>>)
      } else {
      }
      %gt3A_234 = arith.constant 1024 : i32
      %gt3A_235 = arith.cmpi sgt, %min3A_208, %gt3A_234 : i32
      %convert_element_type3A_236 = arith.extui %gt3A_235 : i1 to i32
      %cond3A_237 = arith.constant 0 : i32
      %cond3A_238 = arith.cmpi ne, %convert_element_type3A_236, %cond3A_237 : i32
      scf.if %cond3A_238 {
        %dma_wait3A_505 = arith.constant 0 : i32
        %dma_wait3A_506 = arith.constant 1024 : i32
        %dma_wait3A_507 = tpu.memref_slice %arg8[%dma_wait3A_505, %dma_wait3A_506] : memref<3x1920xf32, #tpu.memory_space<vmem>> -> memref<3x512xf32, #tpu.memory_space<vmem>>
        %dma_wait3A_508 = arith.constant 0 : i32
        %dma_wait3A_509 = arith.constant 1024 : i32
        %dma_wait3A_510 = tpu.memref_slice %arg3[%dma_wait3A_508, %add3A_178, %dma_wait3A_509] : memref<3x1024x2047xf32, #tpu.memory_space<hbm>> -> memref<3x1x512xf32, #tpu.memory_space<hbm>>
        %dma_wait3A_511 = tpu.memref_squeeze %dma_wait3A_510 : memref<3x1x512xf32, #tpu.memory_space<hbm>> -> memref<3x512xf32, #tpu.memory_space<hbm>>
        %dma_wait3A_512 = arith.constant 0 : i32
        %dma_wait3A_513 = arith.constant 1024 : i32
        %dma_wait3A_514 = tpu.memref_slice %arg8[%dma_wait3A_512, %dma_wait3A_513] : memref<3x1920xf32, #tpu.memory_space<vmem>> -> memref<3x512xf32, #tpu.memory_space<vmem>>
        %dma_wait3A_515 = arith.constant 0 : i32
        %dma_wait3A_516 = arith.constant 1024 : i32
        %dma_wait3A_517 = tpu.memref_slice %arg3[%dma_wait3A_515, %add3A_178, %dma_wait3A_516] : memref<3x1024x2047xf32, #tpu.memory_space<hbm>> -> memref<3x1x512xf32, #tpu.memory_space<hbm>>
        %dma_wait3A_518 = tpu.memref_squeeze %dma_wait3A_517 : memref<3x1x512xf32, #tpu.memory_space<hbm>> -> memref<3x512xf32, #tpu.memory_space<hbm>>
        tpu.wait_dma2 semaphore(%arg12 : memref<!tpu.dma_semaphore, #tpu.memory_space<semaphore_mem>>) src(%dma_wait3A_518 : memref<3x512xf32, #tpu.memory_space<hbm>>) dst(%dma_wait3A_514 : memref<3x512xf32, #tpu.memory_space<vmem>>)
      } else {
      }
      %gt3A_239 = arith.constant 1536 : i32
      %gt3A_240 = arith.cmpi sgt, %min3A_208, %gt3A_239 : i32
      %convert_element_type3A_241 = arith.extui %gt3A_240 : i1 to i32
      %cond3A_242 = arith.constant 0 : i32
      %cond3A_243 = arith.cmpi ne, %convert_element_type3A_241, %cond3A_242 : i32
      scf.if %cond3A_243 {
        %dma_wait3A_505 = arith.constant 0 : i32
        %dma_wait3A_506 = arith.constant 1536 : i32
        %dma_wait3A_507 = tpu.memref_slice %arg7[%dma_wait3A_505, %dma_wait3A_506] : memref<3x1920xf32, #tpu.memory_space<vmem>> -> memref<3x128xf32, #tpu.memory_space<vmem>>
        %dma_wait3A_508 = arith.constant 0 : i32
        %dma_wait3A_509 = arith.constant 1536 : i32
        %dma_wait3A_510 = tpu.memref_slice %arg2[%dma_wait3A_508, %add3A_178, %dma_wait3A_509] : memref<3x1024x2048xf32, #tpu.memory_space<hbm>> -> memref<3x1x128xf32, #tpu.memory_space<hbm>>
        %dma_wait3A_511 = tpu.memref_squeeze %dma_wait3A_510 : memref<3x1x128xf32, #tpu.memory_space<hbm>> -> memref<3x128xf32, #tpu.memory_space<hbm>>
        %dma_wait3A_512 = arith.constant 0 : i32
        %dma_wait3A_513 = arith.constant 1536 : i32
        %dma_wait3A_514 = tpu.memref_slice %arg7[%dma_wait3A_512, %dma_wait3A_513] : memref<3x1920xf32, #tpu.memory_space<vmem>> -> memref<3x128xf32, #tpu.memory_space<vmem>>
        %dma_wait3A_515 = arith.constant 0 : i32
        %dma_wait3A_516 = arith.constant 1536 : i32
        %dma_wait3A_517 = tpu.memref_slice %arg2[%dma_wait3A_515, %add3A_178, %dma_wait3A_516] : memref<3x1024x2048xf32, #tpu.memory_space<hbm>> -> memref<3x1x128xf32, #tpu.memory_space<hbm>>
        %dma_wait3A_518 = tpu.memref_squeeze %dma_wait3A_517 : memref<3x1x128xf32, #tpu.memory_space<hbm>> -> memref<3x128xf32, #tpu.memory_space<hbm>>
        tpu.wait_dma2 semaphore(%arg12 : memref<!tpu.dma_semaphore, #tpu.memory_space<semaphore_mem>>) src(%dma_wait3A_518 : memref<3x128xf32, #tpu.memory_space<hbm>>) dst(%dma_wait3A_514 : memref<3x128xf32, #tpu.memory_space<vmem>>)
      } else {
      }
      %gt3A_244 = arith.constant 1536 : i32
      %gt3A_245 = arith.cmpi sgt, %min3A_208, %gt3A_244 : i32
      %convert_element_type3A_246 = arith.extui %gt3A_245 : i1 to i32
      %cond3A_247 = arith.constant 0 : i32
      %cond3A_248 = arith.cmpi ne, %convert_element_type3A_246, %cond3A_247 : i32
      scf.if %cond3A_248 {
        %dma_wait3A_505 = arith.constant 0 : i32
        %dma_wait3A_506 = arith.constant 1536 : i32
        %dma_wait3A_507 = tpu.memref_slice %arg8[%dma_wait3A_505, %dma_wait3A_506] : memref<3x1920xf32, #tpu.memory_space<vmem>> -> memref<3x128xf32, #tpu.memory_space<vmem>>
        %dma_wait3A_508 = arith.constant 0 : i32
        %dma_wait3A_509 = arith.constant 1536 : i32
        %dma_wait3A_510 = tpu.memref_slice %arg3[%dma_wait3A_508, %add3A_178, %dma_wait3A_509] : memref<3x1024x2047xf32, #tpu.memory_space<hbm>> -> memref<3x1x128xf32, #tpu.memory_space<hbm>>
        %dma_wait3A_511 = tpu.memref_squeeze %dma_wait3A_510 : memref<3x1x128xf32, #tpu.memory_space<hbm>> -> memref<3x128xf32, #tpu.memory_space<hbm>>
        %dma_wait3A_512 = arith.constant 0 : i32
        %dma_wait3A_513 = arith.constant 1536 : i32
        %dma_wait3A_514 = tpu.memref_slice %arg8[%dma_wait3A_512, %dma_wait3A_513] : memref<3x1920xf32, #tpu.memory_space<vmem>> -> memref<3x128xf32, #tpu.memory_space<vmem>>
        %dma_wait3A_515 = arith.constant 0 : i32
        %dma_wait3A_516 = arith.constant 1536 : i32
        %dma_wait3A_517 = tpu.memref_slice %arg3[%dma_wait3A_515, %add3A_178, %dma_wait3A_516] : memref<3x1024x2047xf32, #tpu.memory_space<hbm>> -> memref<3x1x128xf32, #tpu.memory_space<hbm>>
        %dma_wait3A_518 = tpu.memref_squeeze %dma_wait3A_517 : memref<3x1x128xf32, #tpu.memory_space<hbm>> -> memref<3x128xf32, #tpu.memory_space<hbm>>
        tpu.wait_dma2 semaphore(%arg12 : memref<!tpu.dma_semaphore, #tpu.memory_space<semaphore_mem>>) src(%dma_wait3A_518 : memref<3x128xf32, #tpu.memory_space<hbm>>) dst(%dma_wait3A_514 : memref<3x128xf32, #tpu.memory_space<vmem>>)
      } else {
      }
      %gt3A_249 = arith.constant 1664 : i32
      %gt3A_250 = arith.cmpi sgt, %min3A_208, %gt3A_249 : i32
      %convert_element_type3A_251 = arith.extui %gt3A_250 : i1 to i32
      %cond3A_252 = arith.constant 0 : i32
      %cond3A_253 = arith.cmpi ne, %convert_element_type3A_251, %cond3A_252 : i32
      scf.if %cond3A_253 {
        %dma_wait3A_505 = arith.constant 0 : i32
        %dma_wait3A_506 = arith.constant 1664 : i32
        %dma_wait3A_507 = tpu.memref_slice %arg7[%dma_wait3A_505, %dma_wait3A_506] : memref<3x1920xf32, #tpu.memory_space<vmem>> -> memref<3x128xf32, #tpu.memory_space<vmem>>
        %dma_wait3A_508 = arith.constant 0 : i32
        %dma_wait3A_509 = arith.constant 1664 : i32
        %dma_wait3A_510 = tpu.memref_slice %arg2[%dma_wait3A_508, %add3A_178, %dma_wait3A_509] : memref<3x1024x2048xf32, #tpu.memory_space<hbm>> -> memref<3x1x128xf32, #tpu.memory_space<hbm>>
        %dma_wait3A_511 = tpu.memref_squeeze %dma_wait3A_510 : memref<3x1x128xf32, #tpu.memory_space<hbm>> -> memref<3x128xf32, #tpu.memory_space<hbm>>
        %dma_wait3A_512 = arith.constant 0 : i32
        %dma_wait3A_513 = arith.constant 1664 : i32
        %dma_wait3A_514 = tpu.memref_slice %arg7[%dma_wait3A_512, %dma_wait3A_513] : memref<3x1920xf32, #tpu.memory_space<vmem>> -> memref<3x128xf32, #tpu.memory_space<vmem>>
        %dma_wait3A_515 = arith.constant 0 : i32
        %dma_wait3A_516 = arith.constant 1664 : i32
        %dma_wait3A_517 = tpu.memref_slice %arg2[%dma_wait3A_515, %add3A_178, %dma_wait3A_516] : memref<3x1024x2048xf32, #tpu.memory_space<hbm>> -> memref<3x1x128xf32, #tpu.memory_space<hbm>>
        %dma_wait3A_518 = tpu.memref_squeeze %dma_wait3A_517 : memref<3x1x128xf32, #tpu.memory_space<hbm>> -> memref<3x128xf32, #tpu.memory_space<hbm>>
        tpu.wait_dma2 semaphore(%arg12 : memref<!tpu.dma_semaphore, #tpu.memory_space<semaphore_mem>>) src(%dma_wait3A_518 : memref<3x128xf32, #tpu.memory_space<hbm>>) dst(%dma_wait3A_514 : memref<3x128xf32, #tpu.memory_space<vmem>>)
      } else {
      }
      %gt3A_254 = arith.constant 1664 : i32
      %gt3A_255 = arith.cmpi sgt, %min3A_208, %gt3A_254 : i32
      %convert_element_type3A_256 = arith.extui %gt3A_255 : i1 to i32
      %cond3A_257 = arith.constant 0 : i32
      %cond3A_258 = arith.cmpi ne, %convert_element_type3A_256, %cond3A_257 : i32
      scf.if %cond3A_258 {
        %dma_wait3A_505 = arith.constant 0 : i32
        %dma_wait3A_506 = arith.constant 1664 : i32
        %dma_wait3A_507 = tpu.memref_slice %arg8[%dma_wait3A_505, %dma_wait3A_506] : memref<3x1920xf32, #tpu.memory_space<vmem>> -> memref<3x128xf32, #tpu.memory_space<vmem>>
        %dma_wait3A_508 = arith.constant 0 : i32
        %dma_wait3A_509 = arith.constant 1664 : i32
        %dma_wait3A_510 = tpu.memref_slice %arg3[%dma_wait3A_508, %add3A_178, %dma_wait3A_509] : memref<3x1024x2047xf32, #tpu.memory_space<hbm>> -> memref<3x1x128xf32, #tpu.memory_space<hbm>>
        %dma_wait3A_511 = tpu.memref_squeeze %dma_wait3A_510 : memref<3x1x128xf32, #tpu.memory_space<hbm>> -> memref<3x128xf32, #tpu.memory_space<hbm>>
        %dma_wait3A_512 = arith.constant 0 : i32
        %dma_wait3A_513 = arith.constant 1664 : i32
        %dma_wait3A_514 = tpu.memref_slice %arg8[%dma_wait3A_512, %dma_wait3A_513] : memref<3x1920xf32, #tpu.memory_space<vmem>> -> memref<3x128xf32, #tpu.memory_space<vmem>>
        %dma_wait3A_515 = arith.constant 0 : i32
        %dma_wait3A_516 = arith.constant 1664 : i32
        %dma_wait3A_517 = tpu.memref_slice %arg3[%dma_wait3A_515, %add3A_178, %dma_wait3A_516] : memref<3x1024x2047xf32, #tpu.memory_space<hbm>> -> memref<3x1x128xf32, #tpu.memory_space<hbm>>
        %dma_wait3A_518 = tpu.memref_squeeze %dma_wait3A_517 : memref<3x1x128xf32, #tpu.memory_space<hbm>> -> memref<3x128xf32, #tpu.memory_space<hbm>>
        tpu.wait_dma2 semaphore(%arg12 : memref<!tpu.dma_semaphore, #tpu.memory_space<semaphore_mem>>) src(%dma_wait3A_518 : memref<3x128xf32, #tpu.memory_space<hbm>>) dst(%dma_wait3A_514 : memref<3x128xf32, #tpu.memory_space<vmem>>)
      } else {
      }
      %gt3A_259 = arith.constant 1792 : i32
      %gt3A_260 = arith.cmpi sgt, %min3A_208, %gt3A_259 : i32
      %convert_element_type3A_261 = arith.extui %gt3A_260 : i1 to i32
      %cond3A_262 = arith.constant 0 : i32
      %cond3A_263 = arith.cmpi ne, %convert_element_type3A_261, %cond3A_262 : i32
      scf.if %cond3A_263 {
        %dma_wait3A_505 = arith.constant 0 : i32
        %dma_wait3A_506 = arith.constant 1792 : i32
        %dma_wait3A_507 = tpu.memref_slice %arg7[%dma_wait3A_505, %dma_wait3A_506] : memref<3x1920xf32, #tpu.memory_space<vmem>> -> memref<3x128xf32, #tpu.memory_space<vmem>>
        %dma_wait3A_508 = arith.constant 0 : i32
        %dma_wait3A_509 = arith.constant 1792 : i32
        %dma_wait3A_510 = tpu.memref_slice %arg2[%dma_wait3A_508, %add3A_178, %dma_wait3A_509] : memref<3x1024x2048xf32, #tpu.memory_space<hbm>> -> memref<3x1x128xf32, #tpu.memory_space<hbm>>
        %dma_wait3A_511 = tpu.memref_squeeze %dma_wait3A_510 : memref<3x1x128xf32, #tpu.memory_space<hbm>> -> memref<3x128xf32, #tpu.memory_space<hbm>>
        %dma_wait3A_512 = arith.constant 0 : i32
        %dma_wait3A_513 = arith.constant 1792 : i32
        %dma_wait3A_514 = tpu.memref_slice %arg7[%dma_wait3A_512, %dma_wait3A_513] : memref<3x1920xf32, #tpu.memory_space<vmem>> -> memref<3x128xf32, #tpu.memory_space<vmem>>
        %dma_wait3A_515 = arith.constant 0 : i32
        %dma_wait3A_516 = arith.constant 1792 : i32
        %dma_wait3A_517 = tpu.memref_slice %arg2[%dma_wait3A_515, %add3A_178, %dma_wait3A_516] : memref<3x1024x2048xf32, #tpu.memory_space<hbm>> -> memref<3x1x128xf32, #tpu.memory_space<hbm>>
        %dma_wait3A_518 = tpu.memref_squeeze %dma_wait3A_517 : memref<3x1x128xf32, #tpu.memory_space<hbm>> -> memref<3x128xf32, #tpu.memory_space<hbm>>
        tpu.wait_dma2 semaphore(%arg12 : memref<!tpu.dma_semaphore, #tpu.memory_space<semaphore_mem>>) src(%dma_wait3A_518 : memref<3x128xf32, #tpu.memory_space<hbm>>) dst(%dma_wait3A_514 : memref<3x128xf32, #tpu.memory_space<vmem>>)
      } else {
      }
      %gt3A_264 = arith.constant 1792 : i32
      %gt3A_265 = arith.cmpi sgt, %min3A_208, %gt3A_264 : i32
      %convert_element_type3A_266 = arith.extui %gt3A_265 : i1 to i32
      %cond3A_267 = arith.constant 0 : i32
      %cond3A_268 = arith.cmpi ne, %convert_element_type3A_266, %cond3A_267 : i32
      scf.if %cond3A_268 {
        %dma_wait3A_505 = arith.constant 0 : i32
        %dma_wait3A_506 = arith.constant 1792 : i32
        %dma_wait3A_507 = tpu.memref_slice %arg8[%dma_wait3A_505, %dma_wait3A_506] : memref<3x1920xf32, #tpu.memory_space<vmem>> -> memref<3x128xf32, #tpu.memory_space<vmem>>
        %dma_wait3A_508 = arith.constant 0 : i32
        %dma_wait3A_509 = arith.constant 1792 : i32
        %dma_wait3A_510 = tpu.memref_slice %arg3[%dma_wait3A_508, %add3A_178, %dma_wait3A_509] : memref<3x1024x2047xf32, #tpu.memory_space<hbm>> -> memref<3x1x128xf32, #tpu.memory_space<hbm>>
        %dma_wait3A_511 = tpu.memref_squeeze %dma_wait3A_510 : memref<3x1x128xf32, #tpu.memory_space<hbm>> -> memref<3x128xf32, #tpu.memory_space<hbm>>
        %dma_wait3A_512 = arith.constant 0 : i32
        %dma_wait3A_513 = arith.constant 1792 : i32
        %dma_wait3A_514 = tpu.memref_slice %arg8[%dma_wait3A_512, %dma_wait3A_513] : memref<3x1920xf32, #tpu.memory_space<vmem>> -> memref<3x128xf32, #tpu.memory_space<vmem>>
        %dma_wait3A_515 = arith.constant 0 : i32
        %dma_wait3A_516 = arith.constant 1792 : i32
        %dma_wait3A_517 = tpu.memref_slice %arg3[%dma_wait3A_515, %add3A_178, %dma_wait3A_516] : memref<3x1024x2047xf32, #tpu.memory_space<hbm>> -> memref<3x1x128xf32, #tpu.memory_space<hbm>>
        %dma_wait3A_518 = tpu.memref_squeeze %dma_wait3A_517 : memref<3x1x128xf32, #tpu.memory_space<hbm>> -> memref<3x128xf32, #tpu.memory_space<hbm>>
        tpu.wait_dma2 semaphore(%arg12 : memref<!tpu.dma_semaphore, #tpu.memory_space<semaphore_mem>>) src(%dma_wait3A_518 : memref<3x128xf32, #tpu.memory_space<hbm>>) dst(%dma_wait3A_514 : memref<3x128xf32, #tpu.memory_space<vmem>>)
      } else {
      }
      %lt3A_269 = arith.constant 16 : i32
      %lt3A_270 = arith.cmpi slt, %mul3A_88, %lt3A_269 : i32
      %select_n3A_271 = arith.select %lt3A_270, %get3A_3, %get3A_5 : vector<16xi32>
      %jit3A_272 = arith.constant 16 : i32
      %eq3A_273 = arith.constant 0 : i32
      %eq3A_274 = arith.cmpi eq, %jit3A_272, %eq3A_273 : i32
      %jit3A_275 = arith.constant 1 : i32
      %select_n3A_276 = arith.select %eq3A_274, %jit3A_275, %jit3A_272 : i32
      %rem3A_277 = arith.remsi %mul3A_88, %select_n3A_276 : i32
      %ne3A_278 = arith.constant 0 : i32
      %ne3A_279 = arith.cmpi ne, %rem3A_277, %ne3A_278 : i32
      %lt3A_280 = arith.constant 0 : i32
      %lt3A_281 = arith.cmpi slt, %rem3A_277, %lt3A_280 : i32
      %lt3A_282 = arith.constant 0 : i32
      %lt3A_283 = arith.cmpi slt, %select_n3A_276, %lt3A_282 : i32
      %ne3A_284 = arith.xori %lt3A_281, %lt3A_283 : i1
      %and3A_285 = arith.andi %ne3A_284, %ne3A_279 : i1
      %add3A_286 = arith.addi %rem3A_277, %select_n3A_276 : i32
      %select_n3A_287 = arith.select %and3A_285, %add3A_286, %rem3A_277 : i32
      %eq3A_288 = vector.broadcast %select_n3A_287 : i32 to vector<16xi32>
      %eq3A_289 = arith.cmpi eq, %iota3A, %eq3A_288 : vector<16xi32>
      %jit3A_290 = arith.constant 0 : i32
      %broadcast_in_dim3A_291 = vector.broadcast %jit3A_290 : i32 to vector<16xi32>
      %select_n3A_292 = arith.select %eq3A_289, %select_n3A_271, %broadcast_in_dim3A_291 : vector<16xi1>, vector<16xi32>
      %reduce_sum3A_293 = arith.constant true
      %reduce_sum3A_294 = vector.broadcast %reduce_sum3A_293 : i1 to vector<16xi1>
      %reduce_sum3A_295 = tpu.scan <sum>, %select_n3A_292 masked %reduce_sum3A_294 : vector<16xi32>, vector<16xi1> -> vector<16xi32>
      %reduce_sum3A_296 = vector.extract %reduce_sum3A_295[15] : i32 from vector<16xi32>
      %min3A_297 = arith.constant 1920 : i32
      %min3A_298 = arith.minsi %reduce_sum3A_296, %min3A_297 : i32
      %jit3A_299 = arith.constant 16 : i32
      %div3A = arith.divsi %min3A_298, %jit3A_299 : i32
      %sign3A = arith.constant 0 : i32
      %sign3A_300 = arith.cmpi sgt, %min3A_298, %sign3A : i32
      %sign3A_301 = arith.extui %sign3A_300 : i1 to i32
      %sign3A_302 = arith.constant 0 : i32
      %sign3A_303 = arith.cmpi slt, %min3A_298, %sign3A_302 : i32
      %sign3A_304 = arith.extui %sign3A_303 : i1 to i32
      %sign3A_305 = arith.subi %sign3A_301, %sign3A_304 : i32
      %sign3A_306 = arith.constant 0 : i32
      %sign3A_307 = arith.cmpi sgt, %jit3A_299, %sign3A_306 : i32
      %sign3A_308 = arith.extui %sign3A_307 : i1 to i32
      %sign3A_309 = arith.constant 0 : i32
      %sign3A_310 = arith.cmpi slt, %jit3A_299, %sign3A_309 : i32
      %sign3A_311 = arith.extui %sign3A_310 : i1 to i32
      %sign3A_312 = arith.subi %sign3A_308, %sign3A_311 : i32
      %ne3A_313 = arith.cmpi ne, %sign3A_305, %sign3A_312 : i32
      %rem3A_314 = arith.remsi %min3A_298, %jit3A_299 : i32
      %ne3A_315 = arith.constant 0 : i32
      %ne3A_316 = arith.cmpi ne, %rem3A_314, %ne3A_315 : i32
      %and3A_317 = arith.andi %ne3A_313, %ne3A_316 : i1
      %sub3A = arith.constant 1 : i32
      %sub3A_318 = arith.subi %div3A, %sub3A : i32
      %select_n3A_319 = arith.select %and3A_317, %sub3A_318, %div3A : i32
      %while3A = arith.constant 0 : i32
      %while3A_320 = arith.subi %select_n3A_319, %while3A : i32
      %while3A_321 = arith.addi %while3A, %while3A_320 : i32
      %while3A_322 = arith.constant 1 : i32
      %while3A_323 = arith.divsi %while3A_320, %while3A_322 : i32
      %while3A_324 = arith.muli %while3A_323, %while3A_322 : i32
      %while3A_325 = arith.addi %while3A, %while3A_324 : i32
      %while3A_326 = arith.constant 1 : i32
      %while3A_327 = scf.for %while3A_505 = %while3A to %while3A_325 step %while3A_326 iter_args(%while3A_506 = %scan3A_86) -> (vector<16xf32>)  : i32 {
        %mul3A_507 = arith.constant 16 : i32
        %mul3A_508 = arith.muli %while3A_505, %mul3A_507 : i32
        %get3A_509 = arith.constant 0 : i32
        %get3A_510 = arith.index_cast %get3A_509 : i32 to index
        %get3A_511 = arith.index_cast %mul3A_508 : i32 to index
        %get3A_512 = tpu.vector_load %arg7[%get3A_510, %get3A_511] {strides = array<i32>} : memref<3x1920xf32, #tpu.memory_space<vmem>>, vector<16xf32>,
        %mul3A_513 = arith.constant 16 : i32
        %mul3A_514 = arith.muli %while3A_505, %mul3A_513 : i32
        %get3A_515 = arith.constant 0 : i32
        %get3A_516 = arith.index_cast %get3A_515 : i32 to index
        %get3A_517 = arith.index_cast %mul3A_514 : i32 to index
        %get3A_518 = tpu.vector_load %arg8[%get3A_516, %get3A_517] {strides = array<i32>} : memref<3x1920xf32, #tpu.memory_space<vmem>>, vector<16xf32>,
        %sub3A_519 = arith.subf %get3A_512, %get3A_518 : vector<16xf32>
        %mul3A_520 = arith.mulf %sub3A_519, %sub3A_519 : vector<16xf32>
        %add3A_521 = arith.addf %while3A_506, %mul3A_520 : vector<16xf32>
        %mul3A_522 = arith.constant 16 : i32
        %mul3A_523 = arith.muli %while3A_505, %mul3A_522 : i32
        %get3A_524 = arith.constant 1 : i32
        %get3A_525 = arith.index_cast %get3A_524 : i32 to index
        %get3A_526 = arith.index_cast %mul3A_523 : i32 to index
        %get3A_527 = tpu.vector_load %arg7[%get3A_525, %get3A_526] {strides = array<i32>} : memref<3x1920xf32, #tpu.memory_space<vmem>>, vector<16xf32>,
        %mul3A_528 = arith.constant 16 : i32
        %mul3A_529 = arith.muli %while3A_505, %mul3A_528 : i32
        %get3A_530 = arith.constant 1 : i32
        %get3A_531 = arith.index_cast %get3A_530 : i32 to index
        %get3A_532 = arith.index_cast %mul3A_529 : i32 to index
        %get3A_533 = tpu.vector_load %arg8[%get3A_531, %get3A_532] {strides = array<i32>} : memref<3x1920xf32, #tpu.memory_space<vmem>>, vector<16xf32>,
        %sub3A_534 = arith.subf %get3A_527, %get3A_533 : vector<16xf32>
        %mul3A_535 = arith.mulf %sub3A_534, %sub3A_534 : vector<16xf32>
        %add3A_536 = arith.addf %add3A_521, %mul3A_535 : vector<16xf32>
        %mul3A_537 = arith.constant 16 : i32
        %mul3A_538 = arith.muli %while3A_505, %mul3A_537 : i32
        %get3A_539 = arith.constant 2 : i32
        %get3A_540 = arith.index_cast %get3A_539 : i32 to index
        %get3A_541 = arith.index_cast %mul3A_538 : i32 to index
        %get3A_542 = tpu.vector_load %arg7[%get3A_540, %get3A_541] {strides = array<i32>} : memref<3x1920xf32, #tpu.memory_space<vmem>>, vector<16xf32>,
        %mul3A_543 = arith.constant 16 : i32
        %mul3A_544 = arith.muli %while3A_505, %mul3A_543 : i32
        %get3A_545 = arith.constant 2 : i32
        %get3A_546 = arith.index_cast %get3A_545 : i32 to index
        %get3A_547 = arith.index_cast %mul3A_544 : i32 to index
        %get3A_548 = tpu.vector_load %arg8[%get3A_546, %get3A_547] {strides = array<i32>} : memref<3x1920xf32, #tpu.memory_space<vmem>>, vector<16xf32>,
        %sub3A_549 = arith.subf %get3A_542, %get3A_548 : vector<16xf32>
        %mul3A_550 = arith.mulf %sub3A_549, %sub3A_549 : vector<16xf32>
        %add3A_551 = arith.addf %add3A_536, %mul3A_550 : vector<16xf32>
        scf.yield %add3A_551 : vector<16xf32>
      }
      %while3A_328 = arith.constant 1 : i32
      %while3A_329 = scf.for %while3A_505 = %while3A_325 to %while3A_321 step %while3A_328 iter_args(%while3A_506 = %while3A_327) -> (vector<16xf32>)  : i32 {
        %mul3A_507 = arith.constant 16 : i32
        %mul3A_508 = arith.muli %while3A_505, %mul3A_507 : i32
        %get3A_509 = arith.constant 0 : i32
        %get3A_510 = arith.index_cast %get3A_509 : i32 to index
        %get3A_511 = arith.index_cast %mul3A_508 : i32 to index
        %get3A_512 = tpu.vector_load %arg7[%get3A_510, %get3A_511] {strides = array<i32>} : memref<3x1920xf32, #tpu.memory_space<vmem>>, vector<16xf32>,
        %mul3A_513 = arith.constant 16 : i32
        %mul3A_514 = arith.muli %while3A_505, %mul3A_513 : i32
        %get3A_515 = arith.constant 0 : i32
        %get3A_516 = arith.index_cast %get3A_515 : i32 to index
        %get3A_517 = arith.index_cast %mul3A_514 : i32 to index
        %get3A_518 = tpu.vector_load %arg8[%get3A_516, %get3A_517] {strides = array<i32>} : memref<3x1920xf32, #tpu.memory_space<vmem>>, vector<16xf32>,
        %sub3A_519 = arith.subf %get3A_512, %get3A_518 : vector<16xf32>
        %mul3A_520 = arith.mulf %sub3A_519, %sub3A_519 : vector<16xf32>
        %add3A_521 = arith.addf %while3A_506, %mul3A_520 : vector<16xf32>
        %mul3A_522 = arith.constant 16 : i32
        %mul3A_523 = arith.muli %while3A_505, %mul3A_522 : i32
        %get3A_524 = arith.constant 1 : i32
        %get3A_525 = arith.index_cast %get3A_524 : i32 to index
        %get3A_526 = arith.index_cast %mul3A_523 : i32 to index
        %get3A_527 = tpu.vector_load %arg7[%get3A_525, %get3A_526] {strides = array<i32>} : memref<3x1920xf32, #tpu.memory_space<vmem>>, vector<16xf32>,
        %mul3A_528 = arith.constant 16 : i32
        %mul3A_529 = arith.muli %while3A_505, %mul3A_528 : i32
        %get3A_530 = arith.constant 1 : i32
        %get3A_531 = arith.index_cast %get3A_530 : i32 to index
        %get3A_532 = arith.index_cast %mul3A_529 : i32 to index
        %get3A_533 = tpu.vector_load %arg8[%get3A_531, %get3A_532] {strides = array<i32>} : memref<3x1920xf32, #tpu.memory_space<vmem>>, vector<16xf32>,
        %sub3A_534 = arith.subf %get3A_527, %get3A_533 : vector<16xf32>
        %mul3A_535 = arith.mulf %sub3A_534, %sub3A_534 : vector<16xf32>
        %add3A_536 = arith.addf %add3A_521, %mul3A_535 : vector<16xf32>
        %mul3A_537 = arith.constant 16 : i32
        %mul3A_538 = arith.muli %while3A_505, %mul3A_537 : i32
        %get3A_539 = arith.constant 2 : i32
        %get3A_540 = arith.index_cast %get3A_539 : i32 to index
        %get3A_541 = arith.index_cast %mul3A_538 : i32 to index
        %get3A_542 = tpu.vector_load %arg7[%get3A_540, %get3A_541] {strides = array<i32>} : memref<3x1920xf32, #tpu.memory_space<vmem>>, vector<16xf32>,
        %mul3A_543 = arith.constant 16 : i32
        %mul3A_544 = arith.muli %while3A_505, %mul3A_543 : i32
        %get3A_545 = arith.constant 2 : i32
        %get3A_546 = arith.index_cast %get3A_545 : i32 to index
        %get3A_547 = arith.index_cast %mul3A_544 : i32 to index
        %get3A_548 = tpu.vector_load %arg8[%get3A_546, %get3A_547] {strides = array<i32>} : memref<3x1920xf32, #tpu.memory_space<vmem>>, vector<16xf32>,
        %sub3A_549 = arith.subf %get3A_542, %get3A_548 : vector<16xf32>
        %mul3A_550 = arith.mulf %sub3A_549, %sub3A_549 : vector<16xf32>
        %add3A_551 = arith.addf %add3A_536, %mul3A_550 : vector<16xf32>
        scf.yield %add3A_551 : vector<16xf32>
      }
      %mul3A_330 = arith.constant 16 : i32
      %mul3A_331 = arith.muli %select_n3A_319, %mul3A_330 : i32
      %gt3A_332 = arith.cmpi sgt, %min3A_298, %mul3A_331 : i32
      %convert_element_type3A_333 = arith.extui %gt3A_332 : i1 to i32
      %cond3A_334 = arith.constant 0 : i32
      %cond3A_335 = arith.cmpi ne, %convert_element_type3A_333, %cond3A_334 : i32
      %cond3A_336 = scf.if %cond3A_335 -> (vector<16xf32>) {
        %mul3A_505 = arith.constant 16 : i32
        %mul3A_506 = arith.muli %select_n3A_319, %mul3A_505 : i32
        %add3A_507 = vector.broadcast %mul3A_506 : i32 to vector<16xi32>
        %add3A_508 = arith.addi %add3A_507, %iota3A : vector<16xi32>
        %lt3A_509 = vector.broadcast %min3A_298 : i32 to vector<16xi32>
        %lt3A_510 = arith.cmpi slt, %add3A_508, %lt3A_509 : vector<16xi32>
        %get3A_511 = arith.constant 0 : i32
        %get3A_512 = arith.index_cast %get3A_511 : i32 to index
        %get3A_513 = arith.index_cast %mul3A_506 : i32 to index
        %get3A_514 = tpu.vector_load %arg7[%get3A_512, %get3A_513] {strides = array<i32>} : memref<3x1920xf32, #tpu.memory_space<vmem>>, vector<16xf32>,
        %get3A_515 = arith.constant 0 : i32
        %get3A_516 = arith.index_cast %get3A_515 : i32 to index
        %get3A_517 = arith.index_cast %mul3A_506 : i32 to index
        %get3A_518 = tpu.vector_load %arg8[%get3A_516, %get3A_517] {strides = array<i32>} : memref<3x1920xf32, #tpu.memory_space<vmem>>, vector<16xf32>,
        %sub3A_519 = arith.subf %get3A_514, %get3A_518 : vector<16xf32>
        %mul3A_520 = arith.mulf %sub3A_519, %sub3A_519 : vector<16xf32>
        %jit3A_521 = arith.constant 0.000000e+00 : f32
        %broadcast_in_dim3A_522 = vector.broadcast %jit3A_521 : f32 to vector<16xf32>
        %select_n3A_523 = arith.select %lt3A_510, %mul3A_520, %broadcast_in_dim3A_522 : vector<16xi1>, vector<16xf32>
        %add3A_524 = arith.addf %while3A_329, %select_n3A_523 : vector<16xf32>
        %get3A_525 = arith.constant 1 : i32
        %get3A_526 = arith.index_cast %get3A_525 : i32 to index
        %get3A_527 = arith.index_cast %mul3A_506 : i32 to index
        %get3A_528 = tpu.vector_load %arg7[%get3A_526, %get3A_527] {strides = array<i32>} : memref<3x1920xf32, #tpu.memory_space<vmem>>, vector<16xf32>,
        %get3A_529 = arith.constant 1 : i32
        %get3A_530 = arith.index_cast %get3A_529 : i32 to index
        %get3A_531 = arith.index_cast %mul3A_506 : i32 to index
        %get3A_532 = tpu.vector_load %arg8[%get3A_530, %get3A_531] {strides = array<i32>} : memref<3x1920xf32, #tpu.memory_space<vmem>>, vector<16xf32>,
        %sub3A_533 = arith.subf %get3A_528, %get3A_532 : vector<16xf32>
        %mul3A_534 = arith.mulf %sub3A_533, %sub3A_533 : vector<16xf32>
        %jit3A_535 = arith.constant 0.000000e+00 : f32
        %broadcast_in_dim3A_536 = vector.broadcast %jit3A_535 : f32 to vector<16xf32>
        %select_n3A_537 = arith.select %lt3A_510, %mul3A_534, %broadcast_in_dim3A_536 : vector<16xi1>, vector<16xf32>
        %add3A_538 = arith.addf %add3A_524, %select_n3A_537 : vector<16xf32>
        %get3A_539 = arith.constant 2 : i32
        %get3A_540 = arith.index_cast %get3A_539 : i32 to index
        %get3A_541 = arith.index_cast %mul3A_506 : i32 to index
        %get3A_542 = tpu.vector_load %arg7[%get3A_540, %get3A_541] {strides = array<i32>} : memref<3x1920xf32, #tpu.memory_space<vmem>>, vector<16xf32>,
        %get3A_543 = arith.constant 2 : i32
        %get3A_544 = arith.index_cast %get3A_543 : i32 to index
        %get3A_545 = arith.index_cast %mul3A_506 : i32 to index
        %get3A_546 = tpu.vector_load %arg8[%get3A_544, %get3A_545] {strides = array<i32>} : memref<3x1920xf32, #tpu.memory_space<vmem>>, vector<16xf32>,
        %sub3A_547 = arith.subf %get3A_542, %get3A_546 : vector<16xf32>
        %mul3A_548 = arith.mulf %sub3A_547, %sub3A_547 : vector<16xf32>
        %jit3A_549 = arith.constant 0.000000e+00 : f32
        %broadcast_in_dim3A_550 = vector.broadcast %jit3A_549 : f32 to vector<16xf32>
        %select_n3A_551 = arith.select %lt3A_510, %mul3A_548, %broadcast_in_dim3A_550 : vector<16xi1>, vector<16xf32>
        %add3A_552 = arith.addf %add3A_538, %select_n3A_551 : vector<16xf32>
        scf.yield %add3A_552 : vector<16xf32>
      } else {
        scf.yield %while3A_329 : vector<16xf32>
      }
      %lt3A_337 = arith.constant 15 : i32
      %lt3A_338 = arith.cmpi slt, %scan3A_85, %lt3A_337 : i32
      %convert_element_type3A_339 = arith.extui %lt3A_338 : i1 to i32
      %cond3A_340 = arith.constant 0 : i32
      %cond3A_341 = arith.cmpi ne, %convert_element_type3A_339, %cond3A_340 : i32
      scf.if %cond3A_341 {
        %add3A_505 = arith.constant 2 : i32
        %add3A_506 = arith.addi %mul3A_88, %add3A_505 : i32
        %add3A_507 = arith.addi %mul3A_2, %add3A_506 : i32
        %lt3A_508 = arith.constant 16 : i32
        %lt3A_509 = arith.cmpi slt, %add3A_506, %lt3A_508 : i32
        %select_n3A_510 = arith.select %lt3A_509, %get3A_3, %get3A_5 : vector<16xi32>
        %jit3A_511 = arith.constant 16 : i32
        %eq3A_512 = arith.constant 0 : i32
        %eq3A_513 = arith.cmpi eq, %jit3A_511, %eq3A_512 : i32
        %jit3A_514 = arith.constant 1 : i32
        %select_n3A_515 = arith.select %eq3A_513, %jit3A_514, %jit3A_511 : i32
        %rem3A_516 = arith.remsi %add3A_506, %select_n3A_515 : i32
        %ne3A_517 = arith.constant 0 : i32
        %ne3A_518 = arith.cmpi ne, %rem3A_516, %ne3A_517 : i32
        %lt3A_519 = arith.constant 0 : i32
        %lt3A_520 = arith.cmpi slt, %rem3A_516, %lt3A_519 : i32
        %lt3A_521 = arith.constant 0 : i32
        %lt3A_522 = arith.cmpi slt, %select_n3A_515, %lt3A_521 : i32
        %ne3A_523 = arith.xori %lt3A_520, %lt3A_522 : i1
        %and3A_524 = arith.andi %ne3A_523, %ne3A_518 : i1
        %add3A_525 = arith.addi %rem3A_516, %select_n3A_515 : i32
        %select_n3A_526 = arith.select %and3A_524, %add3A_525, %rem3A_516 : i32
        %eq3A_527 = vector.broadcast %select_n3A_526 : i32 to vector<16xi32>
        %eq3A_528 = arith.cmpi eq, %iota3A, %eq3A_527 : vector<16xi32>
        %jit3A_529 = arith.constant 0 : i32
        %broadcast_in_dim3A_530 = vector.broadcast %jit3A_529 : i32 to vector<16xi32>
        %select_n3A_531 = arith.select %eq3A_528, %select_n3A_510, %broadcast_in_dim3A_530 : vector<16xi1>, vector<16xi32>
        %reduce_sum3A_532 = arith.constant true
        %reduce_sum3A_533 = vector.broadcast %reduce_sum3A_532 : i1 to vector<16xi1>
        %reduce_sum3A_534 = tpu.scan <sum>, %select_n3A_531 masked %reduce_sum3A_533 : vector<16xi32>, vector<16xi1> -> vector<16xi32>
        %reduce_sum3A_535 = vector.extract %reduce_sum3A_534[15] : i32 from vector<16xi32>
        %min3A_536 = arith.constant 1920 : i32
        %min3A_537 = arith.minsi %reduce_sum3A_535, %min3A_536 : i32
        %gt3A_538 = arith.constant 0 : i32
        %gt3A_539 = arith.cmpi sgt, %min3A_537, %gt3A_538 : i32
        %convert_element_type3A_540 = arith.extui %gt3A_539 : i1 to i32
        %cond3A_541 = arith.constant 0 : i32
        %cond3A_542 = arith.cmpi ne, %convert_element_type3A_540, %cond3A_541 : i32
        scf.if %cond3A_542 {
          %dma_start3A_598 = arith.constant 0 : i32
          %dma_start3A_599 = arith.constant 0 : i32
          %dma_start3A_600 = tpu.memref_slice %arg7[%dma_start3A_598, %dma_start3A_599] : memref<3x1920xf32, #tpu.memory_space<vmem>> -> memref<3x512xf32, #tpu.memory_space<vmem>>
          %dma_start3A_601 = arith.constant 0 : i32
          %dma_start3A_602 = arith.constant 0 : i32
          %dma_start3A_603 = tpu.memref_slice %arg2[%dma_start3A_601, %add3A_507, %dma_start3A_602] : memref<3x1024x2048xf32, #tpu.memory_space<hbm>> -> memref<3x1x512xf32, #tpu.memory_space<hbm>>
          %dma_start3A_604 = tpu.memref_squeeze %dma_start3A_603 : memref<3x1x512xf32, #tpu.memory_space<hbm>> -> memref<3x512xf32, #tpu.memory_space<hbm>>
          %dma_start3A_605 = arith.constant 0 : i32
          %dma_start3A_606 = arith.constant 0 : i32
          %dma_start3A_607 = tpu.memref_slice %arg7[%dma_start3A_605, %dma_start3A_606] : memref<3x1920xf32, #tpu.memory_space<vmem>> -> memref<3x512xf32, #tpu.memory_space<vmem>>
          %dma_start3A_608 = arith.constant 0 : i32
          %dma_start3A_609 = arith.constant 0 : i32
          %dma_start3A_610 = tpu.memref_slice %arg2[%dma_start3A_608, %add3A_507, %dma_start3A_609] : memref<3x1024x2048xf32, #tpu.memory_space<hbm>> -> memref<3x1x512xf32, #tpu.memory_space<hbm>>
          %dma_start3A_611 = tpu.memref_squeeze %dma_start3A_610 : memref<3x1x512xf32, #tpu.memory_space<hbm>> -> memref<3x512xf32, #tpu.memory_space<hbm>>
          tpu.enqueue_dma source(%dma_start3A_611 : memref<3x512xf32, #tpu.memory_space<hbm>>) target(%dma_start3A_607 : memref<3x512xf32, #tpu.memory_space<vmem>>) target_semaphore(%arg12 : memref<!tpu.dma_semaphore, #tpu.memory_space<semaphore_mem>>)
        } else {
        }
        %gt3A_543 = arith.constant 0 : i32
        %gt3A_544 = arith.cmpi sgt, %min3A_537, %gt3A_543 : i32
        %convert_element_type3A_545 = arith.extui %gt3A_544 : i1 to i32
        %cond3A_546 = arith.constant 0 : i32
        %cond3A_547 = arith.cmpi ne, %convert_element_type3A_545, %cond3A_546 : i32
        scf.if %cond3A_547 {
          %dma_start3A_598 = arith.constant 0 : i32
          %dma_start3A_599 = arith.constant 0 : i32
          %dma_start3A_600 = tpu.memref_slice %arg8[%dma_start3A_598, %dma_start3A_599] : memref<3x1920xf32, #tpu.memory_space<vmem>> -> memref<3x512xf32, #tpu.memory_space<vmem>>
          %dma_start3A_601 = arith.constant 0 : i32
          %dma_start3A_602 = arith.constant 0 : i32
          %dma_start3A_603 = tpu.memref_slice %arg3[%dma_start3A_601, %add3A_507, %dma_start3A_602] : memref<3x1024x2047xf32, #tpu.memory_space<hbm>> -> memref<3x1x512xf32, #tpu.memory_space<hbm>>
          %dma_start3A_604 = tpu.memref_squeeze %dma_start3A_603 : memref<3x1x512xf32, #tpu.memory_space<hbm>> -> memref<3x512xf32, #tpu.memory_space<hbm>>
          %dma_start3A_605 = arith.constant 0 : i32
          %dma_start3A_606 = arith.constant 0 : i32
          %dma_start3A_607 = tpu.memref_slice %arg8[%dma_start3A_605, %dma_start3A_606] : memref<3x1920xf32, #tpu.memory_space<vmem>> -> memref<3x512xf32, #tpu.memory_space<vmem>>
          %dma_start3A_608 = arith.constant 0 : i32
          %dma_start3A_609 = arith.constant 0 : i32
          %dma_start3A_610 = tpu.memref_slice %arg3[%dma_start3A_608, %add3A_507, %dma_start3A_609] : memref<3x1024x2047xf32, #tpu.memory_space<hbm>> -> memref<3x1x512xf32, #tpu.memory_space<hbm>>
          %dma_start3A_611 = tpu.memref_squeeze %dma_start3A_610 : memref<3x1x512xf32, #tpu.memory_space<hbm>> -> memref<3x512xf32, #tpu.memory_space<hbm>>
          tpu.enqueue_dma source(%dma_start3A_611 : memref<3x512xf32, #tpu.memory_space<hbm>>) target(%dma_start3A_607 : memref<3x512xf32, #tpu.memory_space<vmem>>) target_semaphore(%arg12 : memref<!tpu.dma_semaphore, #tpu.memory_space<semaphore_mem>>)
        } else {
        }
        %gt3A_548 = arith.constant 512 : i32
        %gt3A_549 = arith.cmpi sgt, %min3A_537, %gt3A_548 : i32
        %convert_element_type3A_550 = arith.extui %gt3A_549 : i1 to i32
        %cond3A_551 = arith.constant 0 : i32
        %cond3A_552 = arith.cmpi ne, %convert_element_type3A_550, %cond3A_551 : i32
        scf.if %cond3A_552 {
          %dma_start3A_598 = arith.constant 0 : i32
          %dma_start3A_599 = arith.constant 512 : i32
          %dma_start3A_600 = tpu.memref_slice %arg7[%dma_start3A_598, %dma_start3A_599] : memref<3x1920xf32, #tpu.memory_space<vmem>> -> memref<3x512xf32, #tpu.memory_space<vmem>>
          %dma_start3A_601 = arith.constant 0 : i32
          %dma_start3A_602 = arith.constant 512 : i32
          %dma_start3A_603 = tpu.memref_slice %arg2[%dma_start3A_601, %add3A_507, %dma_start3A_602] : memref<3x1024x2048xf32, #tpu.memory_space<hbm>> -> memref<3x1x512xf32, #tpu.memory_space<hbm>>
          %dma_start3A_604 = tpu.memref_squeeze %dma_start3A_603 : memref<3x1x512xf32, #tpu.memory_space<hbm>> -> memref<3x512xf32, #tpu.memory_space<hbm>>
          %dma_start3A_605 = arith.constant 0 : i32
          %dma_start3A_606 = arith.constant 512 : i32
          %dma_start3A_607 = tpu.memref_slice %arg7[%dma_start3A_605, %dma_start3A_606] : memref<3x1920xf32, #tpu.memory_space<vmem>> -> memref<3x512xf32, #tpu.memory_space<vmem>>
          %dma_start3A_608 = arith.constant 0 : i32
          %dma_start3A_609 = arith.constant 512 : i32
          %dma_start3A_610 = tpu.memref_slice %arg2[%dma_start3A_608, %add3A_507, %dma_start3A_609] : memref<3x1024x2048xf32, #tpu.memory_space<hbm>> -> memref<3x1x512xf32, #tpu.memory_space<hbm>>
          %dma_start3A_611 = tpu.memref_squeeze %dma_start3A_610 : memref<3x1x512xf32, #tpu.memory_space<hbm>> -> memref<3x512xf32, #tpu.memory_space<hbm>>
          tpu.enqueue_dma source(%dma_start3A_611 : memref<3x512xf32, #tpu.memory_space<hbm>>) target(%dma_start3A_607 : memref<3x512xf32, #tpu.memory_space<vmem>>) target_semaphore(%arg12 : memref<!tpu.dma_semaphore, #tpu.memory_space<semaphore_mem>>)
        } else {
        }
        %gt3A_553 = arith.constant 512 : i32
        %gt3A_554 = arith.cmpi sgt, %min3A_537, %gt3A_553 : i32
        %convert_element_type3A_555 = arith.extui %gt3A_554 : i1 to i32
        %cond3A_556 = arith.constant 0 : i32
        %cond3A_557 = arith.cmpi ne, %convert_element_type3A_555, %cond3A_556 : i32
        scf.if %cond3A_557 {
          %dma_start3A_598 = arith.constant 0 : i32
          %dma_start3A_599 = arith.constant 512 : i32
          %dma_start3A_600 = tpu.memref_slice %arg8[%dma_start3A_598, %dma_start3A_599] : memref<3x1920xf32, #tpu.memory_space<vmem>> -> memref<3x512xf32, #tpu.memory_space<vmem>>
          %dma_start3A_601 = arith.constant 0 : i32
          %dma_start3A_602 = arith.constant 512 : i32
          %dma_start3A_603 = tpu.memref_slice %arg3[%dma_start3A_601, %add3A_507, %dma_start3A_602] : memref<3x1024x2047xf32, #tpu.memory_space<hbm>> -> memref<3x1x512xf32, #tpu.memory_space<hbm>>
          %dma_start3A_604 = tpu.memref_squeeze %dma_start3A_603 : memref<3x1x512xf32, #tpu.memory_space<hbm>> -> memref<3x512xf32, #tpu.memory_space<hbm>>
          %dma_start3A_605 = arith.constant 0 : i32
          %dma_start3A_606 = arith.constant 512 : i32
          %dma_start3A_607 = tpu.memref_slice %arg8[%dma_start3A_605, %dma_start3A_606] : memref<3x1920xf32, #tpu.memory_space<vmem>> -> memref<3x512xf32, #tpu.memory_space<vmem>>
          %dma_start3A_608 = arith.constant 0 : i32
          %dma_start3A_609 = arith.constant 512 : i32
          %dma_start3A_610 = tpu.memref_slice %arg3[%dma_start3A_608, %add3A_507, %dma_start3A_609] : memref<3x1024x2047xf32, #tpu.memory_space<hbm>> -> memref<3x1x512xf32, #tpu.memory_space<hbm>>
          %dma_start3A_611 = tpu.memref_squeeze %dma_start3A_610 : memref<3x1x512xf32, #tpu.memory_space<hbm>> -> memref<3x512xf32, #tpu.memory_space<hbm>>
          tpu.enqueue_dma source(%dma_start3A_611 : memref<3x512xf32, #tpu.memory_space<hbm>>) target(%dma_start3A_607 : memref<3x512xf32, #tpu.memory_space<vmem>>) target_semaphore(%arg12 : memref<!tpu.dma_semaphore, #tpu.memory_space<semaphore_mem>>)
        } else {
        }
        %gt3A_558 = arith.constant 1024 : i32
        %gt3A_559 = arith.cmpi sgt, %min3A_537, %gt3A_558 : i32
        %convert_element_type3A_560 = arith.extui %gt3A_559 : i1 to i32
        %cond3A_561 = arith.constant 0 : i32
        %cond3A_562 = arith.cmpi ne, %convert_element_type3A_560, %cond3A_561 : i32
        scf.if %cond3A_562 {
          %dma_start3A_598 = arith.constant 0 : i32
          %dma_start3A_599 = arith.constant 1024 : i32
          %dma_start3A_600 = tpu.memref_slice %arg7[%dma_start3A_598, %dma_start3A_599] : memref<3x1920xf32, #tpu.memory_space<vmem>> -> memref<3x512xf32, #tpu.memory_space<vmem>>
          %dma_start3A_601 = arith.constant 0 : i32
          %dma_start3A_602 = arith.constant 1024 : i32
          %dma_start3A_603 = tpu.memref_slice %arg2[%dma_start3A_601, %add3A_507, %dma_start3A_602] : memref<3x1024x2048xf32, #tpu.memory_space<hbm>> -> memref<3x1x512xf32, #tpu.memory_space<hbm>>
          %dma_start3A_604 = tpu.memref_squeeze %dma_start3A_603 : memref<3x1x512xf32, #tpu.memory_space<hbm>> -> memref<3x512xf32, #tpu.memory_space<hbm>>
          %dma_start3A_605 = arith.constant 0 : i32
          %dma_start3A_606 = arith.constant 1024 : i32
          %dma_start3A_607 = tpu.memref_slice %arg7[%dma_start3A_605, %dma_start3A_606] : memref<3x1920xf32, #tpu.memory_space<vmem>> -> memref<3x512xf32, #tpu.memory_space<vmem>>
          %dma_start3A_608 = arith.constant 0 : i32
          %dma_start3A_609 = arith.constant 1024 : i32
          %dma_start3A_610 = tpu.memref_slice %arg2[%dma_start3A_608, %add3A_507, %dma_start3A_609] : memref<3x1024x2048xf32, #tpu.memory_space<hbm>> -> memref<3x1x512xf32, #tpu.memory_space<hbm>>
          %dma_start3A_611 = tpu.memref_squeeze %dma_start3A_610 : memref<3x1x512xf32, #tpu.memory_space<hbm>> -> memref<3x512xf32, #tpu.memory_space<hbm>>
          tpu.enqueue_dma source(%dma_start3A_611 : memref<3x512xf32, #tpu.memory_space<hbm>>) target(%dma_start3A_607 : memref<3x512xf32, #tpu.memory_space<vmem>>) target_semaphore(%arg12 : memref<!tpu.dma_semaphore, #tpu.memory_space<semaphore_mem>>)
        } else {
        }
        %gt3A_563 = arith.constant 1024 : i32
        %gt3A_564 = arith.cmpi sgt, %min3A_537, %gt3A_563 : i32
        %convert_element_type3A_565 = arith.extui %gt3A_564 : i1 to i32
        %cond3A_566 = arith.constant 0 : i32
        %cond3A_567 = arith.cmpi ne, %convert_element_type3A_565, %cond3A_566 : i32
        scf.if %cond3A_567 {
          %dma_start3A_598 = arith.constant 0 : i32
          %dma_start3A_599 = arith.constant 1024 : i32
          %dma_start3A_600 = tpu.memref_slice %arg8[%dma_start3A_598, %dma_start3A_599] : memref<3x1920xf32, #tpu.memory_space<vmem>> -> memref<3x512xf32, #tpu.memory_space<vmem>>
          %dma_start3A_601 = arith.constant 0 : i32
          %dma_start3A_602 = arith.constant 1024 : i32
          %dma_start3A_603 = tpu.memref_slice %arg3[%dma_start3A_601, %add3A_507, %dma_start3A_602] : memref<3x1024x2047xf32, #tpu.memory_space<hbm>> -> memref<3x1x512xf32, #tpu.memory_space<hbm>>
          %dma_start3A_604 = tpu.memref_squeeze %dma_start3A_603 : memref<3x1x512xf32, #tpu.memory_space<hbm>> -> memref<3x512xf32, #tpu.memory_space<hbm>>
          %dma_start3A_605 = arith.constant 0 : i32
          %dma_start3A_606 = arith.constant 1024 : i32
          %dma_start3A_607 = tpu.memref_slice %arg8[%dma_start3A_605, %dma_start3A_606] : memref<3x1920xf32, #tpu.memory_space<vmem>> -> memref<3x512xf32, #tpu.memory_space<vmem>>
          %dma_start3A_608 = arith.constant 0 : i32
          %dma_start3A_609 = arith.constant 1024 : i32
          %dma_start3A_610 = tpu.memref_slice %arg3[%dma_start3A_608, %add3A_507, %dma_start3A_609] : memref<3x1024x2047xf32, #tpu.memory_space<hbm>> -> memref<3x1x512xf32, #tpu.memory_space<hbm>>
          %dma_start3A_611 = tpu.memref_squeeze %dma_start3A_610 : memref<3x1x512xf32, #tpu.memory_space<hbm>> -> memref<3x512xf32, #tpu.memory_space<hbm>>
          tpu.enqueue_dma source(%dma_start3A_611 : memref<3x512xf32, #tpu.memory_space<hbm>>) target(%dma_start3A_607 : memref<3x512xf32, #tpu.memory_space<vmem>>) target_semaphore(%arg12 : memref<!tpu.dma_semaphore, #tpu.memory_space<semaphore_mem>>)
        } else {
        }
        %gt3A_568 = arith.constant 1536 : i32
        %gt3A_569 = arith.cmpi sgt, %min3A_537, %gt3A_568 : i32
        %convert_element_type3A_570 = arith.extui %gt3A_569 : i1 to i32
        %cond3A_571 = arith.constant 0 : i32
        %cond3A_572 = arith.cmpi ne, %convert_element_type3A_570, %cond3A_571 : i32
        scf.if %cond3A_572 {
          %dma_start3A_598 = arith.constant 0 : i32
          %dma_start3A_599 = arith.constant 1536 : i32
          %dma_start3A_600 = tpu.memref_slice %arg7[%dma_start3A_598, %dma_start3A_599] : memref<3x1920xf32, #tpu.memory_space<vmem>> -> memref<3x128xf32, #tpu.memory_space<vmem>>
          %dma_start3A_601 = arith.constant 0 : i32
          %dma_start3A_602 = arith.constant 1536 : i32
          %dma_start3A_603 = tpu.memref_slice %arg2[%dma_start3A_601, %add3A_507, %dma_start3A_602] : memref<3x1024x2048xf32, #tpu.memory_space<hbm>> -> memref<3x1x128xf32, #tpu.memory_space<hbm>>
          %dma_start3A_604 = tpu.memref_squeeze %dma_start3A_603 : memref<3x1x128xf32, #tpu.memory_space<hbm>> -> memref<3x128xf32, #tpu.memory_space<hbm>>
          %dma_start3A_605 = arith.constant 0 : i32
          %dma_start3A_606 = arith.constant 1536 : i32
          %dma_start3A_607 = tpu.memref_slice %arg7[%dma_start3A_605, %dma_start3A_606] : memref<3x1920xf32, #tpu.memory_space<vmem>> -> memref<3x128xf32, #tpu.memory_space<vmem>>
          %dma_start3A_608 = arith.constant 0 : i32
          %dma_start3A_609 = arith.constant 1536 : i32
          %dma_start3A_610 = tpu.memref_slice %arg2[%dma_start3A_608, %add3A_507, %dma_start3A_609] : memref<3x1024x2048xf32, #tpu.memory_space<hbm>> -> memref<3x1x128xf32, #tpu.memory_space<hbm>>
          %dma_start3A_611 = tpu.memref_squeeze %dma_start3A_610 : memref<3x1x128xf32, #tpu.memory_space<hbm>> -> memref<3x128xf32, #tpu.memory_space<hbm>>
          tpu.enqueue_dma source(%dma_start3A_611 : memref<3x128xf32, #tpu.memory_space<hbm>>) target(%dma_start3A_607 : memref<3x128xf32, #tpu.memory_space<vmem>>) target_semaphore(%arg12 : memref<!tpu.dma_semaphore, #tpu.memory_space<semaphore_mem>>)
        } else {
        }
        %gt3A_573 = arith.constant 1536 : i32
        %gt3A_574 = arith.cmpi sgt, %min3A_537, %gt3A_573 : i32
        %convert_element_type3A_575 = arith.extui %gt3A_574 : i1 to i32
        %cond3A_576 = arith.constant 0 : i32
        %cond3A_577 = arith.cmpi ne, %convert_element_type3A_575, %cond3A_576 : i32
        scf.if %cond3A_577 {
          %dma_start3A_598 = arith.constant 0 : i32
          %dma_start3A_599 = arith.constant 1536 : i32
          %dma_start3A_600 = tpu.memref_slice %arg8[%dma_start3A_598, %dma_start3A_599] : memref<3x1920xf32, #tpu.memory_space<vmem>> -> memref<3x128xf32, #tpu.memory_space<vmem>>
          %dma_start3A_601 = arith.constant 0 : i32
          %dma_start3A_602 = arith.constant 1536 : i32
          %dma_start3A_603 = tpu.memref_slice %arg3[%dma_start3A_601, %add3A_507, %dma_start3A_602] : memref<3x1024x2047xf32, #tpu.memory_space<hbm>> -> memref<3x1x128xf32, #tpu.memory_space<hbm>>
          %dma_start3A_604 = tpu.memref_squeeze %dma_start3A_603 : memref<3x1x128xf32, #tpu.memory_space<hbm>> -> memref<3x128xf32, #tpu.memory_space<hbm>>
          %dma_start3A_605 = arith.constant 0 : i32
          %dma_start3A_606 = arith.constant 1536 : i32
          %dma_start3A_607 = tpu.memref_slice %arg8[%dma_start3A_605, %dma_start3A_606] : memref<3x1920xf32, #tpu.memory_space<vmem>> -> memref<3x128xf32, #tpu.memory_space<vmem>>
          %dma_start3A_608 = arith.constant 0 : i32
          %dma_start3A_609 = arith.constant 1536 : i32
          %dma_start3A_610 = tpu.memref_slice %arg3[%dma_start3A_608, %add3A_507, %dma_start3A_609] : memref<3x1024x2047xf32, #tpu.memory_space<hbm>> -> memref<3x1x128xf32, #tpu.memory_space<hbm>>
          %dma_start3A_611 = tpu.memref_squeeze %dma_start3A_610 : memref<3x1x128xf32, #tpu.memory_space<hbm>> -> memref<3x128xf32, #tpu.memory_space<hbm>>
          tpu.enqueue_dma source(%dma_start3A_611 : memref<3x128xf32, #tpu.memory_space<hbm>>) target(%dma_start3A_607 : memref<3x128xf32, #tpu.memory_space<vmem>>) target_semaphore(%arg12 : memref<!tpu.dma_semaphore, #tpu.memory_space<semaphore_mem>>)
        } else {
        }
        %gt3A_578 = arith.constant 1664 : i32
        %gt3A_579 = arith.cmpi sgt, %min3A_537, %gt3A_578 : i32
        %convert_element_type3A_580 = arith.extui %gt3A_579 : i1 to i32
        %cond3A_581 = arith.constant 0 : i32
        %cond3A_582 = arith.cmpi ne, %convert_element_type3A_580, %cond3A_581 : i32
        scf.if %cond3A_582 {
          %dma_start3A_598 = arith.constant 0 : i32
          %dma_start3A_599 = arith.constant 1664 : i32
          %dma_start3A_600 = tpu.memref_slice %arg7[%dma_start3A_598, %dma_start3A_599] : memref<3x1920xf32, #tpu.memory_space<vmem>> -> memref<3x128xf32, #tpu.memory_space<vmem>>
          %dma_start3A_601 = arith.constant 0 : i32
          %dma_start3A_602 = arith.constant 1664 : i32
          %dma_start3A_603 = tpu.memref_slice %arg2[%dma_start3A_601, %add3A_507, %dma_start3A_602] : memref<3x1024x2048xf32, #tpu.memory_space<hbm>> -> memref<3x1x128xf32, #tpu.memory_space<hbm>>
          %dma_start3A_604 = tpu.memref_squeeze %dma_start3A_603 : memref<3x1x128xf32, #tpu.memory_space<hbm>> -> memref<3x128xf32, #tpu.memory_space<hbm>>
          %dma_start3A_605 = arith.constant 0 : i32
          %dma_start3A_606 = arith.constant 1664 : i32
          %dma_start3A_607 = tpu.memref_slice %arg7[%dma_start3A_605, %dma_start3A_606] : memref<3x1920xf32, #tpu.memory_space<vmem>> -> memref<3x128xf32, #tpu.memory_space<vmem>>
          %dma_start3A_608 = arith.constant 0 : i32
          %dma_start3A_609 = arith.constant 1664 : i32
          %dma_start3A_610 = tpu.memref_slice %arg2[%dma_start3A_608, %add3A_507, %dma_start3A_609] : memref<3x1024x2048xf32, #tpu.memory_space<hbm>> -> memref<3x1x128xf32, #tpu.memory_space<hbm>>
          %dma_start3A_611 = tpu.memref_squeeze %dma_start3A_610 : memref<3x1x128xf32, #tpu.memory_space<hbm>> -> memref<3x128xf32, #tpu.memory_space<hbm>>
          tpu.enqueue_dma source(%dma_start3A_611 : memref<3x128xf32, #tpu.memory_space<hbm>>) target(%dma_start3A_607 : memref<3x128xf32, #tpu.memory_space<vmem>>) target_semaphore(%arg12 : memref<!tpu.dma_semaphore, #tpu.memory_space<semaphore_mem>>)
        } else {
        }
        %gt3A_583 = arith.constant 1664 : i32
        %gt3A_584 = arith.cmpi sgt, %min3A_537, %gt3A_583 : i32
        %convert_element_type3A_585 = arith.extui %gt3A_584 : i1 to i32
        %cond3A_586 = arith.constant 0 : i32
        %cond3A_587 = arith.cmpi ne, %convert_element_type3A_585, %cond3A_586 : i32
        scf.if %cond3A_587 {
          %dma_start3A_598 = arith.constant 0 : i32
          %dma_start3A_599 = arith.constant 1664 : i32
          %dma_start3A_600 = tpu.memref_slice %arg8[%dma_start3A_598, %dma_start3A_599] : memref<3x1920xf32, #tpu.memory_space<vmem>> -> memref<3x128xf32, #tpu.memory_space<vmem>>
          %dma_start3A_601 = arith.constant 0 : i32
          %dma_start3A_602 = arith.constant 1664 : i32
          %dma_start3A_603 = tpu.memref_slice %arg3[%dma_start3A_601, %add3A_507, %dma_start3A_602] : memref<3x1024x2047xf32, #tpu.memory_space<hbm>> -> memref<3x1x128xf32, #tpu.memory_space<hbm>>
          %dma_start3A_604 = tpu.memref_squeeze %dma_start3A_603 : memref<3x1x128xf32, #tpu.memory_space<hbm>> -> memref<3x128xf32, #tpu.memory_space<hbm>>
          %dma_start3A_605 = arith.constant 0 : i32
          %dma_start3A_606 = arith.constant 1664 : i32
          %dma_start3A_607 = tpu.memref_slice %arg8[%dma_start3A_605, %dma_start3A_606] : memref<3x1920xf32, #tpu.memory_space<vmem>> -> memref<3x128xf32, #tpu.memory_space<vmem>>
          %dma_start3A_608 = arith.constant 0 : i32
          %dma_start3A_609 = arith.constant 1664 : i32
          %dma_start3A_610 = tpu.memref_slice %arg3[%dma_start3A_608, %add3A_507, %dma_start3A_609] : memref<3x1024x2047xf32, #tpu.memory_space<hbm>> -> memref<3x1x128xf32, #tpu.memory_space<hbm>>
          %dma_start3A_611 = tpu.memref_squeeze %dma_start3A_610 : memref<3x1x128xf32, #tpu.memory_space<hbm>> -> memref<3x128xf32, #tpu.memory_space<hbm>>
          tpu.enqueue_dma source(%dma_start3A_611 : memref<3x128xf32, #tpu.memory_space<hbm>>) target(%dma_start3A_607 : memref<3x128xf32, #tpu.memory_space<vmem>>) target_semaphore(%arg12 : memref<!tpu.dma_semaphore, #tpu.memory_space<semaphore_mem>>)
        } else {
        }
        %gt3A_588 = arith.constant 1792 : i32
        %gt3A_589 = arith.cmpi sgt, %min3A_537, %gt3A_588 : i32
        %convert_element_type3A_590 = arith.extui %gt3A_589 : i1 to i32
        %cond3A_591 = arith.constant 0 : i32
        %cond3A_592 = arith.cmpi ne, %convert_element_type3A_590, %cond3A_591 : i32
        scf.if %cond3A_592 {
          %dma_start3A_598 = arith.constant 0 : i32
          %dma_start3A_599 = arith.constant 1792 : i32
          %dma_start3A_600 = tpu.memref_slice %arg7[%dma_start3A_598, %dma_start3A_599] : memref<3x1920xf32, #tpu.memory_space<vmem>> -> memref<3x128xf32, #tpu.memory_space<vmem>>
          %dma_start3A_601 = arith.constant 0 : i32
          %dma_start3A_602 = arith.constant 1792 : i32
          %dma_start3A_603 = tpu.memref_slice %arg2[%dma_start3A_601, %add3A_507, %dma_start3A_602] : memref<3x1024x2048xf32, #tpu.memory_space<hbm>> -> memref<3x1x128xf32, #tpu.memory_space<hbm>>
          %dma_start3A_604 = tpu.memref_squeeze %dma_start3A_603 : memref<3x1x128xf32, #tpu.memory_space<hbm>> -> memref<3x128xf32, #tpu.memory_space<hbm>>
          %dma_start3A_605 = arith.constant 0 : i32
          %dma_start3A_606 = arith.constant 1792 : i32
          %dma_start3A_607 = tpu.memref_slice %arg7[%dma_start3A_605, %dma_start3A_606] : memref<3x1920xf32, #tpu.memory_space<vmem>> -> memref<3x128xf32, #tpu.memory_space<vmem>>
          %dma_start3A_608 = arith.constant 0 : i32
          %dma_start3A_609 = arith.constant 1792 : i32
          %dma_start3A_610 = tpu.memref_slice %arg2[%dma_start3A_608, %add3A_507, %dma_start3A_609] : memref<3x1024x2048xf32, #tpu.memory_space<hbm>> -> memref<3x1x128xf32, #tpu.memory_space<hbm>>
          %dma_start3A_611 = tpu.memref_squeeze %dma_start3A_610 : memref<3x1x128xf32, #tpu.memory_space<hbm>> -> memref<3x128xf32, #tpu.memory_space<hbm>>
          tpu.enqueue_dma source(%dma_start3A_611 : memref<3x128xf32, #tpu.memory_space<hbm>>) target(%dma_start3A_607 : memref<3x128xf32, #tpu.memory_space<vmem>>) target_semaphore(%arg12 : memref<!tpu.dma_semaphore, #tpu.memory_space<semaphore_mem>>)
        } else {
        }
        %gt3A_593 = arith.constant 1792 : i32
        %gt3A_594 = arith.cmpi sgt, %min3A_537, %gt3A_593 : i32
        %convert_element_type3A_595 = arith.extui %gt3A_594 : i1 to i32
        %cond3A_596 = arith.constant 0 : i32
        %cond3A_597 = arith.cmpi ne, %convert_element_type3A_595, %cond3A_596 : i32
        scf.if %cond3A_597 {
          %dma_start3A_598 = arith.constant 0 : i32
          %dma_start3A_599 = arith.constant 1792 : i32
          %dma_start3A_600 = tpu.memref_slice %arg8[%dma_start3A_598, %dma_start3A_599] : memref<3x1920xf32, #tpu.memory_space<vmem>> -> memref<3x128xf32, #tpu.memory_space<vmem>>
          %dma_start3A_601 = arith.constant 0 : i32
          %dma_start3A_602 = arith.constant 1792 : i32
          %dma_start3A_603 = tpu.memref_slice %arg3[%dma_start3A_601, %add3A_507, %dma_start3A_602] : memref<3x1024x2047xf32, #tpu.memory_space<hbm>> -> memref<3x1x128xf32, #tpu.memory_space<hbm>>
          %dma_start3A_604 = tpu.memref_squeeze %dma_start3A_603 : memref<3x1x128xf32, #tpu.memory_space<hbm>> -> memref<3x128xf32, #tpu.memory_space<hbm>>
          %dma_start3A_605 = arith.constant 0 : i32
          %dma_start3A_606 = arith.constant 1792 : i32
          %dma_start3A_607 = tpu.memref_slice %arg8[%dma_start3A_605, %dma_start3A_606] : memref<3x1920xf32, #tpu.memory_space<vmem>> -> memref<3x128xf32, #tpu.memory_space<vmem>>
          %dma_start3A_608 = arith.constant 0 : i32
          %dma_start3A_609 = arith.constant 1792 : i32
          %dma_start3A_610 = tpu.memref_slice %arg3[%dma_start3A_608, %add3A_507, %dma_start3A_609] : memref<3x1024x2047xf32, #tpu.memory_space<hbm>> -> memref<3x1x128xf32, #tpu.memory_space<hbm>>
          %dma_start3A_611 = tpu.memref_squeeze %dma_start3A_610 : memref<3x1x128xf32, #tpu.memory_space<hbm>> -> memref<3x128xf32, #tpu.memory_space<hbm>>
          tpu.enqueue_dma source(%dma_start3A_611 : memref<3x128xf32, #tpu.memory_space<hbm>>) target(%dma_start3A_607 : memref<3x128xf32, #tpu.memory_space<vmem>>) target_semaphore(%arg12 : memref<!tpu.dma_semaphore, #tpu.memory_space<semaphore_mem>>)
        } else {
        }
      } else {
      }
      %add3A_342 = arith.addi %mul3A_2, %add3A_90 : i32
      %lt3A_343 = arith.constant 16 : i32
      %lt3A_344 = arith.cmpi slt, %add3A_90, %lt3A_343 : i32
      %select_n3A_345 = arith.select %lt3A_344, %get3A_3, %get3A_5 : vector<16xi32>
      %jit3A_346 = arith.constant 16 : i32
      %eq3A_347 = arith.constant 0 : i32
      %eq3A_348 = arith.cmpi eq, %jit3A_346, %eq3A_347 : i32
      %jit3A_349 = arith.constant 1 : i32
      %select_n3A_350 = arith.select %eq3A_348, %jit3A_349, %jit3A_346 : i32
      %rem3A_351 = arith.remsi %add3A_90, %select_n3A_350 : i32
      %ne3A_352 = arith.constant 0 : i32
      %ne3A_353 = arith.cmpi ne, %rem3A_351, %ne3A_352 : i32
      %lt3A_354 = arith.constant 0 : i32
      %lt3A_355 = arith.cmpi slt, %rem3A_351, %lt3A_354 : i32
      %lt3A_356 = arith.constant 0 : i32
      %lt3A_357 = arith.cmpi slt, %select_n3A_350, %lt3A_356 : i32
      %ne3A_358 = arith.xori %lt3A_355, %lt3A_357 : i1
      %and3A_359 = arith.andi %ne3A_358, %ne3A_353 : i1
      %add3A_360 = arith.addi %rem3A_351, %select_n3A_350 : i32
      %select_n3A_361 = arith.select %and3A_359, %add3A_360, %rem3A_351 : i32
      %eq3A_362 = vector.broadcast %select_n3A_361 : i32 to vector<16xi32>
      %eq3A_363 = arith.cmpi eq, %iota3A, %eq3A_362 : vector<16xi32>
      %jit3A_364 = arith.constant 0 : i32
      %broadcast_in_dim3A_365 = vector.broadcast %jit3A_364 : i32 to vector<16xi32>
      %select_n3A_366 = arith.select %eq3A_363, %select_n3A_345, %broadcast_in_dim3A_365 : vector<16xi1>, vector<16xi32>
      %reduce_sum3A_367 = arith.constant true
      %reduce_sum3A_368 = vector.broadcast %reduce_sum3A_367 : i1 to vector<16xi1>
      %reduce_sum3A_369 = tpu.scan <sum>, %select_n3A_366 masked %reduce_sum3A_368 : vector<16xi32>, vector<16xi1> -> vector<16xi32>
      %reduce_sum3A_370 = vector.extract %reduce_sum3A_369[15] : i32 from vector<16xi32>
      %min3A_371 = arith.constant 1920 : i32
      %min3A_372 = arith.minsi %reduce_sum3A_370, %min3A_371 : i32
      %gt3A_373 = arith.constant 0 : i32
      %gt3A_374 = arith.cmpi sgt, %min3A_372, %gt3A_373 : i32
      %convert_element_type3A_375 = arith.extui %gt3A_374 : i1 to i32
      %cond3A_376 = arith.constant 0 : i32
      %cond3A_377 = arith.cmpi ne, %convert_element_type3A_375, %cond3A_376 : i32
      scf.if %cond3A_377 {
        %dma_wait3A_505 = arith.constant 0 : i32
        %dma_wait3A_506 = arith.constant 0 : i32
        %dma_wait3A_507 = tpu.memref_slice %arg9[%dma_wait3A_505, %dma_wait3A_506] : memref<3x1920xf32, #tpu.memory_space<vmem>> -> memref<3x512xf32, #tpu.memory_space<vmem>>
        %dma_wait3A_508 = arith.constant 0 : i32
        %dma_wait3A_509 = arith.constant 0 : i32
        %dma_wait3A_510 = tpu.memref_slice %arg2[%dma_wait3A_508, %add3A_342, %dma_wait3A_509] : memref<3x1024x2048xf32, #tpu.memory_space<hbm>> -> memref<3x1x512xf32, #tpu.memory_space<hbm>>
        %dma_wait3A_511 = tpu.memref_squeeze %dma_wait3A_510 : memref<3x1x512xf32, #tpu.memory_space<hbm>> -> memref<3x512xf32, #tpu.memory_space<hbm>>
        %dma_wait3A_512 = arith.constant 0 : i32
        %dma_wait3A_513 = arith.constant 0 : i32
        %dma_wait3A_514 = tpu.memref_slice %arg9[%dma_wait3A_512, %dma_wait3A_513] : memref<3x1920xf32, #tpu.memory_space<vmem>> -> memref<3x512xf32, #tpu.memory_space<vmem>>
        %dma_wait3A_515 = arith.constant 0 : i32
        %dma_wait3A_516 = arith.constant 0 : i32
        %dma_wait3A_517 = tpu.memref_slice %arg2[%dma_wait3A_515, %add3A_342, %dma_wait3A_516] : memref<3x1024x2048xf32, #tpu.memory_space<hbm>> -> memref<3x1x512xf32, #tpu.memory_space<hbm>>
        %dma_wait3A_518 = tpu.memref_squeeze %dma_wait3A_517 : memref<3x1x512xf32, #tpu.memory_space<hbm>> -> memref<3x512xf32, #tpu.memory_space<hbm>>
        tpu.wait_dma2 semaphore(%arg13 : memref<!tpu.dma_semaphore, #tpu.memory_space<semaphore_mem>>) src(%dma_wait3A_518 : memref<3x512xf32, #tpu.memory_space<hbm>>) dst(%dma_wait3A_514 : memref<3x512xf32, #tpu.memory_space<vmem>>)
      } else {
      }
      %gt3A_378 = arith.constant 0 : i32
      %gt3A_379 = arith.cmpi sgt, %min3A_372, %gt3A_378 : i32
      %convert_element_type3A_380 = arith.extui %gt3A_379 : i1 to i32
      %cond3A_381 = arith.constant 0 : i32
      %cond3A_382 = arith.cmpi ne, %convert_element_type3A_380, %cond3A_381 : i32
      scf.if %cond3A_382 {
        %dma_wait3A_505 = arith.constant 0 : i32
        %dma_wait3A_506 = arith.constant 0 : i32
        %dma_wait3A_507 = tpu.memref_slice %arg10[%dma_wait3A_505, %dma_wait3A_506] : memref<3x1920xf32, #tpu.memory_space<vmem>> -> memref<3x512xf32, #tpu.memory_space<vmem>>
        %dma_wait3A_508 = arith.constant 0 : i32
        %dma_wait3A_509 = arith.constant 0 : i32
        %dma_wait3A_510 = tpu.memref_slice %arg3[%dma_wait3A_508, %add3A_342, %dma_wait3A_509] : memref<3x1024x2047xf32, #tpu.memory_space<hbm>> -> memref<3x1x512xf32, #tpu.memory_space<hbm>>
        %dma_wait3A_511 = tpu.memref_squeeze %dma_wait3A_510 : memref<3x1x512xf32, #tpu.memory_space<hbm>> -> memref<3x512xf32, #tpu.memory_space<hbm>>
        %dma_wait3A_512 = arith.constant 0 : i32
        %dma_wait3A_513 = arith.constant 0 : i32
        %dma_wait3A_514 = tpu.memref_slice %arg10[%dma_wait3A_512, %dma_wait3A_513] : memref<3x1920xf32, #tpu.memory_space<vmem>> -> memref<3x512xf32, #tpu.memory_space<vmem>>
        %dma_wait3A_515 = arith.constant 0 : i32
        %dma_wait3A_516 = arith.constant 0 : i32
        %dma_wait3A_517 = tpu.memref_slice %arg3[%dma_wait3A_515, %add3A_342, %dma_wait3A_516] : memref<3x1024x2047xf32, #tpu.memory_space<hbm>> -> memref<3x1x512xf32, #tpu.memory_space<hbm>>
        %dma_wait3A_518 = tpu.memref_squeeze %dma_wait3A_517 : memref<3x1x512xf32, #tpu.memory_space<hbm>> -> memref<3x512xf32, #tpu.memory_space<hbm>>
        tpu.wait_dma2 semaphore(%arg13 : memref<!tpu.dma_semaphore, #tpu.memory_space<semaphore_mem>>) src(%dma_wait3A_518 : memref<3x512xf32, #tpu.memory_space<hbm>>) dst(%dma_wait3A_514 : memref<3x512xf32, #tpu.memory_space<vmem>>)
      } else {
      }
      %gt3A_383 = arith.constant 512 : i32
      %gt3A_384 = arith.cmpi sgt, %min3A_372, %gt3A_383 : i32
      %convert_element_type3A_385 = arith.extui %gt3A_384 : i1 to i32
      %cond3A_386 = arith.constant 0 : i32
      %cond3A_387 = arith.cmpi ne, %convert_element_type3A_385, %cond3A_386 : i32
      scf.if %cond3A_387 {
        %dma_wait3A_505 = arith.constant 0 : i32
        %dma_wait3A_506 = arith.constant 512 : i32
        %dma_wait3A_507 = tpu.memref_slice %arg9[%dma_wait3A_505, %dma_wait3A_506] : memref<3x1920xf32, #tpu.memory_space<vmem>> -> memref<3x512xf32, #tpu.memory_space<vmem>>
        %dma_wait3A_508 = arith.constant 0 : i32
        %dma_wait3A_509 = arith.constant 512 : i32
        %dma_wait3A_510 = tpu.memref_slice %arg2[%dma_wait3A_508, %add3A_342, %dma_wait3A_509] : memref<3x1024x2048xf32, #tpu.memory_space<hbm>> -> memref<3x1x512xf32, #tpu.memory_space<hbm>>
        %dma_wait3A_511 = tpu.memref_squeeze %dma_wait3A_510 : memref<3x1x512xf32, #tpu.memory_space<hbm>> -> memref<3x512xf32, #tpu.memory_space<hbm>>
        %dma_wait3A_512 = arith.constant 0 : i32
        %dma_wait3A_513 = arith.constant 512 : i32
        %dma_wait3A_514 = tpu.memref_slice %arg9[%dma_wait3A_512, %dma_wait3A_513] : memref<3x1920xf32, #tpu.memory_space<vmem>> -> memref<3x512xf32, #tpu.memory_space<vmem>>
        %dma_wait3A_515 = arith.constant 0 : i32
        %dma_wait3A_516 = arith.constant 512 : i32
        %dma_wait3A_517 = tpu.memref_slice %arg2[%dma_wait3A_515, %add3A_342, %dma_wait3A_516] : memref<3x1024x2048xf32, #tpu.memory_space<hbm>> -> memref<3x1x512xf32, #tpu.memory_space<hbm>>
        %dma_wait3A_518 = tpu.memref_squeeze %dma_wait3A_517 : memref<3x1x512xf32, #tpu.memory_space<hbm>> -> memref<3x512xf32, #tpu.memory_space<hbm>>
        tpu.wait_dma2 semaphore(%arg13 : memref<!tpu.dma_semaphore, #tpu.memory_space<semaphore_mem>>) src(%dma_wait3A_518 : memref<3x512xf32, #tpu.memory_space<hbm>>) dst(%dma_wait3A_514 : memref<3x512xf32, #tpu.memory_space<vmem>>)
      } else {
      }
      %gt3A_388 = arith.constant 512 : i32
      %gt3A_389 = arith.cmpi sgt, %min3A_372, %gt3A_388 : i32
      %convert_element_type3A_390 = arith.extui %gt3A_389 : i1 to i32
      %cond3A_391 = arith.constant 0 : i32
      %cond3A_392 = arith.cmpi ne, %convert_element_type3A_390, %cond3A_391 : i32
      scf.if %cond3A_392 {
        %dma_wait3A_505 = arith.constant 0 : i32
        %dma_wait3A_506 = arith.constant 512 : i32
        %dma_wait3A_507 = tpu.memref_slice %arg10[%dma_wait3A_505, %dma_wait3A_506] : memref<3x1920xf32, #tpu.memory_space<vmem>> -> memref<3x512xf32, #tpu.memory_space<vmem>>
        %dma_wait3A_508 = arith.constant 0 : i32
        %dma_wait3A_509 = arith.constant 512 : i32
        %dma_wait3A_510 = tpu.memref_slice %arg3[%dma_wait3A_508, %add3A_342, %dma_wait3A_509] : memref<3x1024x2047xf32, #tpu.memory_space<hbm>> -> memref<3x1x512xf32, #tpu.memory_space<hbm>>
        %dma_wait3A_511 = tpu.memref_squeeze %dma_wait3A_510 : memref<3x1x512xf32, #tpu.memory_space<hbm>> -> memref<3x512xf32, #tpu.memory_space<hbm>>
        %dma_wait3A_512 = arith.constant 0 : i32
        %dma_wait3A_513 = arith.constant 512 : i32
        %dma_wait3A_514 = tpu.memref_slice %arg10[%dma_wait3A_512, %dma_wait3A_513] : memref<3x1920xf32, #tpu.memory_space<vmem>> -> memref<3x512xf32, #tpu.memory_space<vmem>>
        %dma_wait3A_515 = arith.constant 0 : i32
        %dma_wait3A_516 = arith.constant 512 : i32
        %dma_wait3A_517 = tpu.memref_slice %arg3[%dma_wait3A_515, %add3A_342, %dma_wait3A_516] : memref<3x1024x2047xf32, #tpu.memory_space<hbm>> -> memref<3x1x512xf32, #tpu.memory_space<hbm>>
        %dma_wait3A_518 = tpu.memref_squeeze %dma_wait3A_517 : memref<3x1x512xf32, #tpu.memory_space<hbm>> -> memref<3x512xf32, #tpu.memory_space<hbm>>
        tpu.wait_dma2 semaphore(%arg13 : memref<!tpu.dma_semaphore, #tpu.memory_space<semaphore_mem>>) src(%dma_wait3A_518 : memref<3x512xf32, #tpu.memory_space<hbm>>) dst(%dma_wait3A_514 : memref<3x512xf32, #tpu.memory_space<vmem>>)
      } else {
      }
      %gt3A_393 = arith.constant 1024 : i32
      %gt3A_394 = arith.cmpi sgt, %min3A_372, %gt3A_393 : i32
      %convert_element_type3A_395 = arith.extui %gt3A_394 : i1 to i32
      %cond3A_396 = arith.constant 0 : i32
      %cond3A_397 = arith.cmpi ne, %convert_element_type3A_395, %cond3A_396 : i32
      scf.if %cond3A_397 {
        %dma_wait3A_505 = arith.constant 0 : i32
        %dma_wait3A_506 = arith.constant 1024 : i32
        %dma_wait3A_507 = tpu.memref_slice %arg9[%dma_wait3A_505, %dma_wait3A_506] : memref<3x1920xf32, #tpu.memory_space<vmem>> -> memref<3x512xf32, #tpu.memory_space<vmem>>
        %dma_wait3A_508 = arith.constant 0 : i32
        %dma_wait3A_509 = arith.constant 1024 : i32
        %dma_wait3A_510 = tpu.memref_slice %arg2[%dma_wait3A_508, %add3A_342, %dma_wait3A_509] : memref<3x1024x2048xf32, #tpu.memory_space<hbm>> -> memref<3x1x512xf32, #tpu.memory_space<hbm>>
        %dma_wait3A_511 = tpu.memref_squeeze %dma_wait3A_510 : memref<3x1x512xf32, #tpu.memory_space<hbm>> -> memref<3x512xf32, #tpu.memory_space<hbm>>
        %dma_wait3A_512 = arith.constant 0 : i32
        %dma_wait3A_513 = arith.constant 1024 : i32
        %dma_wait3A_514 = tpu.memref_slice %arg9[%dma_wait3A_512, %dma_wait3A_513] : memref<3x1920xf32, #tpu.memory_space<vmem>> -> memref<3x512xf32, #tpu.memory_space<vmem>>
        %dma_wait3A_515 = arith.constant 0 : i32
        %dma_wait3A_516 = arith.constant 1024 : i32
        %dma_wait3A_517 = tpu.memref_slice %arg2[%dma_wait3A_515, %add3A_342, %dma_wait3A_516] : memref<3x1024x2048xf32, #tpu.memory_space<hbm>> -> memref<3x1x512xf32, #tpu.memory_space<hbm>>
        %dma_wait3A_518 = tpu.memref_squeeze %dma_wait3A_517 : memref<3x1x512xf32, #tpu.memory_space<hbm>> -> memref<3x512xf32, #tpu.memory_space<hbm>>
        tpu.wait_dma2 semaphore(%arg13 : memref<!tpu.dma_semaphore, #tpu.memory_space<semaphore_mem>>) src(%dma_wait3A_518 : memref<3x512xf32, #tpu.memory_space<hbm>>) dst(%dma_wait3A_514 : memref<3x512xf32, #tpu.memory_space<vmem>>)
      } else {
      }
      %gt3A_398 = arith.constant 1024 : i32
      %gt3A_399 = arith.cmpi sgt, %min3A_372, %gt3A_398 : i32
      %convert_element_type3A_400 = arith.extui %gt3A_399 : i1 to i32
      %cond3A_401 = arith.constant 0 : i32
      %cond3A_402 = arith.cmpi ne, %convert_element_type3A_400, %cond3A_401 : i32
      scf.if %cond3A_402 {
        %dma_wait3A_505 = arith.constant 0 : i32
        %dma_wait3A_506 = arith.constant 1024 : i32
        %dma_wait3A_507 = tpu.memref_slice %arg10[%dma_wait3A_505, %dma_wait3A_506] : memref<3x1920xf32, #tpu.memory_space<vmem>> -> memref<3x512xf32, #tpu.memory_space<vmem>>
        %dma_wait3A_508 = arith.constant 0 : i32
        %dma_wait3A_509 = arith.constant 1024 : i32
        %dma_wait3A_510 = tpu.memref_slice %arg3[%dma_wait3A_508, %add3A_342, %dma_wait3A_509] : memref<3x1024x2047xf32, #tpu.memory_space<hbm>> -> memref<3x1x512xf32, #tpu.memory_space<hbm>>
        %dma_wait3A_511 = tpu.memref_squeeze %dma_wait3A_510 : memref<3x1x512xf32, #tpu.memory_space<hbm>> -> memref<3x512xf32, #tpu.memory_space<hbm>>
        %dma_wait3A_512 = arith.constant 0 : i32
        %dma_wait3A_513 = arith.constant 1024 : i32
        %dma_wait3A_514 = tpu.memref_slice %arg10[%dma_wait3A_512, %dma_wait3A_513] : memref<3x1920xf32, #tpu.memory_space<vmem>> -> memref<3x512xf32, #tpu.memory_space<vmem>>
        %dma_wait3A_515 = arith.constant 0 : i32
        %dma_wait3A_516 = arith.constant 1024 : i32
        %dma_wait3A_517 = tpu.memref_slice %arg3[%dma_wait3A_515, %add3A_342, %dma_wait3A_516] : memref<3x1024x2047xf32, #tpu.memory_space<hbm>> -> memref<3x1x512xf32, #tpu.memory_space<hbm>>
        %dma_wait3A_518 = tpu.memref_squeeze %dma_wait3A_517 : memref<3x1x512xf32, #tpu.memory_space<hbm>> -> memref<3x512xf32, #tpu.memory_space<hbm>>
        tpu.wait_dma2 semaphore(%arg13 : memref<!tpu.dma_semaphore, #tpu.memory_space<semaphore_mem>>) src(%dma_wait3A_518 : memref<3x512xf32, #tpu.memory_space<hbm>>) dst(%dma_wait3A_514 : memref<3x512xf32, #tpu.memory_space<vmem>>)
      } else {
      }
      %gt3A_403 = arith.constant 1536 : i32
      %gt3A_404 = arith.cmpi sgt, %min3A_372, %gt3A_403 : i32
      %convert_element_type3A_405 = arith.extui %gt3A_404 : i1 to i32
      %cond3A_406 = arith.constant 0 : i32
      %cond3A_407 = arith.cmpi ne, %convert_element_type3A_405, %cond3A_406 : i32
      scf.if %cond3A_407 {
        %dma_wait3A_505 = arith.constant 0 : i32
        %dma_wait3A_506 = arith.constant 1536 : i32
        %dma_wait3A_507 = tpu.memref_slice %arg9[%dma_wait3A_505, %dma_wait3A_506] : memref<3x1920xf32, #tpu.memory_space<vmem>> -> memref<3x128xf32, #tpu.memory_space<vmem>>
        %dma_wait3A_508 = arith.constant 0 : i32
        %dma_wait3A_509 = arith.constant 1536 : i32
        %dma_wait3A_510 = tpu.memref_slice %arg2[%dma_wait3A_508, %add3A_342, %dma_wait3A_509] : memref<3x1024x2048xf32, #tpu.memory_space<hbm>> -> memref<3x1x128xf32, #tpu.memory_space<hbm>>
        %dma_wait3A_511 = tpu.memref_squeeze %dma_wait3A_510 : memref<3x1x128xf32, #tpu.memory_space<hbm>> -> memref<3x128xf32, #tpu.memory_space<hbm>>
        %dma_wait3A_512 = arith.constant 0 : i32
        %dma_wait3A_513 = arith.constant 1536 : i32
        %dma_wait3A_514 = tpu.memref_slice %arg9[%dma_wait3A_512, %dma_wait3A_513] : memref<3x1920xf32, #tpu.memory_space<vmem>> -> memref<3x128xf32, #tpu.memory_space<vmem>>
        %dma_wait3A_515 = arith.constant 0 : i32
        %dma_wait3A_516 = arith.constant 1536 : i32
        %dma_wait3A_517 = tpu.memref_slice %arg2[%dma_wait3A_515, %add3A_342, %dma_wait3A_516] : memref<3x1024x2048xf32, #tpu.memory_space<hbm>> -> memref<3x1x128xf32, #tpu.memory_space<hbm>>
        %dma_wait3A_518 = tpu.memref_squeeze %dma_wait3A_517 : memref<3x1x128xf32, #tpu.memory_space<hbm>> -> memref<3x128xf32, #tpu.memory_space<hbm>>
        tpu.wait_dma2 semaphore(%arg13 : memref<!tpu.dma_semaphore, #tpu.memory_space<semaphore_mem>>) src(%dma_wait3A_518 : memref<3x128xf32, #tpu.memory_space<hbm>>) dst(%dma_wait3A_514 : memref<3x128xf32, #tpu.memory_space<vmem>>)
      } else {
      }
      %gt3A_408 = arith.constant 1536 : i32
      %gt3A_409 = arith.cmpi sgt, %min3A_372, %gt3A_408 : i32
      %convert_element_type3A_410 = arith.extui %gt3A_409 : i1 to i32
      %cond3A_411 = arith.constant 0 : i32
      %cond3A_412 = arith.cmpi ne, %convert_element_type3A_410, %cond3A_411 : i32
      scf.if %cond3A_412 {
        %dma_wait3A_505 = arith.constant 0 : i32
        %dma_wait3A_506 = arith.constant 1536 : i32
        %dma_wait3A_507 = tpu.memref_slice %arg10[%dma_wait3A_505, %dma_wait3A_506] : memref<3x1920xf32, #tpu.memory_space<vmem>> -> memref<3x128xf32, #tpu.memory_space<vmem>>
        %dma_wait3A_508 = arith.constant 0 : i32
        %dma_wait3A_509 = arith.constant 1536 : i32
        %dma_wait3A_510 = tpu.memref_slice %arg3[%dma_wait3A_508, %add3A_342, %dma_wait3A_509] : memref<3x1024x2047xf32, #tpu.memory_space<hbm>> -> memref<3x1x128xf32, #tpu.memory_space<hbm>>
        %dma_wait3A_511 = tpu.memref_squeeze %dma_wait3A_510 : memref<3x1x128xf32, #tpu.memory_space<hbm>> -> memref<3x128xf32, #tpu.memory_space<hbm>>
        %dma_wait3A_512 = arith.constant 0 : i32
        %dma_wait3A_513 = arith.constant 1536 : i32
        %dma_wait3A_514 = tpu.memref_slice %arg10[%dma_wait3A_512, %dma_wait3A_513] : memref<3x1920xf32, #tpu.memory_space<vmem>> -> memref<3x128xf32, #tpu.memory_space<vmem>>
        %dma_wait3A_515 = arith.constant 0 : i32
        %dma_wait3A_516 = arith.constant 1536 : i32
        %dma_wait3A_517 = tpu.memref_slice %arg3[%dma_wait3A_515, %add3A_342, %dma_wait3A_516] : memref<3x1024x2047xf32, #tpu.memory_space<hbm>> -> memref<3x1x128xf32, #tpu.memory_space<hbm>>
        %dma_wait3A_518 = tpu.memref_squeeze %dma_wait3A_517 : memref<3x1x128xf32, #tpu.memory_space<hbm>> -> memref<3x128xf32, #tpu.memory_space<hbm>>
        tpu.wait_dma2 semaphore(%arg13 : memref<!tpu.dma_semaphore, #tpu.memory_space<semaphore_mem>>) src(%dma_wait3A_518 : memref<3x128xf32, #tpu.memory_space<hbm>>) dst(%dma_wait3A_514 : memref<3x128xf32, #tpu.memory_space<vmem>>)
      } else {
      }
      %gt3A_413 = arith.constant 1664 : i32
      %gt3A_414 = arith.cmpi sgt, %min3A_372, %gt3A_413 : i32
      %convert_element_type3A_415 = arith.extui %gt3A_414 : i1 to i32
      %cond3A_416 = arith.constant 0 : i32
      %cond3A_417 = arith.cmpi ne, %convert_element_type3A_415, %cond3A_416 : i32
      scf.if %cond3A_417 {
        %dma_wait3A_505 = arith.constant 0 : i32
        %dma_wait3A_506 = arith.constant 1664 : i32
        %dma_wait3A_507 = tpu.memref_slice %arg9[%dma_wait3A_505, %dma_wait3A_506] : memref<3x1920xf32, #tpu.memory_space<vmem>> -> memref<3x128xf32, #tpu.memory_space<vmem>>
        %dma_wait3A_508 = arith.constant 0 : i32
        %dma_wait3A_509 = arith.constant 1664 : i32
        %dma_wait3A_510 = tpu.memref_slice %arg2[%dma_wait3A_508, %add3A_342, %dma_wait3A_509] : memref<3x1024x2048xf32, #tpu.memory_space<hbm>> -> memref<3x1x128xf32, #tpu.memory_space<hbm>>
        %dma_wait3A_511 = tpu.memref_squeeze %dma_wait3A_510 : memref<3x1x128xf32, #tpu.memory_space<hbm>> -> memref<3x128xf32, #tpu.memory_space<hbm>>
        %dma_wait3A_512 = arith.constant 0 : i32
        %dma_wait3A_513 = arith.constant 1664 : i32
        %dma_wait3A_514 = tpu.memref_slice %arg9[%dma_wait3A_512, %dma_wait3A_513] : memref<3x1920xf32, #tpu.memory_space<vmem>> -> memref<3x128xf32, #tpu.memory_space<vmem>>
        %dma_wait3A_515 = arith.constant 0 : i32
        %dma_wait3A_516 = arith.constant 1664 : i32
        %dma_wait3A_517 = tpu.memref_slice %arg2[%dma_wait3A_515, %add3A_342, %dma_wait3A_516] : memref<3x1024x2048xf32, #tpu.memory_space<hbm>> -> memref<3x1x128xf32, #tpu.memory_space<hbm>>
        %dma_wait3A_518 = tpu.memref_squeeze %dma_wait3A_517 : memref<3x1x128xf32, #tpu.memory_space<hbm>> -> memref<3x128xf32, #tpu.memory_space<hbm>>
        tpu.wait_dma2 semaphore(%arg13 : memref<!tpu.dma_semaphore, #tpu.memory_space<semaphore_mem>>) src(%dma_wait3A_518 : memref<3x128xf32, #tpu.memory_space<hbm>>) dst(%dma_wait3A_514 : memref<3x128xf32, #tpu.memory_space<vmem>>)
      } else {
      }
      %gt3A_418 = arith.constant 1664 : i32
      %gt3A_419 = arith.cmpi sgt, %min3A_372, %gt3A_418 : i32
      %convert_element_type3A_420 = arith.extui %gt3A_419 : i1 to i32
      %cond3A_421 = arith.constant 0 : i32
      %cond3A_422 = arith.cmpi ne, %convert_element_type3A_420, %cond3A_421 : i32
      scf.if %cond3A_422 {
        %dma_wait3A_505 = arith.constant 0 : i32
        %dma_wait3A_506 = arith.constant 1664 : i32
        %dma_wait3A_507 = tpu.memref_slice %arg10[%dma_wait3A_505, %dma_wait3A_506] : memref<3x1920xf32, #tpu.memory_space<vmem>> -> memref<3x128xf32, #tpu.memory_space<vmem>>
        %dma_wait3A_508 = arith.constant 0 : i32
        %dma_wait3A_509 = arith.constant 1664 : i32
        %dma_wait3A_510 = tpu.memref_slice %arg3[%dma_wait3A_508, %add3A_342, %dma_wait3A_509] : memref<3x1024x2047xf32, #tpu.memory_space<hbm>> -> memref<3x1x128xf32, #tpu.memory_space<hbm>>
        %dma_wait3A_511 = tpu.memref_squeeze %dma_wait3A_510 : memref<3x1x128xf32, #tpu.memory_space<hbm>> -> memref<3x128xf32, #tpu.memory_space<hbm>>
        %dma_wait3A_512 = arith.constant 0 : i32
        %dma_wait3A_513 = arith.constant 1664 : i32
        %dma_wait3A_514 = tpu.memref_slice %arg10[%dma_wait3A_512, %dma_wait3A_513] : memref<3x1920xf32, #tpu.memory_space<vmem>> -> memref<3x128xf32, #tpu.memory_space<vmem>>
        %dma_wait3A_515 = arith.constant 0 : i32
        %dma_wait3A_516 = arith.constant 1664 : i32
        %dma_wait3A_517 = tpu.memref_slice %arg3[%dma_wait3A_515, %add3A_342, %dma_wait3A_516] : memref<3x1024x2047xf32, #tpu.memory_space<hbm>> -> memref<3x1x128xf32, #tpu.memory_space<hbm>>
        %dma_wait3A_518 = tpu.memref_squeeze %dma_wait3A_517 : memref<3x1x128xf32, #tpu.memory_space<hbm>> -> memref<3x128xf32, #tpu.memory_space<hbm>>
        tpu.wait_dma2 semaphore(%arg13 : memref<!tpu.dma_semaphore, #tpu.memory_space<semaphore_mem>>) src(%dma_wait3A_518 : memref<3x128xf32, #tpu.memory_space<hbm>>) dst(%dma_wait3A_514 : memref<3x128xf32, #tpu.memory_space<vmem>>)
      } else {
      }
      %gt3A_423 = arith.constant 1792 : i32
      %gt3A_424 = arith.cmpi sgt, %min3A_372, %gt3A_423 : i32
      %convert_element_type3A_425 = arith.extui %gt3A_424 : i1 to i32
      %cond3A_426 = arith.constant 0 : i32
      %cond3A_427 = arith.cmpi ne, %convert_element_type3A_425, %cond3A_426 : i32
      scf.if %cond3A_427 {
        %dma_wait3A_505 = arith.constant 0 : i32
        %dma_wait3A_506 = arith.constant 1792 : i32
        %dma_wait3A_507 = tpu.memref_slice %arg9[%dma_wait3A_505, %dma_wait3A_506] : memref<3x1920xf32, #tpu.memory_space<vmem>> -> memref<3x128xf32, #tpu.memory_space<vmem>>
        %dma_wait3A_508 = arith.constant 0 : i32
        %dma_wait3A_509 = arith.constant 1792 : i32
        %dma_wait3A_510 = tpu.memref_slice %arg2[%dma_wait3A_508, %add3A_342, %dma_wait3A_509] : memref<3x1024x2048xf32, #tpu.memory_space<hbm>> -> memref<3x1x128xf32, #tpu.memory_space<hbm>>
        %dma_wait3A_511 = tpu.memref_squeeze %dma_wait3A_510 : memref<3x1x128xf32, #tpu.memory_space<hbm>> -> memref<3x128xf32, #tpu.memory_space<hbm>>
        %dma_wait3A_512 = arith.constant 0 : i32
        %dma_wait3A_513 = arith.constant 1792 : i32
        %dma_wait3A_514 = tpu.memref_slice %arg9[%dma_wait3A_512, %dma_wait3A_513] : memref<3x1920xf32, #tpu.memory_space<vmem>> -> memref<3x128xf32, #tpu.memory_space<vmem>>
        %dma_wait3A_515 = arith.constant 0 : i32
        %dma_wait3A_516 = arith.constant 1792 : i32
        %dma_wait3A_517 = tpu.memref_slice %arg2[%dma_wait3A_515, %add3A_342, %dma_wait3A_516] : memref<3x1024x2048xf32, #tpu.memory_space<hbm>> -> memref<3x1x128xf32, #tpu.memory_space<hbm>>
        %dma_wait3A_518 = tpu.memref_squeeze %dma_wait3A_517 : memref<3x1x128xf32, #tpu.memory_space<hbm>> -> memref<3x128xf32, #tpu.memory_space<hbm>>
        tpu.wait_dma2 semaphore(%arg13 : memref<!tpu.dma_semaphore, #tpu.memory_space<semaphore_mem>>) src(%dma_wait3A_518 : memref<3x128xf32, #tpu.memory_space<hbm>>) dst(%dma_wait3A_514 : memref<3x128xf32, #tpu.memory_space<vmem>>)
      } else {
      }
      %gt3A_428 = arith.constant 1792 : i32
      %gt3A_429 = arith.cmpi sgt, %min3A_372, %gt3A_428 : i32
      %convert_element_type3A_430 = arith.extui %gt3A_429 : i1 to i32
      %cond3A_431 = arith.constant 0 : i32
      %cond3A_432 = arith.cmpi ne, %convert_element_type3A_430, %cond3A_431 : i32
      scf.if %cond3A_432 {
        %dma_wait3A_505 = arith.constant 0 : i32
        %dma_wait3A_506 = arith.constant 1792 : i32
        %dma_wait3A_507 = tpu.memref_slice %arg10[%dma_wait3A_505, %dma_wait3A_506] : memref<3x1920xf32, #tpu.memory_space<vmem>> -> memref<3x128xf32, #tpu.memory_space<vmem>>
        %dma_wait3A_508 = arith.constant 0 : i32
        %dma_wait3A_509 = arith.constant 1792 : i32
        %dma_wait3A_510 = tpu.memref_slice %arg3[%dma_wait3A_508, %add3A_342, %dma_wait3A_509] : memref<3x1024x2047xf32, #tpu.memory_space<hbm>> -> memref<3x1x128xf32, #tpu.memory_space<hbm>>
        %dma_wait3A_511 = tpu.memref_squeeze %dma_wait3A_510 : memref<3x1x128xf32, #tpu.memory_space<hbm>> -> memref<3x128xf32, #tpu.memory_space<hbm>>
        %dma_wait3A_512 = arith.constant 0 : i32
        %dma_wait3A_513 = arith.constant 1792 : i32
        %dma_wait3A_514 = tpu.memref_slice %arg10[%dma_wait3A_512, %dma_wait3A_513] : memref<3x1920xf32, #tpu.memory_space<vmem>> -> memref<3x128xf32, #tpu.memory_space<vmem>>
        %dma_wait3A_515 = arith.constant 0 : i32
        %dma_wait3A_516 = arith.constant 1792 : i32
        %dma_wait3A_517 = tpu.memref_slice %arg3[%dma_wait3A_515, %add3A_342, %dma_wait3A_516] : memref<3x1024x2047xf32, #tpu.memory_space<hbm>> -> memref<3x1x128xf32, #tpu.memory_space<hbm>>
        %dma_wait3A_518 = tpu.memref_squeeze %dma_wait3A_517 : memref<3x1x128xf32, #tpu.memory_space<hbm>> -> memref<3x128xf32, #tpu.memory_space<hbm>>
        tpu.wait_dma2 semaphore(%arg13 : memref<!tpu.dma_semaphore, #tpu.memory_space<semaphore_mem>>) src(%dma_wait3A_518 : memref<3x128xf32, #tpu.memory_space<hbm>>) dst(%dma_wait3A_514 : memref<3x128xf32, #tpu.memory_space<vmem>>)
      } else {
      }
      %lt3A_433 = arith.constant 16 : i32
      %lt3A_434 = arith.cmpi slt, %add3A_90, %lt3A_433 : i32
      %select_n3A_435 = arith.select %lt3A_434, %get3A_3, %get3A_5 : vector<16xi32>
      %jit3A_436 = arith.constant 16 : i32
      %eq3A_437 = arith.constant 0 : i32
      %eq3A_438 = arith.cmpi eq, %jit3A_436, %eq3A_437 : i32
      %jit3A_439 = arith.constant 1 : i32
      %select_n3A_440 = arith.select %eq3A_438, %jit3A_439, %jit3A_436 : i32
      %rem3A_441 = arith.remsi %add3A_90, %select_n3A_440 : i32
      %ne3A_442 = arith.constant 0 : i32
      %ne3A_443 = arith.cmpi ne, %rem3A_441, %ne3A_442 : i32
      %lt3A_444 = arith.constant 0 : i32
      %lt3A_445 = arith.cmpi slt, %rem3A_441, %lt3A_444 : i32
      %lt3A_446 = arith.constant 0 : i32
      %lt3A_447 = arith.cmpi slt, %select_n3A_440, %lt3A_446 : i32
      %ne3A_448 = arith.xori %lt3A_445, %lt3A_447 : i1
      %and3A_449 = arith.andi %ne3A_448, %ne3A_443 : i1
      %add3A_450 = arith.addi %rem3A_441, %select_n3A_440 : i32
      %select_n3A_451 = arith.select %and3A_449, %add3A_450, %rem3A_441 : i32
      %eq3A_452 = vector.broadcast %select_n3A_451 : i32 to vector<16xi32>
      %eq3A_453 = arith.cmpi eq, %iota3A, %eq3A_452 : vector<16xi32>
      %jit3A_454 = arith.constant 0 : i32
      %broadcast_in_dim3A_455 = vector.broadcast %jit3A_454 : i32 to vector<16xi32>
      %select_n3A_456 = arith.select %eq3A_453, %select_n3A_435, %broadcast_in_dim3A_455 : vector<16xi1>, vector<16xi32>
      %reduce_sum3A_457 = arith.constant true
      %reduce_sum3A_458 = vector.broadcast %reduce_sum3A_457 : i1 to vector<16xi1>
      %reduce_sum3A_459 = tpu.scan <sum>, %select_n3A_456 masked %reduce_sum3A_458 : vector<16xi32>, vector<16xi1> -> vector<16xi32>
      %reduce_sum3A_460 = vector.extract %reduce_sum3A_459[15] : i32 from vector<16xi32>
      %min3A_461 = arith.constant 1920 : i32
      %min3A_462 = arith.minsi %reduce_sum3A_460, %min3A_461 : i32
      %jit3A_463 = arith.constant 16 : i32
      %div3A_464 = arith.divsi %min3A_462, %jit3A_463 : i32
      %sign3A_465 = arith.constant 0 : i32
      %sign3A_466 = arith.cmpi sgt, %min3A_462, %sign3A_465 : i32
      %sign3A_467 = arith.extui %sign3A_466 : i1 to i32
      %sign3A_468 = arith.constant 0 : i32
      %sign3A_469 = arith.cmpi slt, %min3A_462, %sign3A_468 : i32
      %sign3A_470 = arith.extui %sign3A_469 : i1 to i32
      %sign3A_471 = arith.subi %sign3A_467, %sign3A_470 : i32
      %sign3A_472 = arith.constant 0 : i32
      %sign3A_473 = arith.cmpi sgt, %jit3A_463, %sign3A_472 : i32
      %sign3A_474 = arith.extui %sign3A_473 : i1 to i32
      %sign3A_475 = arith.constant 0 : i32
      %sign3A_476 = arith.cmpi slt, %jit3A_463, %sign3A_475 : i32
      %sign3A_477 = arith.extui %sign3A_476 : i1 to i32
      %sign3A_478 = arith.subi %sign3A_474, %sign3A_477 : i32
      %ne3A_479 = arith.cmpi ne, %sign3A_471, %sign3A_478 : i32
      %rem3A_480 = arith.remsi %min3A_462, %jit3A_463 : i32
      %ne3A_481 = arith.constant 0 : i32
      %ne3A_482 = arith.cmpi ne, %rem3A_480, %ne3A_481 : i32
      %and3A_483 = arith.andi %ne3A_479, %ne3A_482 : i1
      %sub3A_484 = arith.constant 1 : i32
      %sub3A_485 = arith.subi %div3A_464, %sub3A_484 : i32
      %select_n3A_486 = arith.select %and3A_483, %sub3A_485, %div3A_464 : i32
      %while3A_487 = arith.constant 0 : i32
      %while3A_488 = arith.subi %select_n3A_486, %while3A_487 : i32
      %while3A_489 = arith.addi %while3A_487, %while3A_488 : i32
      %while3A_490 = arith.constant 1 : i32
      %while3A_491 = arith.divsi %while3A_488, %while3A_490 : i32
      %while3A_492 = arith.muli %while3A_491, %while3A_490 : i32
      %while3A_493 = arith.addi %while3A_487, %while3A_492 : i32
      %while3A_494 = arith.constant 1 : i32
      %while3A_495 = scf.for %while3A_505 = %while3A_487 to %while3A_493 step %while3A_494 iter_args(%while3A_506 = %cond3A_336) -> (vector<16xf32>)  : i32 {
        %mul3A_507 = arith.constant 16 : i32
        %mul3A_508 = arith.muli %while3A_505, %mul3A_507 : i32
        %get3A_509 = arith.constant 0 : i32
        %get3A_510 = arith.index_cast %get3A_509 : i32 to index
        %get3A_511 = arith.index_cast %mul3A_508 : i32 to index
        %get3A_512 = tpu.vector_load %arg9[%get3A_510, %get3A_511] {strides = array<i32>} : memref<3x1920xf32, #tpu.memory_space<vmem>>, vector<16xf32>,
        %mul3A_513 = arith.constant 16 : i32
        %mul3A_514 = arith.muli %while3A_505, %mul3A_513 : i32
        %get3A_515 = arith.constant 0 : i32
        %get3A_516 = arith.index_cast %get3A_515 : i32 to index
        %get3A_517 = arith.index_cast %mul3A_514 : i32 to index
        %get3A_518 = tpu.vector_load %arg10[%get3A_516, %get3A_517] {strides = array<i32>} : memref<3x1920xf32, #tpu.memory_space<vmem>>, vector<16xf32>,
        %sub3A_519 = arith.subf %get3A_512, %get3A_518 : vector<16xf32>
        %mul3A_520 = arith.mulf %sub3A_519, %sub3A_519 : vector<16xf32>
        %add3A_521 = arith.addf %while3A_506, %mul3A_520 : vector<16xf32>
        %mul3A_522 = arith.constant 16 : i32
        %mul3A_523 = arith.muli %while3A_505, %mul3A_522 : i32
        %get3A_524 = arith.constant 1 : i32
        %get3A_525 = arith.index_cast %get3A_524 : i32 to index
        %get3A_526 = arith.index_cast %mul3A_523 : i32 to index
        %get3A_527 = tpu.vector_load %arg9[%get3A_525, %get3A_526] {strides = array<i32>} : memref<3x1920xf32, #tpu.memory_space<vmem>>, vector<16xf32>,
        %mul3A_528 = arith.constant 16 : i32
        %mul3A_529 = arith.muli %while3A_505, %mul3A_528 : i32
        %get3A_530 = arith.constant 1 : i32
        %get3A_531 = arith.index_cast %get3A_530 : i32 to index
        %get3A_532 = arith.index_cast %mul3A_529 : i32 to index
        %get3A_533 = tpu.vector_load %arg10[%get3A_531, %get3A_532] {strides = array<i32>} : memref<3x1920xf32, #tpu.memory_space<vmem>>, vector<16xf32>,
        %sub3A_534 = arith.subf %get3A_527, %get3A_533 : vector<16xf32>
        %mul3A_535 = arith.mulf %sub3A_534, %sub3A_534 : vector<16xf32>
        %add3A_536 = arith.addf %add3A_521, %mul3A_535 : vector<16xf32>
        %mul3A_537 = arith.constant 16 : i32
        %mul3A_538 = arith.muli %while3A_505, %mul3A_537 : i32
        %get3A_539 = arith.constant 2 : i32
        %get3A_540 = arith.index_cast %get3A_539 : i32 to index
        %get3A_541 = arith.index_cast %mul3A_538 : i32 to index
        %get3A_542 = tpu.vector_load %arg9[%get3A_540, %get3A_541] {strides = array<i32>} : memref<3x1920xf32, #tpu.memory_space<vmem>>, vector<16xf32>,
        %mul3A_543 = arith.constant 16 : i32
        %mul3A_544 = arith.muli %while3A_505, %mul3A_543 : i32
        %get3A_545 = arith.constant 2 : i32
        %get3A_546 = arith.index_cast %get3A_545 : i32 to index
        %get3A_547 = arith.index_cast %mul3A_544 : i32 to index
        %get3A_548 = tpu.vector_load %arg10[%get3A_546, %get3A_547] {strides = array<i32>} : memref<3x1920xf32, #tpu.memory_space<vmem>>, vector<16xf32>,
        %sub3A_549 = arith.subf %get3A_542, %get3A_548 : vector<16xf32>
        %mul3A_550 = arith.mulf %sub3A_549, %sub3A_549 : vector<16xf32>
        %add3A_551 = arith.addf %add3A_536, %mul3A_550 : vector<16xf32>
        scf.yield %add3A_551 : vector<16xf32>
      }
      %while3A_496 = arith.constant 1 : i32
      %while3A_497 = scf.for %while3A_505 = %while3A_493 to %while3A_489 step %while3A_496 iter_args(%while3A_506 = %while3A_495) -> (vector<16xf32>)  : i32 {
        %mul3A_507 = arith.constant 16 : i32
        %mul3A_508 = arith.muli %while3A_505, %mul3A_507 : i32
        %get3A_509 = arith.constant 0 : i32
        %get3A_510 = arith.index_cast %get3A_509 : i32 to index
        %get3A_511 = arith.index_cast %mul3A_508 : i32 to index
        %get3A_512 = tpu.vector_load %arg9[%get3A_510, %get3A_511] {strides = array<i32>} : memref<3x1920xf32, #tpu.memory_space<vmem>>, vector<16xf32>,
        %mul3A_513 = arith.constant 16 : i32
        %mul3A_514 = arith.muli %while3A_505, %mul3A_513 : i32
        %get3A_515 = arith.constant 0 : i32
        %get3A_516 = arith.index_cast %get3A_515 : i32 to index
        %get3A_517 = arith.index_cast %mul3A_514 : i32 to index
        %get3A_518 = tpu.vector_load %arg10[%get3A_516, %get3A_517] {strides = array<i32>} : memref<3x1920xf32, #tpu.memory_space<vmem>>, vector<16xf32>,
        %sub3A_519 = arith.subf %get3A_512, %get3A_518 : vector<16xf32>
        %mul3A_520 = arith.mulf %sub3A_519, %sub3A_519 : vector<16xf32>
        %add3A_521 = arith.addf %while3A_506, %mul3A_520 : vector<16xf32>
        %mul3A_522 = arith.constant 16 : i32
        %mul3A_523 = arith.muli %while3A_505, %mul3A_522 : i32
        %get3A_524 = arith.constant 1 : i32
        %get3A_525 = arith.index_cast %get3A_524 : i32 to index
        %get3A_526 = arith.index_cast %mul3A_523 : i32 to index
        %get3A_527 = tpu.vector_load %arg9[%get3A_525, %get3A_526] {strides = array<i32>} : memref<3x1920xf32, #tpu.memory_space<vmem>>, vector<16xf32>,
        %mul3A_528 = arith.constant 16 : i32
        %mul3A_529 = arith.muli %while3A_505, %mul3A_528 : i32
        %get3A_530 = arith.constant 1 : i32
        %get3A_531 = arith.index_cast %get3A_530 : i32 to index
        %get3A_532 = arith.index_cast %mul3A_529 : i32 to index
        %get3A_533 = tpu.vector_load %arg10[%get3A_531, %get3A_532] {strides = array<i32>} : memref<3x1920xf32, #tpu.memory_space<vmem>>, vector<16xf32>,
        %sub3A_534 = arith.subf %get3A_527, %get3A_533 : vector<16xf32>
        %mul3A_535 = arith.mulf %sub3A_534, %sub3A_534 : vector<16xf32>
        %add3A_536 = arith.addf %add3A_521, %mul3A_535 : vector<16xf32>
        %mul3A_537 = arith.constant 16 : i32
        %mul3A_538 = arith.muli %while3A_505, %mul3A_537 : i32
        %get3A_539 = arith.constant 2 : i32
        %get3A_540 = arith.index_cast %get3A_539 : i32 to index
        %get3A_541 = arith.index_cast %mul3A_538 : i32 to index
        %get3A_542 = tpu.vector_load %arg9[%get3A_540, %get3A_541] {strides = array<i32>} : memref<3x1920xf32, #tpu.memory_space<vmem>>, vector<16xf32>,
        %mul3A_543 = arith.constant 16 : i32
        %mul3A_544 = arith.muli %while3A_505, %mul3A_543 : i32
        %get3A_545 = arith.constant 2 : i32
        %get3A_546 = arith.index_cast %get3A_545 : i32 to index
        %get3A_547 = arith.index_cast %mul3A_544 : i32 to index
        %get3A_548 = tpu.vector_load %arg10[%get3A_546, %get3A_547] {strides = array<i32>} : memref<3x1920xf32, #tpu.memory_space<vmem>>, vector<16xf32>,
        %sub3A_549 = arith.subf %get3A_542, %get3A_548 : vector<16xf32>
        %mul3A_550 = arith.mulf %sub3A_549, %sub3A_549 : vector<16xf32>
        %add3A_551 = arith.addf %add3A_536, %mul3A_550 : vector<16xf32>
        scf.yield %add3A_551 : vector<16xf32>
      }
      %mul3A_498 = arith.constant 16 : i32
      %mul3A_499 = arith.muli %select_n3A_486, %mul3A_498 : i32
      %gt3A_500 = arith.cmpi sgt, %min3A_462, %mul3A_499 : i32
      %convert_element_type3A_501 = arith.extui %gt3A_500 : i1 to i32
      %cond3A_502 = arith.constant 0 : i32
      %cond3A_503 = arith.cmpi ne, %convert_element_type3A_501, %cond3A_502 : i32
      %cond3A_504 = scf.if %cond3A_503 -> (vector<16xf32>) {
        %mul3A_505 = arith.constant 16 : i32
        %mul3A_506 = arith.muli %select_n3A_486, %mul3A_505 : i32
        %add3A_507 = vector.broadcast %mul3A_506 : i32 to vector<16xi32>
        %add3A_508 = arith.addi %add3A_507, %iota3A : vector<16xi32>
        %lt3A_509 = vector.broadcast %min3A_462 : i32 to vector<16xi32>
        %lt3A_510 = arith.cmpi slt, %add3A_508, %lt3A_509 : vector<16xi32>
        %get3A_511 = arith.constant 0 : i32
        %get3A_512 = arith.index_cast %get3A_511 : i32 to index
        %get3A_513 = arith.index_cast %mul3A_506 : i32 to index
        %get3A_514 = tpu.vector_load %arg9[%get3A_512, %get3A_513] {strides = array<i32>} : memref<3x1920xf32, #tpu.memory_space<vmem>>, vector<16xf32>,
        %get3A_515 = arith.constant 0 : i32
        %get3A_516 = arith.index_cast %get3A_515 : i32 to index
        %get3A_517 = arith.index_cast %mul3A_506 : i32 to index
        %get3A_518 = tpu.vector_load %arg10[%get3A_516, %get3A_517] {strides = array<i32>} : memref<3x1920xf32, #tpu.memory_space<vmem>>, vector<16xf32>,
        %sub3A_519 = arith.subf %get3A_514, %get3A_518 : vector<16xf32>
        %mul3A_520 = arith.mulf %sub3A_519, %sub3A_519 : vector<16xf32>
        %jit3A_521 = arith.constant 0.000000e+00 : f32
        %broadcast_in_dim3A_522 = vector.broadcast %jit3A_521 : f32 to vector<16xf32>
        %select_n3A_523 = arith.select %lt3A_510, %mul3A_520, %broadcast_in_dim3A_522 : vector<16xi1>, vector<16xf32>
        %add3A_524 = arith.addf %while3A_497, %select_n3A_523 : vector<16xf32>
        %get3A_525 = arith.constant 1 : i32
        %get3A_526 = arith.index_cast %get3A_525 : i32 to index
        %get3A_527 = arith.index_cast %mul3A_506 : i32 to index
        %get3A_528 = tpu.vector_load %arg9[%get3A_526, %get3A_527] {strides = array<i32>} : memref<3x1920xf32, #tpu.memory_space<vmem>>, vector<16xf32>,
        %get3A_529 = arith.constant 1 : i32
        %get3A_530 = arith.index_cast %get3A_529 : i32 to index
        %get3A_531 = arith.index_cast %mul3A_506 : i32 to index
        %get3A_532 = tpu.vector_load %arg10[%get3A_530, %get3A_531] {strides = array<i32>} : memref<3x1920xf32, #tpu.memory_space<vmem>>, vector<16xf32>,
        %sub3A_533 = arith.subf %get3A_528, %get3A_532 : vector<16xf32>
        %mul3A_534 = arith.mulf %sub3A_533, %sub3A_533 : vector<16xf32>
        %jit3A_535 = arith.constant 0.000000e+00 : f32
        %broadcast_in_dim3A_536 = vector.broadcast %jit3A_535 : f32 to vector<16xf32>
        %select_n3A_537 = arith.select %lt3A_510, %mul3A_534, %broadcast_in_dim3A_536 : vector<16xi1>, vector<16xf32>
        %add3A_538 = arith.addf %add3A_524, %select_n3A_537 : vector<16xf32>
        %get3A_539 = arith.constant 2 : i32
        %get3A_540 = arith.index_cast %get3A_539 : i32 to index
        %get3A_541 = arith.index_cast %mul3A_506 : i32 to index
        %get3A_542 = tpu.vector_load %arg9[%get3A_540, %get3A_541] {strides = array<i32>} : memref<3x1920xf32, #tpu.memory_space<vmem>>, vector<16xf32>,
        %get3A_543 = arith.constant 2 : i32
        %get3A_544 = arith.index_cast %get3A_543 : i32 to index
        %get3A_545 = arith.index_cast %mul3A_506 : i32 to index
        %get3A_546 = tpu.vector_load %arg10[%get3A_544, %get3A_545] {strides = array<i32>} : memref<3x1920xf32, #tpu.memory_space<vmem>>, vector<16xf32>,
        %sub3A_547 = arith.subf %get3A_542, %get3A_546 : vector<16xf32>
        %mul3A_548 = arith.mulf %sub3A_547, %sub3A_547 : vector<16xf32>
        %jit3A_549 = arith.constant 0.000000e+00 : f32
        %broadcast_in_dim3A_550 = vector.broadcast %jit3A_549 : f32 to vector<16xf32>
        %select_n3A_551 = arith.select %lt3A_510, %mul3A_548, %broadcast_in_dim3A_550 : vector<16xi1>, vector<16xf32>
        %add3A_552 = arith.addf %add3A_538, %select_n3A_551 : vector<16xf32>
        scf.yield %add3A_552 : vector<16xf32>
      } else {
        scf.yield %while3A_497 : vector<16xf32>
      }
      scf.yield %cond3A_504 : vector<16xf32>
    }
    %scan3A_79 = arith.constant 16 : i32
    %swap3A = arith.constant 0 : index
    %swap3A_80 = tpu.vector_load %arg11[%swap3A] {strides = array<i32>} : memref<16xf32, #tpu.memory_space<vmem>>, vector<16xf32>,
    tpu.vector_store %arg11[%swap3A], %scan3A_78 {strides = array<i32>} : memref<16xf32, #tpu.memory_space<vmem>>, vector<16xf32>,
    %mul3A_81 = arith.constant 16 : i32
    %mul3A_82 = arith.muli %add3A, %mul3A_81 : i32
    %dma_start3A = tpu.memref_slice %arg5[%mul3A_82] : memref<512xf32, #tpu.memory_space<hbm>> -> memref<16xf32, #tpu.memory_space<hbm>>
    %dma_start3A_83 = tpu.memref_slice %arg5[%mul3A_82] : memref<512xf32, #tpu.memory_space<hbm>> -> memref<16xf32, #tpu.memory_space<hbm>>
    tpu.enqueue_dma source(%arg11 : memref<16xf32, #tpu.memory_space<vmem>>) target(%dma_start3A_83 : memref<16xf32, #tpu.memory_space<hbm>>) target_semaphore(%arg14 : memref<!tpu.dma_semaphore, #tpu.memory_space<semaphore_mem>>)
    %dma_wait3A = tpu.memref_slice %arg5[%mul3A_82] : memref<512xf32, #tpu.memory_space<hbm>> -> memref<16xf32, #tpu.memory_space<hbm>>
    %dma_wait3A_84 = tpu.memref_slice %arg5[%mul3A_82] : memref<512xf32, #tpu.memory_space<hbm>> -> memref<16xf32, #tpu.memory_space<hbm>>
    tpu.wait_dma2 semaphore(%arg14 : memref<!tpu.dma_semaphore, #tpu.memory_space<semaphore_mem>>) src(%arg11 : memref<16xf32, #tpu.memory_space<vmem>>) dst(%dma_wait3A_84 : memref<16xf32, #tpu.memory_space<hbm>>)
    return
  }
}

</mosaic_0001>

<sc_bundles>
// kernel: _sc_reg_partials.3.cloned.1.call-start
scs
__scs_entry_jumppad:
0x0: {  	(pc) =	sbr.rel $0x88, $3  }
0x1: {  	(tag) =	ssettag $0x0;
	lr =	simm.s32 $0x1  }
0x2: {  	[smem:$0x3F9E] =	sst lr;
	_ =	strace $0xD0000000  }
0x3: {  	_ = 	snop  }
0x4: {  	_ = 	snop  }
0x5: {  	_ = 	snop  }
0x6: {  	_ = 	snop  }
0x7: {  	_ = 	snop  }
__scs_overlays_trampoline_lowered:
0x8: {  	[smem:$0x3FAD] =	sst s0  }
0x9: {  	[smem:$0x3FAE] =	sst s1  }
0xa: {  	[smem:$0x3FAF] =	sst s2  }
0xb: {  	[smem:$0x3FB0] =	sst s3  }
0xc: {  	[smem:$0x3FB1] =	sst s4  }
0xd: {  	[smem:$0x3FB2] =	sst s5  }
0xe: {  	[smem:$0x3FB3] =	sst s6  }
0xf: {  	[smem:$0x3FB4] =	sst s7  }
0x10: {  	[smem:$0x3FB5] =	sst s8  }
0x11: {  	[smem:$0x3FB6] =	sst s9;
	s0 =	simm.s32 @!p0 $0x0  }
0x12: {  	s1 =	sld [smem:$0x3F9C];
	s0 =	simm.s32 @p0 $0x1  }
0x13: {  	[smem:$0x3FB7] =	sst s0;
	s0 =	simm.s32 @!p1 $0x0  }
0x14: {  	s2 =	sld [smem:$0x3F9B];
	s0 =	simm.s32 @p1 $0x1  }
0x15: {  	[smem:$0x3FB8] =	sst s0;
	s0 =	simm.s32 @!p2 $0x0  }
0x16: {  	s3 =	sld [smem:$0x3FDB];
	s0 =	simm.s32 @p2 $0x1  }
0x17: {  	s4 =	simm.s32 $0x1BF5;
	[smem:$0x3FBA] =	sst s0  }
0x18: {  	s0 =	sld [smem:$0x3F9D];
	_ =	swait.ge [sflag:s4], $0x0  }
0x19: {  	s7 =	sld [smem:$0x3F9E]  }
0x1a: {  	s8 =	sadd.s32 $0xFFFFE003, lr  }
0x1b: {  	s9 =	sadd.s32 $0xFFFFFEF7, lr;
	s5 =	simm.s32 $0xFFFFFFFF;
	p2 =	slt.u32 s8, $0xFFFFF086  }
0x1c: {  	p1 =	slt.u32 s9, $0xF7A;
	s5 =	simm.s32 @!p2 $0x0  }
0x1d: {  	s5 =	simm.s32 @p1 $0x1;
	p0 =	seq.s32 s7, s2  }
0x1e: {  	s7 =	smul.u32 @!p0 $0xF7A, s2;
	p2 =	seq.s32 @!p0 s5, $0x0  }
0x1f: {  	s9 =	smul.u32 $0xF7A, s1;
	s8 =	simm.s32 @!p0 $0x1BF5;
	p2 =	por !p2, p0  }
0x20: {  	[sflag:s8] =	ssyncset.s32 @!p0 $0xFFFFF086;
	s6 =	sadd.s32 @!p0 s3, s7;
	s7 =	simm.s32 @!p0 $0x108  }
0x21: {  	s3 =	sadd.s32 s3, s9;
	s6 =	sadd.s32 @!p0 $0x88, s6;
	s7 =	simm.s32 @p2 $0x1082  }
0x22: {  	[simem:s7], [sflag:s8] =	dma.local @!p0 [hbm:s6], $0xF7A  }
0x23: {  	s9 =	sor.u32 $0xD0000000, s2;
	s6 =	simm.s32 $0x108;
	_ =	swait.ge @!p0 [sflag:s8], $0x0  }
0x24: {  	s3 =	sadd.s32 $0x88, s3;
	s6 =	simm.s32 @!p1 $0x1082;
	[sflag:s4] =	ssyncset.s32 $0xFFFFF086  }
0x25: {  	[simem:s6], [sflag:s4] =	dma.local [hbm:s3], $0xF7A  }
0x26: {  	[smem:$0x3F9E] =	sst s1;
	(tag) =	ssettag s2;
	_ =	strace s9  }
0x27: {  	s1 =	sld [smem:$0x3FAE]  }
0x28: {  	s2 =	sld [smem:$0x3FAF]  }
0x29: {  	s4 =	sld [smem:$0x3FB1]  }
0x2a: {  	p0 =	seq.s32 s5, $0x0;
	s5 =	sld [smem:$0x3FB2]  }
0x2b: {  	s6 =	sld [smem:$0x3FB3]  }
0x2c: {  	s7 =	sld [smem:$0x3FB4]  }
0x2d: {  	s3 =	simm.s32 $0x108;
	s8 =	sld [smem:$0x3FB5]  }
0x2e: {  	s3 =	simm.s32 @!p0 $0x1082;
	s9 =	sld [smem:$0x3FB6]  }
0x2f: {  	lr =	sadd.s32 s0, s3;
	s0 =	sld [smem:$0x3FAD]  }
0x30: {  	s3 =	sld [smem:$0x3FB0]  }
0x31: {  	[smem:$0x3FB9] =	sst s10  }
0x32: {  	s10 =	sld [smem:$0x3FB7];
	_ =	sdelay $0x3  }
0x33: {  	p0 =	seq.s32 s10, $0x1;
	s10 =	sld [smem:$0x3FB9];
	_ =	sdelay $0x3  }
0x34: {  	[smem:$0x3FB9] =	sst s10  }
0x35: {  	s10 =	sld [smem:$0x3FB8];
	_ =	sdelay $0x3  }
0x36: {  	p1 =	seq.s32 s10, $0x1;
	s10 =	sld [smem:$0x3FB9];
	_ =	sdelay $0x3  }
0x37: {  	[smem:$0x3FB9] =	sst s10  }
0x38: {  	s10 =	sld [smem:$0x3FBA]  }
0x39: {  	_ = 	snop;
	(pc) =	sbr.ind lr, $3  }
0x3a: {  	_ = 	snop  }
0x3b: {  	_ = 	snop  }
0x3c: {  	p2 =	seq.s32 s10, $0x1;
	s10 =	sld [smem:$0x3FB9]  }
0x3d: {  	_ =	shalt  }
0x3e: {  	_ =	shalt  }
0x3f: {  	_ =	shalt  }
0x40: {  	_ =	shalt  }
0x41: {  	_ =	shalt  }
0x42: {  	_ =	shalt  }
0x43: {  	_ =	shalt  }
0x44: {  	_ =	shalt  }
0x45: {  	_ =	shalt  }
0x46: {  	_ =	shalt  }
0x47: {  	_ =	shalt  }
0x48: {  	_ =	shalt  }
0x49: {  	_ =	shalt  }
0x4a: {  	_ =	shalt  }
0x4b: {  	_ =	shalt  }
0x4c: {  	_ =	shalt  }
0x4d: {  	_ =	shalt  }
0x4e: {  	_ =	shalt  }
0x4f: {  	_ =	shalt  }
0x50: {  	_ =	shalt  }
0x51: {  	_ =	shalt  }
0x52: {  	_ =	shalt  }
0x53: {  	_ =	shalt  }
0x54: {  	_ =	shalt  }
0x55: {  	_ =	shalt  }
0x56: {  	_ =	shalt  }
0x57: {  	_ =	shalt  }
0x58: {  	_ =	shalt  }
0x59: {  	_ =	shalt  }
0x5a: {  	_ =	shalt  }
0x5b: {  	_ =	shalt  }
0x5c: {  	_ =	shalt  }
0x5d: {  	_ =	shalt  }
0x5e: {  	_ =	shalt  }
0x5f: {  	_ =	shalt  }
0x60: {  	_ =	shalt  }
0x61: {  	_ =	shalt  }
0x62: {  	_ =	shalt  }
0x63: {  	_ =	shalt  }
0x64: {  	_ =	shalt  }
0x65: {  	_ =	shalt  }
0x66: {  	_ =	shalt  }
0x67: {  	_ =	shalt  }
0x68: {  	_ =	shalt  }
0x69: {  	_ =	shalt  }
0x6a: {  	_ =	shalt  }
0x6b: {  	_ =	shalt  }
0x6c: {  	_ =	shalt  }
0x6d: {  	_ =	shalt  }
0x6e: {  	_ =	shalt  }
0x6f: {  	_ =	shalt  }
0x70: {  	_ =	shalt  }
0x71: {  	_ =	shalt  }
0x72: {  	_ =	shalt  }
0x73: {  	_ =	shalt  }
0x74: {  	_ =	shalt  }
0x75: {  	_ =	shalt  }
0x76: {  	_ =	shalt  }
0x77: {  	_ =	shalt  }
0x78: {  	_ =	shalt  }
0x79: {  	_ =	shalt  }
0x7a: {  	_ =	shalt  }
0x7b: {  	_ =	shalt  }
0x7c: {  	_ =	shalt  }
0x7d: {  	_ =	shalt  }
0x7e: {  	_ =	shalt  }
0x7f: {  	_ =	shalt  }
0x80: {  	_ =	shalt  }
0x81: {  	_ =	shalt  }
0x82: {  	_ =	shalt  }
0x83: {  	_ =	shalt  }
0x84: {  	_ =	shalt  }
0x85: {  	_ =	shalt  }
0x86: {  	_ =	shalt  }
0x87: {  	_ =	shalt  }
.Lfunc_end0:
.L_simem_size_0:
called_computation_lowered:
.L_overlay_start_0:
0x88: {  	s2 =	sld [smem:$0x3FD9]  }
0x89: {  	s3 =	sld [smem:$0x3FFE];
	_ =	sdelay $0x1  }
0x8a: {  	s1 =	srdreg.scid  }
0x8b: {  	s0 =	sand.u32 $0x1, s1  }
0x8c: {  	s18 =	sshll.u32 s0, $0xA;
	s2 =	sadd.s32 s3, s2  }
0x8d: {  	s2 =	sadd.s32 s2, s18  }
0x8e: {  	[smem:$0x3FC5] =	sst s2  }
0x8f: {  	_ = 	snop  }
0x90: {  	s2 =	sld [smem:$0x3FC9]  }
0x91: {  	s19 =	sld [smem:$0x3FC8]  }
0x92: {  	s4 =	sld [smem:$0x3FC7]  }
0x93: {  	s5 =	sld [smem:$0x3FD0];
	(tm) =	ssettm $0x1  }
0x94: {  	s6 =	sld [smem:$0x3FFB];
	_ =	sdelay $0x3  }
0x95: {  	_ =	strace s6  }
0x96: {  	s6 =	sld [smem:$0x3FFC];
	_ =	sdelay $0x3  }
0x97: {  	_ =	strace s6  }
0x98: {  	s6 =	sld [smem:$0x3FFD];
	_ =	sdelay $0x3  }
0x99: {  	_ =	strace s6  }
0x9a: {  	_ =	strace $0x8FFFFFFF  }
0x9b: {  	s20 =	sld [smem:$0x3FDB];
	_ =	sdelay $0x1  }
0x9c: {  	s7 =	simm.s32 $_scs_section_size  }
0x9d: {  	s8 =	simm.s32 $_size__tile_overlayer_lowered;
	s9 =	simm.s32 $_tile_overlayer_lowered  }
0x9e: {  	s23 =	simm.s32 $0x1BFF;
	s22 =	sshll.u32 s9, $0x1;
	s6 =	sadd.s32 s7, s20  }
0x9f: {  	s10 =	simm.s32 $0x0;
	s21 =	sshll.u32 s8, $0x1;
	s8 =	sadd.s32 s22, s6  }
0xa0: {  	[timem:s10], [sflag:s23] =	dma.local [hbm:s8], s21  }
0xa1: {  	_ =	swait.ge [sflag:s23], s21  }
0xa2: {  	s7 =	ssub.s32 $0x0, s21;
	[sflag:s23] =	ssyncset.done $0x0  }
0xa3: {  	[sflag:s23] =	ssyncadd.s32 s7;
	_ =	sdelay $0x1  }
0xa4: {  	s24 =	simm.s32 $0x1B8B  }
0xa5: {  	_ =	swait.ge [sflag:s24], $0x1  }
0xa6: {  	[sflag:s24] =	ssyncset.done $0x0  }
0xa7: {  	s25 =	simm.s32 $0x1B8E;
	[sflag:s24] =	ssyncadd.s32 $0xFFFFFFFF  }
0xa8: {  	s26 =	simm.s32 $execute0_lowered;
	[smem:$0x3FD2] =	sst s25  }
0xa9: {  	s7 =	sshll.u32 s26, $0x1;
	_ =	strace $0x80000046;
	[dreg:$0x1] =	wrdreg $0xFFFFFFFF  }
0xaa: {  	s28 =	simm.s32 $_size_execute0_lowered;
	s6 =	sadd.s32 s6, s7;
	[dreg:$0x0] =	wrdreg $0x0  }
0xab: {  	s7 =	sshll.u32 s28, $0x1;
	[dreg:$0x2] =	wrdreg s6  }
0xac: {  	[dreg:$0x3] =	wrdreg s7  }
0xad: {  	[dreg:$0x4] =	wrdreg $0xC0  }
0xae: {  	_ =	task [dreg:s10], $0x5FFFF  }
0xaf: {  	[dreg:$0x1] =	wrdreg $0xFFFFFFFF  }
0xb0: {  	[dreg:$0x0] =	wrdreg $0x60  }
0xb1: {  	[dreg:$0x2] =	wrdreg s2  }
0xb2: {  	[dreg:$0x3] =	wrdreg s19  }
0xb3: {  	[dreg:$0x4] =	wrdreg s4  }
0xb4: {  	[dreg:$0x5] =	wrdreg s5  }
0xb5: {  	[dreg:$0x6] =	wrdreg $0x9  }
0xb6: {  	_ =	task.clear_ibuf [dreg:s10], $0x7FFFF;
	_ =	strace $0x90000046  }
0xb7: {  	s29 =	simm.s32 $0x9;
	_ =	strace $0x80000048  }
0xb8: {  	_ =	swait.ge [sflag:s29], $0x1  }
0xb9: {  	[sflag:s29] =	ssyncadd.s32 $0xFFFFFFFF  }
0xba: {  	_ =	strace $0x90000048  }
0xbb: {  	_ =	sfence  }
0xbc: {  	s30 =	sld [smem:$0x0];
	_ =	sdelay $0x2  }
0xbd: {  	s31 =	sshll.u32 s1, $0xD;
	s1 =	sshrl.u32 s1, $0x2  }
0xbe: {  	s3 =	sand.u32 $0x4000, s31;
	s1 =	sadd.s32 s1, s30  }
0xbf: {  	s0 =	sor.u32 s3, s0;
	s1 =	sshll.u32 s1, $0x11  }
0xc0: {  	s0 =	sor.u32 s1, s0  }
0xc1: {  	s0 =	sadd.s32 $0x8F2B, s0  }
0xc2: {  	[sflag:s0] =	ssyncadd.remote.s32 $0x1  }
0xc3: {  	_ =	sfence.sel $0xFFFF  }
0xc4: {  	[dreg:$0x0] =	wrdreg $0xFFFFFFFF;
	(pc) =	sbr.abs _section_cstart, $3  }
0xc5: {  	[dreg:$0x1] =	wrdreg $0xFFFFFFFF  }
0xc6: {  	_ =	task.clear_ibuf [dreg:s10], $0x2FFFF;
	_ =	strace $0x9FFFFFFF  }
0xc7: {  	(tm) =	ssettm $0x7FFFFFFF  }
tec
execute0_lowered:
.L_overlay_start_1:
0x0: {  	(tag) =	ssettag $0x1  }
0x1: {  	s1 =	rddreg [dreg:$0x0]  }
0x2: {  	s2 =	rddreg [dreg:$0x1]  }
0x3: {  	s0 =	rddreg [dreg:$0x2]  }
0x4: {  	s3 =	rddreg [dreg:$0x3]  }
0x5: {  	s4 =	srdreg.scid;
	s6 =	stileid.u32;
	s8 =	simm.s32 $0x0  }
0x6: {  	s29 =	simm.s32 $0x6C80;
	s30 =	simm.s32 $0x6E80;
	s31 =	simm.s32 $0x7080  }
0x7: {  	s4 =	sand.u32 $0x1, s4;
	s6 =	sshll.u32 s6, $0x1;
	[smem:$0x7FF] =	sst s8  }
0x8: {  	s5 =	ssub.s32 $0x2, s4;
	s4 =	sor.u32 s4, s6;
	_ =	strace $0x80000047  }
0x9: {  	s6 =	simm.s32 $0x3480;
	s7 =	sshrl.u32 s5, $0x1;
	s14 =	sshll.u32 s4, $0x2  }
0xa: {  	s15 =	sshll.u32 s4, $0xD;
	s26 =	sshll.u32 s4, $0x1;
	s13 =	ssub.s32 s5, s7  }
0xb: {  	s5 =	sshll.u32 s4, $0x5;
	s0 =	sadd.s32 s0, s14;
	s16 =	sadd.s32 s1, s15  }
0xc: {  	s17 =	sadd.s32 s2, s15;
	s18 =	sor.u32 $0x200, s15;
	[dreg:$0x5] =	wrdreg s0  }
0xd: {  	s19 =	sor.u32 $0x400, s15;
	s21 =	sor.u32 $0x600, s15;
	[dreg:$0x6] =	wrdreg s16  }
0xe: {  	s23 =	sor.u32 $0x680, s15;
	[dreg:$0x7] =	wrdreg s17;
	s9 =	sadd.s32 s1, s18  }
0xf: {  	s14 =	simm.s32 $0x1280;
	s7 =	sadd.s32 s2, s18;
	[dreg:$0x8] =	wrdreg s9  }
0x10: {  	s4 =	simm.s32 $0x3280;
	s20 =	sadd.s32 s1, s19;
	[dreg:$0x9] =	wrdreg s7  }
0x11: {  	s22 =	sadd.s32 s1, s21;
	s24 =	sadd.s32 s1, s23;
	[dreg:$0xa] =	wrdreg s20  }
0x12: {  	s0 =	sor.u32 $0x700, s15;
	s28 =	smax.u32 s13, $0x1;
	[dreg:$0xc] =	wrdreg s22  }
0x13: {  	s13 =	simm.s32 $0x1080;
	s15 =	simm.s32 $0x1480;
	[dreg:$0xe] =	wrdreg s24  }
0x14: {  	s16 =	simm.s32 $0x1680;
	s7 =	sadd.s32 s2, s19;
	[dreg:$0x13] =	wrdreg s28  }
0x15: {  	s17 =	simm.s32 $0x2E80;
	s25 =	sadd.s32 s1, s0;
	[dreg:$0xb] =	wrdreg s7  }
.Ltmp0:
0x16: {  	s0 =	sadd.s32 s2, s0;
	[dreg:$0x10] =	wrdreg s25;
	(pc) =	sbr.rel .LBB2_1-.Ltmp0, $4  }
0x17: {  	s18 =	simm.s32 $0x3080;
	s7 =	sadd.s32 s2, s21;
	[dreg:$0x11] =	wrdreg s0  }
0x18: {  	s22 =	simm.s32 $0x80;
	s0 =	sadd.s32 s3, s26;
	[dreg:$0xd] =	wrdreg s7  }
0x19: {  	s9 =	simm.s32 $0x0;
	s7 =	sadd.s32 s2, s23;
	[dreg:$0x12] =	wrdreg s0  }
0x1a: {  	vm0 =	vmmov $0x1;
	v0 =	vlaneseq.u32;
	s23 =	simm.s32 $0x200000;
	s0 =	simm.s32 $0x1;
	[dreg:$0xf] =	wrdreg s7  }
.LBB2_28:
0x1b: {  	s8 =	simm.s32 $0x0  }
0x1c: {  	[tilespmem:$0x7880] =	vst v3;
	s3 =	rddreg [dreg:$0x12];
	s7 =	simm.s32 $0x7880;
	s26 =	simm.s32 $0x3  }
0x1d: {  	[hbm4b:s3+s8] =	stream.linear.scatter [tilespmem:s7], [sflag:$0x3], $0x10, $0x38;
	[tilespmem:$0x7900] =	vst v63  }
0x1e: {  	_ =	swait.ge [sflag:s26], $0x10  }
0x1f: {  	s9 =	rddreg [dreg:$0x14]  }
0x20: {  	s28 =	rddreg [dreg:$0x13];
	s9 =	sadd.s32 $0x1, s9  }
0x21: {  	p0 =	sne.s32 s9, s28  }
.Ltmp1:
0x22: {  	_ = 	snop;
	(pc) =	sbr.rel @!p0 .LBB2_29-.Ltmp1, $3  }
0x23: {  	_ =	sdelay $0x1  }
0x24: {  	[sflag:s26] =	ssyncset.done $0x0  }
0x25: {  	[sflag:s26] =	ssyncadd.s32 $0xFFFFFFF0  }
.LBB2_1:
0x26: {  	[dreg:$0x14] =	wrdreg s9  }
0x27: {  	s3 =	rddreg [dreg:$0x5];
	s28 =	simm.s32 $0x4  }
0x28: {  	[tilespmem:s8], [sflag:$0x4] =	stream.linear.gather [hbm4b:s3+s8], $0x20, $0x38;
	[tilespmem:$0x7900] =	vst v63  }
0x29: {  	_ =	swait.ge [sflag:s28], $0x20  }
0x2a: {  	[sflag:s28] =	ssyncset.done $0x0  }
0x2b: {  	[sflag:s28] =	ssyncadd.s32 $0xFFFFFFE0  }
0x2c: {  	v1 =	vld [tilespmem:$0x0];
	_ =	sdelay $0x4  }
0x2d: {  	v2 =	vnsel vm0, $0x0, v1  }
0x2e: {  	(xrf0) =	vadd.scan.msk.s32 $0xffff, v2;
	_ =	sdelay $0x5  }
0x2f: {  	v2, _, _ =	vpop (xrf0)  }
0x30: {  	(v2sf) =	vpush v2, $0xF;
	_ =	sdelay $0xe  }
0x31: {  	s9 =	spop (v2sf)  }
0x32: {  	p0 =	slt.s32 s9, $0x1  }
0x33: {  	s11 =	rddreg [dreg:$0x6];
	s3 =	simm.s32 @!p0 $0x200000;
	s7 =	simm.s32 @!p0 $0x80  }
0x34: {  	v2 =	vld [tilespmem:$0x10];
	[tilespmem:s7], [sflag:$0x1] =	stream.strided.gather @!p0 [hbm4b:s11+s7], $0x180, s3, s7, $0x38  }
0x35: {  	s8 =	sadd.s32 @!p0 $0x80, s11;
	s10 =	simm.s32 @!p0 $0x280  }
0x36: {  	[tilespmem:s10], [sflag:$0x1] =	stream.strided.gather @!p0 [hbm4b:s8+s7], $0x180, s3, s7, $0x38;
	[tilespmem:$0x7900] =	vst v63  }
0x37: {  	s8 =	sadd.s32 @!p0 $0x100, s11;
	s10 =	simm.s32 @!p0 $0x480  }
0x38: {  	[tilespmem:s10], [sflag:$0x1] =	stream.strided.gather @!p0 [hbm4b:s8+s7], $0x180, s3, s7, $0x38;
	[tilespmem:$0x7900] =	vst v63  }
0x39: {  	s8 =	sadd.s32 @!p0 $0x180, s11;
	s10 =	simm.s32 @!p0 $0x680  }
0x3a: {  	[tilespmem:s10], [sflag:$0x1] =	stream.strided.gather @!p0 [hbm4b:s8+s7], $0x180, s3, s7, $0x38;
	[tilespmem:$0x7900] =	vst v63  }
0x3b: {  	s11 =	rddreg [dreg:$0x7];
	s8 =	simm.s32 @!p0 $0x1E80  }
0x3c: {  	[tilespmem:s8], [sflag:$0x1] =	stream.strided.gather @!p0 [hbm4b:s11+s7], $0x180, s3, s7, $0x38;
	[tilespmem:$0x7900] =	vst v63  }
0x3d: {  	s10 =	simm.s32 @!p0 $0x2080;
	s8 =	sadd.s32 @!p0 $0x80, s11  }
0x3e: {  	[tilespmem:s10], [sflag:$0x1] =	stream.strided.gather @!p0 [hbm4b:s8+s7], $0x180, s3, s7, $0x38;
	[tilespmem:$0x7900] =	vst v63  }
0x3f: {  	s8 =	sadd.s32 @!p0 $0x100, s11;
	s10 =	simm.s32 @!p0 $0x2280  }
0x40: {  	[tilespmem:s10], [sflag:$0x1] =	stream.strided.gather @!p0 [hbm4b:s8+s7], $0x180, s3, s7, $0x38;
	[tilespmem:$0x7900] =	vst v63  }
0x41: {  	p1 =	slt.u32 @!p0 s9, $0x201;
	s8 =	sadd.s32 @!p0 $0x180, s11;
	s10 =	simm.s32 @!p0 $0x2480  }
0x42: {  	[tilespmem:s10], [sflag:$0x1] =	stream.strided.gather @!p0 [hbm4b:s8+s7], $0x180, s3, s7, $0x38;
	[tilespmem:$0x7900] =	vst v63  }
0x43: {  	p0 =	por p0, p1  }
.Ltmp2:
0x44: {  	_ = 	snop;
	(pc) =	sbr.rel @p0 .LBB2_3-.Ltmp2, $1  }
0x45: {  	_ =	sdelay $0x3  }
0x46: {  	s7 =	rddreg [dreg:$0x8];
	s3 =	simm.s32 $0x880  }
0x47: {  	[tilespmem:s3], [sflag:$0x1] =	stream.strided.gather [hbm4b:s7+s22], $0x180, s23, s22, $0x38;
	[tilespmem:$0x7900] =	vst v63  }
0x48: {  	s8 =	simm.s32 $0xA80;
	s25 =	sadd.s32 $0x80, s7  }
0x49: {  	[tilespmem:s8], [sflag:$0x1] =	stream.strided.gather [hbm4b:s25+s22], $0x180, s23, s22, $0x38;
	[tilespmem:$0x7900] =	vst v63  }
0x4a: {  	s28 =	simm.s32 $0xC80;
	s26 =	sadd.s32 $0x100, s7  }
0x4b: {  	[tilespmem:s28], [sflag:$0x1] =	stream.strided.gather [hbm4b:s26+s22], $0x180, s23, s22, $0x38;
	[tilespmem:$0x7900] =	vst v63  }
0x4c: {  	s11 =	simm.s32 $0xE80;
	s10 =	sadd.s32 $0x180, s7  }
0x4d: {  	[tilespmem:s11], [sflag:$0x1] =	stream.strided.gather [hbm4b:s10+s22], $0x180, s23, s22, $0x38;
	[tilespmem:$0x7900] =	vst v63  }
0x4e: {  	s12 =	rddreg [dreg:$0x9];
	s19 =	simm.s32 $0x2680  }
0x4f: {  	[tilespmem:s19], [sflag:$0x1] =	stream.strided.gather [hbm4b:s12+s22], $0x180, s23, s22, $0x38;
	[tilespmem:$0x7900] =	vst v63  }
0x50: {  	s21 =	simm.s32 $0x2880;
	s20 =	sadd.s32 $0x80, s12  }
0x51: {  	[tilespmem:s21], [sflag:$0x1] =	stream.strided.gather [hbm4b:s20+s22], $0x180, s23, s22, $0x38;
	[tilespmem:$0x7900] =	vst v63  }
0x52: {  	p0 =	slt.u32 s9, $0x401;
	s24 =	sadd.s32 $0x100, s12;
	s25 =	simm.s32 $0x2A80  }
0x53: {  	[tilespmem:s25], [sflag:$0x1] =	stream.strided.gather [hbm4b:s24+s22], $0x180, s23, s22, $0x38;
	[tilespmem:$0x7900] =	vst v63  }
0x54: {  	s3 =	simm.s32 @!p0 $0x80;
	s26 =	sadd.s32 $0x180, s12;
	s28 =	simm.s32 $0x2C80  }
0x55: {  	[tilespmem:s28], [sflag:$0x1] =	stream.strided.gather [hbm4b:s26+s22], $0x180, s23, s22, $0x38;
	[tilespmem:$0x7900] =	vst v63  }
0x56: {  	s7 =	simm.s32 @!p0 $0x200000;
	s8 =	simm.s32 @!p0 $0x1080;
	s11 =	rddreg [dreg:$0xa]  }
0x57: {  	[tilespmem:s8], [sflag:$0x1] =	stream.strided.gather @!p0 [hbm4b:s11+s3], $0x180, s7, s3, $0x38;
	[tilespmem:$0x7900] =	vst v63  }
0x58: {  	s10 =	simm.s32 @!p0 $0x1280;
	s8 =	sadd.s32 @!p0 $0x80, s11  }
0x59: {  	[tilespmem:s10], [sflag:$0x1] =	stream.strided.gather @!p0 [hbm4b:s8+s3], $0x180, s7, s3, $0x38;
	[tilespmem:$0x7900] =	vst v63  }
0x5a: {  	s8 =	sadd.s32 @!p0 $0x100, s11;
	s10 =	simm.s32 @!p0 $0x1480  }
0x5b: {  	[tilespmem:s10], [sflag:$0x1] =	stream.strided.gather @!p0 [hbm4b:s8+s3], $0x180, s7, s3, $0x38;
	[tilespmem:$0x7900] =	vst v63  }
0x5c: {  	s8 =	sadd.s32 @!p0 $0x180, s11;
	s10 =	simm.s32 @!p0 $0x1680  }
0x5d: {  	[tilespmem:s10], [sflag:$0x1] =	stream.strided.gather @!p0 [hbm4b:s8+s3], $0x180, s7, s3, $0x38;
	[tilespmem:$0x7900] =	vst v63  }
0x5e: {  	s11 =	rddreg [dreg:$0xb];
	s8 =	simm.s32 @!p0 $0x2E80  }
0x5f: {  	[tilespmem:s8], [sflag:$0x1] =	stream.strided.gather @!p0 [hbm4b:s11+s3], $0x180, s7, s3, $0x38;
	[tilespmem:$0x7900] =	vst v63  }
0x60: {  	p1 =	slt.u32 @!p0 s9, $0x601;
	s10 =	simm.s32 @!p0 $0x3080;
	s8 =	sadd.s32 @!p0 $0x80, s11  }
0x61: {  	[tilespmem:s10], [sflag:$0x1] =	stream.strided.gather @!p0 [hbm4b:s8+s3], $0x180, s7, s3, $0x38;
	[tilespmem:$0x7900] =	vst v63  }
0x62: {  	p2 =	por p1, p0;
	s8 =	sadd.s32 @!p0 $0x100, s11;
	s10 =	simm.s32 @!p0 $0x3280  }
0x63: {  	[tilespmem:s10], [sflag:$0x1] =	stream.strided.gather @!p0 [hbm4b:s8+s3], $0x180, s7, s3, $0x38;
	[tilespmem:$0x7900] =	vst v63  }
0x64: {  	p3 =	slt.u32 @!p2 s9, $0x681;
	s8 =	sadd.s32 @!p0 $0x180, s11;
	s10 =	simm.s32 @!p0 $0x3480  }
0x65: {  	[tilespmem:s10], [sflag:$0x1] =	stream.strided.gather @!p0 [hbm4b:s8+s3], $0x180, s7, s3, $0x38;
	[tilespmem:$0x7900] =	vst v63  }
0x66: {  	p4 =	por @!p0 p3, p1;
	s3 =	simm.s32 @!p2 $0x80  }
0x67: {  	s7 =	simm.s32 @!p2 $0x200000;
	s8 =	simm.s32 @!p2 $0x1880;
	s10 =	rddreg [dreg:$0xc]  }
0x68: {  	[tilespmem:s8], [sflag:$0x1] =	stream.strided.gather @!p2 [hbm4b:s10+s3], $0x180, s7, s3, $0x38;
	[tilespmem:$0x7900] =	vst v63  }
0x69: {  	p4 =	por p4, p0;
	s8 =	simm.s32 @!p2 $0x3680;
	s10 =	rddreg [dreg:$0xd]  }
0x6a: {  	[tilespmem:s8], [sflag:$0x1] =	stream.strided.gather @!p2 [hbm4b:s10+s3], $0x180, s7, s3, $0x38;
	[tilespmem:$0x7900] =	vst v63  }
0x6b: {  	s3 =	simm.s32 @!p4 $0x80  }
0x6c: {  	s7 =	simm.s32 @!p4 $0x200000;
	s8 =	simm.s32 @!p4 $0x1A80;
	s10 =	rddreg [dreg:$0xe]  }
0x6d: {  	[tilespmem:s8], [sflag:$0x1] =	stream.strided.gather @!p4 [hbm4b:s10+s3], $0x180, s7, s3, $0x38;
	[tilespmem:$0x7900] =	vst v63  }
0x6e: {  	s8 =	simm.s32 @!p4 $0x3880;
	s10 =	rddreg [dreg:$0xf]  }
0x6f: {  	[tilespmem:s8], [sflag:$0x1] =	stream.strided.gather @!p4 [hbm4b:s10+s3], $0x180, s7, s3, $0x38;
	[tilespmem:$0x7900] =	vst v63  }
0x70: {  	p4 =	slt.u32 @!p4 s9, $0x701  }
0x71: {  	p2 =	por @!p2 p4, p3  }
0x72: {  	p1 =	por @!p0 p2, p1  }
0x73: {  	s9 =	rddreg [dreg:$0x10];
	p0 =	por p1, p0  }
0x74: {  	s3 =	simm.s32 @!p0 $0x80;
	s7 =	simm.s32 @!p0 $0x200000;
	s8 =	simm.s32 @!p0 $0x1C80  }
0x75: {  	[tilespmem:s8], [sflag:$0x1] =	stream.strided.gather @!p0 [hbm4b:s9+s3], $0x180, s7, s3, $0x38;
	[tilespmem:$0x7900] =	vst v63  }
0x76: {  	s8 =	simm.s32 @!p0 $0x3A80;
	s9 =	rddreg [dreg:$0x11]  }
0x77: {  	[tilespmem:s8], [sflag:$0x1] =	stream.strided.gather @!p0 [hbm4b:s9+s3], $0x180, s7, s3, $0x38;
	[tilespmem:$0x7900] =	vst v63  }
.LBB2_3:
.Ltmp3:
0x78: {  	(pc) =	sbr.rel .LBB2_4-.Ltmp3, $2  }
0x79: {  	_ =	sdelay $0x2  }
0x7a: {  	s21 =	simm.s32 $0x0;
	v3 =	vimm.f32 $0.0e+00  }
.LBB2_21:
0x7b: {  	v14 =	vmov v3  }
.LBB2_26:
0x7c: {  	v8 =	vadd.f32 @p0 v13, v14;
	v9 =	vmul.f32 @p0 v11, v11;
	v6 =	vsub.f32 @p0 v6, v7  }
0x7d: {  	v62 =	vld [tilespmem:s8+$0x3D80]  }
0x7e: {  	v63 =	vld [tilespmem:s8+$0x5B80];
	v8 =	vadd.f32 @p0 v9, v8;
	v6 =	vmul.f32 @p0 v6, v6  }
0x7f: {  	v4 =	vsub.f32 v12, v4  }
0x80: {  	v6 =	vadd.f32 @p0 v6, v8  }
0x81: {  	v4 =	vmul.f32 v4, v4;
	v5 =	vsub.f32 v10, v5  }
0x82: {  	v3 =	vpsel p0, v6, v3  }
0x83: {  	v3 =	vadd.f32 v4, v3;
	v4 =	vmul.f32 v5, v5;
	v5 =	vsub.f32 v62, v63;
	_ =	sdelay $0x1  }
0x84: {  	v3 =	vadd.f32 v4, v3;
	v4 =	vmul.f32 v5, v5;
	_ =	sdelay $0x1  }
0x85: {  	v3 =	vadd.f32 v4, v3  }
.LBB2_27:
0x86: {  	s3 =	sshll.u32 s9, $0x4  }
0x87: {  	p0 =	sle.s32 s19, s3  }
0x88: {  	s7 =	sshll.u32 @!p0 s9, $0x6  }
0x89: {  	s8 =	sand.u32 @!p0 $0x70, s3;
	s7 =	sand.u32 @!p0 $0xFFFFFE00, s7  }
0x8a: {  	s7 =	sor.u32 @!p0 s8, s7  }
0x8b: {  	v4 =	vld @!p0 [tilespmem:s7+$0x3C80]  }
0x8c: {  	v5 =	vld @!p0 [tilespmem:s7+$0x5A80]  }
0x8d: {  	v6 =	vld @!p0 [tilespmem:s7+$0x3D00]  }
0x8e: {  	v7 =	vld @!p0 [tilespmem:s7+$0x5B00]  }
0x8f: {  	v8 =	vld @!p0 [tilespmem:s7+$0x3D80]  }
0x90: {  	v9 =	vld @!p0 [tilespmem:s7+$0x5B80]  }
0x91: {  	v4 =	vsub.f32 @!p0 v4, v5  }
0x92: {  	v5 =	vlaneseq.u32 @!p0  }
0x93: {  	v6 =	vsub.f32 @!p0 v6, v7;
	v5 =	vor.u32 @!p0 s3, v5;
	v4 =	vmul.f32 @!p0 v4, v4  }
0x94: {  	vm1 =	vlt.s32 @!p0 v5, s19  }
0x95: {  	v5 =	vsub.f32 @!p0 v8, v9;
	v6 =	vmul.f32 @!p0 v6, v6;
	v4 =	vnsel @!p0 vm1, $0x0, v4  }
0x96: {  	s21 =	sadd.s32 $0x1, s21;
	v4 =	vadd.f32 @!p0 v4, v3  }
0x97: {  	p1 =	sne.s32 s21, $0x10;
	v6 =	vnsel @!p0 vm1, $0x0, v6;
	v5 =	vmul.f32 @!p0 v5, v5  }
.Ltmp4:
0x98: {  	v4 =	vadd.f32 @!p0 v6, v4;
	(pc) =	sbr.rel @!p1 .LBB2_28-.Ltmp4, $3  }
0x99: {  	v5 =	vnsel @!p0 vm1, $0x0, v5  }
0x9a: {  	v4 =	vadd.f32 @!p0 v5, v4;
	_ =	sdelay $0x1  }
0x9b: {  	v3 =	vpsel p0, v3, v4  }
.LBB2_4:
0x9c: {  	s3 =	sshllo.u32 s21, $0x1  }
0x9d: {  	s7 =	sand.u32 $0xF, s3  }
0x9e: {  	p0 =	slt.u32 s21, $0x8;
	v5 =	vmov s7  }
0x9f: {  	v4 =	vpsel p0, v1, v2;
	vm1 =	veq.s32 v5, v0  }
0xa0: {  	v5 =	vnsel vm1, $0x0, v4  }
0xa1: {  	(xrf0) =	vadd.scan.msk.s32 $0xffff, v5;
	_ =	sdelay $0x5  }
0xa2: {  	v5, _, _ =	vpop (xrf0)  }
0xa3: {  	(v2sf) =	vpush v5, $0xF;
	_ =	sdelay $0xe  }
0xa4: {  	s9 =	spop (v2sf)  }
0xa5: {  	p0 =	slt.s32 s9, $0x1  }
0xa6: {  	s7 =	sor.u32 @!p0 s5, s3  }
0xa7: {  	s3 =	sshll.u32 @!p0 s3, $0x4;
	s10 =	sshll.u32 @!p0 s7, $0x8  }
0xa8: {  	s11 =	sand.u32 @!p0 $0x70, s3;
	s7 =	sand.u32 @!p0 $0xFFFF800, s10  }
0xa9: {  	s8 =	simm.s32 @!p0 $0x200000;
	s12 =	sor.u32 @!p0 s11, s7  }
0xaa: {  	s19 =	simm.s32 @!p0 $0x3C80;
	s7 =	simm.s32 @!p0 $0x80;
	s3 =	sadd.s32 @!p0 s1, s12  }
0xab: {  	[tilespmem:s19], [sflag:$0x2] =	stream.strided.gather @!p0 [hbm4b:s3+s7], $0x180, s8, s7, $0x38;
	[tilespmem:$0x7900] =	vst v63  }
0xac: {  	s20 =	simm.s32 @!p0 $0x3E80;
	s19 =	sadd.s32 @!p0 $0x80, s3  }
0xad: {  	[tilespmem:s20], [sflag:$0x2] =	stream.strided.gather @!p0 [hbm4b:s19+s7], $0x180, s8, s7, $0x38;
	[tilespmem:$0x7900] =	vst v63  }
0xae: {  	s19 =	sadd.s32 @!p0 $0x100, s3;
	s20 =	simm.s32 @!p0 $0x4080  }
0xaf: {  	[tilespmem:s20], [sflag:$0x2] =	stream.strided.gather @!p0 [hbm4b:s19+s7], $0x180, s8, s7, $0x38;
	[tilespmem:$0x7900] =	vst v63  }
0xb0: {  	s3 =	sadd.s32 @!p0 $0x180, s3;
	s19 =	simm.s32 @!p0 $0x4280  }
0xb1: {  	[tilespmem:s19], [sflag:$0x2] =	stream.strided.gather @!p0 [hbm4b:s3+s7], $0x180, s8, s7, $0x38;
	[tilespmem:$0x7900] =	vst v63  }
0xb2: {  	s3 =	sadd.s32 @!p0 s2, s12;
	s19 =	simm.s32 @!p0 $0x5A80  }
0xb3: {  	[tilespmem:s19], [sflag:$0x2] =	stream.strided.gather @!p0 [hbm4b:s3+s7], $0x180, s8, s7, $0x38;
	[tilespmem:$0x7900] =	vst v63  }
0xb4: {  	s20 =	simm.s32 @!p0 $0x5C80;
	s19 =	sadd.s32 @!p0 $0x80, s3  }
0xb5: {  	[tilespmem:s20], [sflag:$0x2] =	stream.strided.gather @!p0 [hbm4b:s19+s7], $0x180, s8, s7, $0x38;
	[tilespmem:$0x7900] =	vst v63  }
0xb6: {  	p1 =	slt.u32 @!p0 s9, $0x201;
	s19 =	sadd.s32 @!p0 $0x100, s3;
	s20 =	simm.s32 @!p0 $0x5E80  }
0xb7: {  	[tilespmem:s20], [sflag:$0x2] =	stream.strided.gather @!p0 [hbm4b:s19+s7], $0x180, s8, s7, $0x38;
	[tilespmem:$0x7900] =	vst v63  }
0xb8: {  	p6 =	por p0, p1;
	s3 =	sadd.s32 @!p0 $0x180, s3;
	s19 =	simm.s32 @!p0 $0x6080  }
0xb9: {  	[tilespmem:s19], [sflag:$0x2] =	stream.strided.gather @!p0 [hbm4b:s3+s7], $0x180, s8, s7, $0x38;
	[tilespmem:$0x7900] =	vst v63  }
0xba: {  	s20 =	simm.s32 @!p6 $0x4480;
	s3 =	sor.u32 @!p6 $0x200, s12  }
0xbb: {  	s8 =	simm.s32 @!p6 $0x80;
	s19 =	simm.s32 @!p6 $0x200000;
	s7 =	sadd.s32 @!p6 s1, s3  }
0xbc: {  	[tilespmem:s20], [sflag:$0x2] =	stream.strided.gather @!p6 [hbm4b:s7+s8], $0x180, s19, s8, $0x38;
	[tilespmem:$0x7900] =	vst v63  }
0xbd: {  	s24 =	simm.s32 @!p6 $0x4680;
	s20 =	sadd.s32 @!p6 $0x80, s7  }
0xbe: {  	[tilespmem:s24], [sflag:$0x2] =	stream.strided.gather @!p6 [hbm4b:s20+s8], $0x180, s19, s8, $0x38;
	[tilespmem:$0x7900] =	vst v63  }
0xbf: {  	s20 =	sadd.s32 @!p6 $0x100, s7;
	s24 =	simm.s32 @!p6 $0x4880  }
0xc0: {  	[tilespmem:s24], [sflag:$0x2] =	stream.strided.gather @!p6 [hbm4b:s20+s8], $0x180, s19, s8, $0x38;
	[tilespmem:$0x7900] =	vst v63  }
0xc1: {  	s7 =	sadd.s32 @!p6 $0x180, s7;
	s20 =	simm.s32 @!p6 $0x4A80  }
0xc2: {  	[tilespmem:s20], [sflag:$0x2] =	stream.strided.gather @!p6 [hbm4b:s7+s8], $0x180, s19, s8, $0x38;
	[tilespmem:$0x7900] =	vst v63  }
0xc3: {  	p1 =	slt.u32 @!p6 s9, $0x401;
	s3 =	sadd.s32 @!p6 s2, s3;
	s7 =	simm.s32 @!p6 $0x6280  }
0xc4: {  	[tilespmem:s7], [sflag:$0x2] =	stream.strided.gather @!p6 [hbm4b:s3+s8], $0x180, s19, s8, $0x38;
	[tilespmem:$0x7900] =	vst v63  }
0xc5: {  	p1 =	por p6, p1;
	s20 =	simm.s32 @!p6 $0x6480;
	s7 =	sadd.s32 @!p6 $0x80, s3  }
0xc6: {  	[tilespmem:s20], [sflag:$0x2] =	stream.strided.gather @!p6 [hbm4b:s7+s8], $0x180, s19, s8, $0x38;
	[tilespmem:$0x7900] =	vst v63  }
.Ltmp5:
0xc7: {  	_ = 	snop;
	(pc) =	sbr.rel @p1 .LBB2_5-.Ltmp5, $4  }
0xc8: {  	s7 =	sadd.s32 @!p6 $0x100, s3;
	s20 =	simm.s32 @!p6 $0x6680  }
0xc9: {  	[tilespmem:s20], [sflag:$0x2] =	stream.strided.gather @!p6 [hbm4b:s7+s8], $0x180, s19, s8, $0x38;
	[tilespmem:$0x7900] =	vst v63  }
0xca: {  	s3 =	sadd.s32 @!p6 $0x180, s3;
	s7 =	simm.s32 @!p6 $0x6880  }
0xcb: {  	[tilespmem:s7], [sflag:$0x2] =	stream.strided.gather @!p6 [hbm4b:s3+s8], $0x180, s19, s8, $0x38;
	[tilespmem:$0x7900] =	vst v63  }
0xcc: {  	s3 =	sor.u32 $0x400, s12  }
0xcd: {  	s8 =	simm.s32 $0x4C80;
	s7 =	sadd.s32 s1, s3  }
0xce: {  	[tilespmem:s8], [sflag:$0x2] =	stream.strided.gather [hbm4b:s7+s22], $0x180, s23, s22, $0x38;
	[tilespmem:$0x7900] =	vst v63  }
0xcf: {  	s19 =	simm.s32 $0x4E80;
	s28 =	sadd.s32 $0x80, s7  }
0xd0: {  	[tilespmem:s19], [sflag:$0x2] =	stream.strided.gather [hbm4b:s28+s22], $0x180, s23, s22, $0x38;
	[tilespmem:$0x7900] =	vst v63  }
0xd1: {  	s20 =	simm.s32 $0x5080;
	s19 =	sadd.s32 $0x100, s7  }
0xd2: {  	[tilespmem:s20], [sflag:$0x2] =	stream.strided.gather [hbm4b:s19+s22], $0x180, s23, s22, $0x38;
	[tilespmem:$0x7900] =	vst v63  }
0xd3: {  	s24 =	simm.s32 $0x5280;
	s7 =	sadd.s32 $0x180, s7  }
0xd4: {  	[tilespmem:s24], [sflag:$0x2] =	stream.strided.gather [hbm4b:s7+s22], $0x180, s23, s22, $0x38;
	[tilespmem:$0x7900] =	vst v63  }
0xd5: {  	s25 =	simm.s32 $0x6A80;
	s3 =	sadd.s32 s2, s3  }
0xd6: {  	[tilespmem:s25], [sflag:$0x2] =	stream.strided.gather [hbm4b:s3+s22], $0x180, s23, s22, $0x38;
	[tilespmem:$0x7900] =	vst v63  }
0xd7: {  	s26 =	sadd.s32 $0x80, s3  }
0xd8: {  	[tilespmem:s29], [sflag:$0x2] =	stream.strided.gather [hbm4b:s26+s22], $0x180, s23, s22, $0x38;
	[tilespmem:$0x7900] =	vst v63  }
0xd9: {  	p6 =	slt.u32 s9, $0x601;
	s28 =	sadd.s32 $0x100, s3  }
0xda: {  	[tilespmem:s30], [sflag:$0x2] =	stream.strided.gather [hbm4b:s28+s22], $0x180, s23, s22, $0x38;
	[tilespmem:$0x7900] =	vst v63  }
0xdb: {  	p1 =	slt.u32 @!p6 s9, $0x681;
	s3 =	sadd.s32 $0x180, s3  }
0xdc: {  	[tilespmem:s31], [sflag:$0x2] =	stream.strided.gather [hbm4b:s3+s22], $0x180, s23, s22, $0x38;
	[tilespmem:$0x7900] =	vst v63  }
0xdd: {  	s8 =	simm.s32 @!p6 $0x80;
	p2 =	por p1, p6;
	s3 =	sor.u32 @!p6 $0x600, s12  }
0xde: {  	s19 =	simm.s32 @!p6 $0x200000;
	s20 =	simm.s32 @!p6 $0x5480;
	s7 =	sadd.s32 @!p6 s1, s3  }
0xdf: {  	[tilespmem:s20], [sflag:$0x2] =	stream.strided.gather @!p6 [hbm4b:s7+s8], $0x180, s19, s8, $0x38;
	[tilespmem:$0x7900] =	vst v63  }
0xe0: {  	p3 =	slt.u32 @!p2 s9, $0x701;
	s3 =	sadd.s32 @!p6 s2, s3;
	s7 =	simm.s32 @!p6 $0x7280  }
0xe1: {  	[tilespmem:s7], [sflag:$0x2] =	stream.strided.gather @!p6 [hbm4b:s3+s8], $0x180, s19, s8, $0x38;
	[tilespmem:$0x7900] =	vst v63  }
0xe2: {  	p4 =	por @!p6 p3, p1;
	s3 =	sor.u32 @!p2 $0x680, s12;
	s8 =	simm.s32 @!p2 $0x80  }
0xe3: {  	s12 =	simm.s32 @!p2 $0x200000;
	s19 =	simm.s32 @!p2 $0x5680;
	s7 =	sadd.s32 @!p2 s1, s3  }
0xe4: {  	[tilespmem:s19], [sflag:$0x2] =	stream.strided.gather @!p2 [hbm4b:s7+s8], $0x180, s12, s8, $0x38;
	[tilespmem:$0x7900] =	vst v63  }
0xe5: {  	p4 =	por p4, p6;
	s3 =	sadd.s32 @!p2 s2, s3;
	s7 =	simm.s32 @!p2 $0x7480  }
0xe6: {  	[tilespmem:s7], [sflag:$0x2] =	stream.strided.gather @!p2 [hbm4b:s3+s8], $0x180, s12, s8, $0x38;
	[tilespmem:$0x7900] =	vst v63  }
0xe7: {  	p5 =	por @!p2 $0x1, $0x1;
	s3 =	sor.u32 @!p4 s11, s10  }
0xe8: {  	p3 =	por @!p6 !p3, p1;
	s8 =	simm.s32 @!p4 $0x80;
	s3 =	sor.u32 @!p4 $0x700, s3  }
0xe9: {  	s10 =	simm.s32 @!p4 $0x200000;
	s11 =	simm.s32 @!p4 $0x5880;
	s7 =	sadd.s32 @!p4 s1, s3  }
0xea: {  	[tilespmem:s11], [sflag:$0x2] =	stream.strided.gather @!p4 [hbm4b:s7+s8], $0x180, s10, s8, $0x38;
	[tilespmem:$0x7900] =	vst v63  }
0xeb: {  	p1 =	por !p1, p6;
	s3 =	sadd.s32 @!p4 s2, s3;
	s7 =	simm.s32 @!p4 $0x7680  }
0xec: {  	[tilespmem:s7], [sflag:$0x2] =	stream.strided.gather @!p4 [hbm4b:s3+s8], $0x180, s10, s8, $0x38;
	[tilespmem:$0x7900] =	vst v63  }
0xed: {  	p3 =	por !p3, p6;
	p2 =	por @!p2 $0x0, $0x0;
	p4 =	por @!p4 $0x1, $0x1  }
0xee: {  	p5 =	por @!p3 p4, p4;
	p2 =	por @!p3 p4, p4;
	p4 =	por @!p6 $0x0, $0x0  }
0xef: {  	p3 =	por p5, p5;
	p2 =	por @!p1 p4, p4;
	p4 =	por @!p6 $0x1, $0x1  }
0xf0: {  	p3 =	por @!p1 p4, p4;
	p4 =	por @!p6 $0x0, $0x0  }
0xf1: {  	p5 =	por @!p1 p4, p4;
	p4 =	por $0x0, $0x0  }
0xf2: {  	p4 =	por @!p6 p2, p2  }
0xf3: {  	p1 =	por $0x0, $0x0;
	s3 =	simm.s32 @!p4 $0x0  }
0xf4: {  	p1 =	por @!p6 p3, p3;
	s3 =	simm.s32 @p4 $0x1  }
0xf5: {  	[smem:$0x7FA] =	sst s3;
	s3 =	simm.s32 @!p1 $0x0  }
0xf6: {  	s3 =	simm.s32 @p1 $0x1;
	p1 =	por $0x1, $0x1  }
0xf7: {  	p2 =	por $0x1, $0x1;
	p1 =	por @!p6 p3, p3  }
.Ltmp6:
0xf8: {  	[smem:$0x7FB] =	sst s3;
	s3 =	simm.s32 @!p1 $0x0;
	(pc) =	sbr.rel .LBB2_7-.Ltmp6, $4  }
0xf9: {  	p2 =	por @!p6 p3, p3;
	s3 =	simm.s32 @p1 $0x1  }
0xfa: {  	p1 =	por $0x0, $0x0;
	[smem:$0x7FC] =	sst s3;
	s3 =	simm.s32 @!p2 $0x0  }
0xfb: {  	p1 =	por @!p6 p5, p5;
	s3 =	simm.s32 @p2 $0x1  }
0xfc: {  	p5 =	por p1, p1;
	[smem:$0x7FD] =	sst s3  }
.LBB2_5:
0xfd: {  	p1 =	por @!p0 $0x0, $0x0;
	p4 =	por $0x0, $0x0  }
0xfe: {  	p4 =	por @!p0 p1, p1  }
0xff: {  	p1 =	por @!p6 $0x0, $0x0;
	p2 =	por p4, p4  }
0x100: {  	p2 =	por @!p6 p1, p1  }
0x101: {  	s3 =	simm.s32 @!p2 $0x0  }
0x102: {  	s3 =	simm.s32 @p2 $0x1;
	p2 =	por p4, p4  }
0x103: {  	p3 =	por @!p6 $0x1, $0x1;
	p2 =	por @!p6 p1, p1  }
0x104: {  	p5 =	por p4, p4;
	[smem:$0x7FA] =	sst s3;
	s3 =	simm.s32 @!p2 $0x0  }
0x105: {  	p5 =	por @!p6 p3, p3;
	s3 =	simm.s32 @p2 $0x1  }
0x106: {  	p2 =	por p4, p4;
	[smem:$0x7FB] =	sst s3;
	s3 =	simm.s32 @!p5 $0x0  }
0x107: {  	p2 =	por @!p6 p1, p1;
	s3 =	simm.s32 @p5 $0x1  }
0x108: {  	[smem:$0x7FC] =	sst s3;
	s3 =	simm.s32 @!p2 $0x0  }
0x109: {  	p4 =	por @!p6 p1, p1;
	s3 =	simm.s32 @p2 $0x1  }
0x10a: {  	p5 =	por p4, p4;
	[smem:$0x7FD] =	sst s3  }
.LBB2_7:
0x10b: {  	s10 =	sshll.u32 s21, $0x1  }
0x10c: {  	s3 =	sand.u32 $0xE, s10  }
0x10d: {  	v5 =	vmov s3  }
0x10e: {  	vm1 =	veq.s32 v5, v0  }
0x10f: {  	v4 =	vnsel vm1, $0x0, v4  }
0x110: {  	(xrf0) =	vadd.scan.msk.s32 $0xffff, v4;
	_ =	sdelay $0x5  }
0x111: {  	v4, _, _ =	vpop (xrf0)  }
0x112: {  	(v2sf) =	vpush v4, $0xF;
	_ =	sdelay $0xe  }
0x113: {  	s7 =	spop (v2sf)  }
0x114: {  	p1 =	slt.s32 s7, $0x1  }
0x115: {  	s3 =	simm.s32 @!p1 $0x1;
	p3 =	slt.u32 @!p1 s7, $0x201  }
0x116: {  	_ =	swait.ge @!p1 [sflag:s3], $0x600;
	p3 =	por p1, p3  }
.Ltmp7:
0x117: {  	[sflag:s3] =	ssyncset.done @!p1 $0x0;
	(pc) =	sbr.rel @p3 .LBB2_9-.Ltmp7, $4  }
0x118: {  	[sflag:s3] =	ssyncadd.s32 @!p1 $0xFFFFFA00  }
0x119: {  	_ =	swait.ge @!p1 [sflag:s3], $0x600  }
0x11a: {  	[sflag:s3] =	ssyncset.done @!p1 $0x0  }
0x11b: {  	[sflag:s3] =	ssyncadd.s32 @!p1 $0xFFFFFA00  }
0x11c: {  	_ =	swait.ge [sflag:s0], $0x600  }
0x11d: {  	[sflag:s0] =	ssyncset.done $0x0  }
0x11e: {  	[sflag:s0] =	ssyncadd.s32 $0xFFFFFA00  }
0x11f: {  	_ =	swait.ge [sflag:s0], $0x600  }
0x120: {  	p1 =	slt.u32 s7, $0x401;
	[sflag:s0] =	ssyncset.done $0x0  }
0x121: {  	s3 =	simm.s32 @!p1 $0x1;
	[sflag:s0] =	ssyncadd.s32 $0xFFFFFA00  }
0x122: {  	_ =	swait.ge @!p1 [sflag:s3], $0x600  }
0x123: {  	[sflag:s3] =	ssyncset.done @!p1 $0x0  }
0x124: {  	[sflag:s3] =	ssyncadd.s32 @!p1 $0xFFFFFA00  }
0x125: {  	p3 =	slt.u32 @!p1 s7, $0x601;
	_ =	swait.ge @!p1 [sflag:s3], $0x600  }
0x126: {  	p6 =	por p3, p1;
	[sflag:s3] =	ssyncset.done @!p1 $0x0  }
0x127: {  	[sflag:s3] =	ssyncadd.s32 @!p1 $0xFFFFFA00;
	s3 =	simm.s32 @!p6 $0x1  }
0x128: {  	s8 =	simm.s32 @!p5 $0x0;
	_ =	swait.ge @!p6 [sflag:s3], $0x180  }
0x129: {  	s8 =	simm.s32 @p5 $0x1;
	[sflag:s3] =	ssyncset.done @!p6 $0x0  }
0x12a: {  	[smem:$0x7F9] =	sst s8;
	[sflag:s3] =	ssyncadd.s32 @!p6 $0xFFFFFE80  }
0x12b: {  	_ =	swait.ge @!p6 [sflag:s3], $0x180  }
0x12c: {  	s26 =	sld [smem:$0x7FA];
	_ =	sdelay $0x2  }
0x12d: {  	p5 =	slt.u32 @!p6 s7, $0x681;
	p2 =	seq.s32 s26, $0x1  }
0x12e: {  	p4 =	por @!p1 p5, p3;
	s8 =	simm.s32 @!p2 $0x0  }
0x12f: {  	p4 =	por p4, p1;
	[sflag:s3] =	ssyncset.done @!p6 $0x0;
	s8 =	simm.s32 @p2 $0x1  }
0x130: {  	[sflag:s3] =	ssyncadd.s32 @!p6 $0xFFFFFE80;
	s3 =	simm.s32 @!p4 $0x1;
	[smem:$0x7FA] =	sst s8  }
0x131: {  	_ =	swait.ge @!p4 [sflag:s3], $0x180  }
0x132: {  	p2 =	slt.u32 @!p4 s7, $0x701;
	[sflag:s3] =	ssyncset.done @!p4 $0x0  }
0x133: {  	p2 =	por @!p6 p2, p5;
	[sflag:s3] =	ssyncadd.s32 @!p4 $0xFFFFFE80  }
0x134: {  	p2 =	por @!p1 p2, p3;
	s28 =	sld [smem:$0x7F9];
	_ =	swait.ge @!p4 [sflag:s3], $0x180  }
0x135: {  	p1 =	por p2, p1;
	[sflag:s3] =	ssyncset.done @!p4 $0x0  }
0x136: {  	[sflag:s3] =	ssyncadd.s32 @!p4 $0xFFFFFE80;
	s3 =	simm.s32 @!p1 $0x1  }
0x137: {  	_ =	swait.ge @!p1 [sflag:s3], $0x180  }
0x138: {  	[sflag:s3] =	ssyncset.done @!p1 $0x0  }
0x139: {  	[sflag:s3] =	ssyncadd.s32 @!p1 $0xFFFFFE80  }
0x13a: {  	_ =	swait.ge @!p1 [sflag:s3], $0x180  }
0x13b: {  	[sflag:s3] =	ssyncset.done @!p1 $0x0  }
0x13c: {  	p5 =	seq.s32 s28, $0x1;
	[sflag:s3] =	ssyncadd.s32 @!p1 $0xFFFFFE80  }
.LBB2_9:
0x13d: {  	p1 =	slt.s32 s7, $0x780  }
0x13e: {  	s19 =	smov.u32 s7;
	p2 =	sgt.s32 s7, $0x0;
	s3 =	simm.s32 $0x1  }
0x13f: {  	s25 =	sshra.s32 s7, $0x1F;
	s19 =	simm.s32 @!p1 $0x780;
	s3 =	simm.s32 @!p2 $0x0  }
0x140: {  	s3 =	sadd.s32 s3, s25;
	s26 =	sand.u32 $0xF, s19  }
0x141: {  	s8 =	sshra.s32 s19, $0x1F;
	p4 =	sne.s32 s3, $0x1;
	p6 =	sne.s32 s26, $0x0  }
0x142: {  	s28 =	sshrl.u32 s8, $0x1C;
	p1 =	por !p6, !p4  }
0x143: {  	s7 =	simm.s32 $0x1;
	s3 =	sadd.s32 s28, s19;
	p1 =	por !p1, !p1  }
0x144: {  	s3 =	sshra.s32 s3, $0x4;
	s7 =	simm.s32 @!p1 $0x0  }
0x145: {  	s11 =	ssub.s32 s3, s7  }
0x146: {  	p1 =	slt.s32 s11, $0x1  }
.Ltmp8:
0x147: {  	_ = 	snop;
	(pc) =	sbr.rel @p1 .LBB2_17-.Ltmp8, $2  }
0x148: {  	_ =	sdelay $0x2  }
0x149: {  	s7 =	simm.s32 $0x0  }
0x14a: {  	s3 =	sand.u32 $0x70, s7;
	s8 =	sand.u32 $0xFFFFFE00, s7;
	p1 =	sne.s32 s11, $0x1  }
.Ltmp9:
0x14b: {  	s8 =	sor.u32 s3, s8;
	(pc) =	sbr.rel @!p1 .LBB2_11-.Ltmp9, $4  }
0x14c: {  	v12 =	vld [tilespmem:s8+$0x80]  }
0x14d: {  	v4 =	vld [tilespmem:s8+$0x1E80]  }
0x14e: {  	s12 =	sadd.s32 $0x40, s7;
	v10 =	vld [tilespmem:s8+$0x100]  }
0x14f: {  	s20 =	sadd.s32 $0x10, s7;
	p6 =	por $0x0, $0x0;
	s3 =	sadd.s32 $0xFFFFFFFF, s11;
	v5 =	vld [tilespmem:s8+$0x1F00]  }
0x150: {  	s7 =	sand.u32 $0x70, s20;
	s24 =	sand.u32 $0xFFFFFE00, s12;
	v6 =	vld [tilespmem:s8+$0x180];
	p1 =	sne.s32 s3, $0x1  }
.Ltmp10:
0x151: {  	v7 =	vld [tilespmem:s8+$0x1F80];
	s7 =	sor.u32 s7, s24;
	(pc) =	sbr.rel @!p1 .LBB2_13-.Ltmp10, $4  }
0x152: {  	v8 =	vld [tilespmem:s7+$0x80];
	v12 =	vsub.f32 v12, v4  }
0x153: {  	v4 =	vld [tilespmem:s7+$0x1E80]  }
0x154: {  	s8 =	sadd.s32 $0xFFFFFFFF, s3;
	v9 =	vld [tilespmem:s7+$0x100];
	v11 =	vsub.f32 v10, v5;
	v13 =	vmul.f32 v12, v12  }
0x155: {  	s12 =	sadd.s32 $0x40, s12;
	s20 =	sadd.s32 $0x10, s20;
	p6 =	por $0x1, $0x1;
	v14 =	vmov v3;
	v5 =	vld [tilespmem:s7+$0x1F00]  }
.LBB2_14:
0x156: {  	s3 =	sand.u32 $0x70, s20;
	s24 =	sand.u32 $0xFFFFFE00, s12;
	v10 =	vadd.f32 v13, v14;
	v11 =	vmul.f32 v11, v11;
	v12 =	vsub.f32 v6, v7;
	v6 =	vld [tilespmem:s7+$0x180];
	p1 =	sne.s32 s8, $0x1  }
.Ltmp11:
0x157: {  	s8 =	sadd.s32 $0xFFFFFFFF, s8;
	v7 =	vld [tilespmem:s7+$0x1F80];
	s7 =	sor.u32 s3, s24;
	(pc) =	sbr.rel @p1 .LBB2_14-.Ltmp11, $4  }
0x158: {  	v13 =	vsub.f32 v8, v4;
	v8 =	vld [tilespmem:s7+$0x80];
	v10 =	vadd.f32 v11, v10;
	v12 =	vmul.f32 v12, v12  }
0x159: {  	v4 =	vld [tilespmem:s7+$0x1E80]  }
0x15a: {  	v13 =	vmul.f32 v13, v13;
	v11 =	vsub.f32 v9, v5;
	v9 =	vld [tilespmem:s7+$0x100];
	v14 =	vadd.f32 v12, v10  }
0x15b: {  	s12 =	sadd.s32 $0x40, s12;
	s20 =	sadd.s32 $0x10, s20;
	v5 =	vld [tilespmem:s7+$0x1F00]  }
0x15c: {  	_ =	sdelay $0x2  }
0x15d: {  	s8 =	smov.u32 s7;
	v12 =	vmov v8;
	v10 =	vmov v9  }
.LBB2_16:
0x15e: {  	v8 =	vadd.f32 @p6 v13, v14;
	v9 =	vmul.f32 @p6 v11, v11;
	v6 =	vsub.f32 @p6 v6, v7  }
0x15f: {  	v62 =	vld [tilespmem:s8+$0x180]  }
0x160: {  	v63 =	vld [tilespmem:s8+$0x1F80];
	v8 =	vadd.f32 @p6 v9, v8;
	v6 =	vmul.f32 @p6 v6, v6  }
0x161: {  	v4 =	vsub.f32 v12, v4  }
0x162: {  	v6 =	vadd.f32 @p6 v6, v8  }
0x163: {  	v5 =	vsub.f32 v10, v5;
	v4 =	vmul.f32 v4, v4  }
0x164: {  	v3 =	vpsel p6, v6, v3  }
0x165: {  	v3 =	vadd.f32 v4, v3;
	v4 =	vmul.f32 v5, v5;
	v5 =	vsub.f32 v62, v63;
	_ =	sdelay $0x1  }
0x166: {  	v3 =	vadd.f32 v4, v3;
	v4 =	vmul.f32 v5, v5;
	_ =	sdelay $0x1  }
0x167: {  	v3 =	vadd.f32 v4, v3  }
.LBB2_17:
0x168: {  	p1 =	seq.s32 s21, $0xF  }
0x169: {  	s3 =	sadd.s32 @!p1 $0x2, s10  }
0x16a: {  	p2 =	slt.u32 @!p1 s21, $0x7;
	s7 =	sand.u32 @!p1 $0xE, s3  }
0x16b: {  	v5 =	vlaneseq.u32 @!p1;
	p2 =	por !p2, p1;
	v4 =	vmov @!p1 s7  }
0x16c: {  	v6 =	vpsel p2, v2, v1;
	vm1 =	veq.s32 @!p1 v4, v5  }
0x16d: {  	v4 =	vnsel @!p1 vm1, $0x0, v6  }
0x16e: {  	(xrf0) =	vadd.scan.msk.s32 @!p1 $0xffff, v4;
	_ =	sdelay $0x5  }
0x16f: {  	v4, _, _ =	vpop @!p1 (xrf0)  }
0x170: {  	(v2sf) =	vpush @!p1 v4, $0xF;
	_ =	sdelay $0xb  }
0x171: {  	s8 =	sshll.u32 s11, $0x4  }
0x172: {  	p6 =	sle.s32 s19, s8  }
0x173: {  	s7 =	sshll.u32 @!p6 s11, $0x6  }
0x174: {  	s11 =	sand.u32 @!p6 $0x70, s8;
	s7 =	sand.u32 @!p6 $0xFFFFFE00, s7;
	s10 =	spop @!p1 (v2sf)  }
0x175: {  	s20 =	sor.u32 @!p6 s11, s7;
	p2 =	slt.s32 @!p1 s10, $0x1  }
0x176: {  	v5 =	vld @!p6 [tilespmem:s20+$0x1E80];
	p1 =	por p1, p2  }
0x177: {  	v6 =	vld @!p6 [tilespmem:s20+$0x100];
	s7 =	sadd.s32 @!p1 s5, s3  }
0x178: {  	v7 =	vld @!p6 [tilespmem:s20+$0x1F00];
	s3 =	sshll.u32 @!p1 s3, $0x4;
	s11 =	sshll.u32 @!p1 s7, $0x8  }
0x179: {  	v8 =	vld @!p6 [tilespmem:s20+$0x180];
	s12 =	sand.u32 @!p1 $0x60, s3;
	s7 =	sand.u32 @!p1 $0xFFFF800, s11  }
0x17a: {  	v9 =	vld @!p6 [tilespmem:s20+$0x1F80];
	s7 =	sor.u32 @!p1 s12, s7  }
0x17b: {  	v4 =	vld @!p6 [tilespmem:s20+$0x80];
	s20 =	simm.s32 @!p1 $0x200000;
	s24 =	simm.s32 @!p1 $0x80;
	s3 =	sadd.s32 @!p1 s1, s7  }
0x17c: {  	[tilespmem:s24], [sflag:$0x1] =	stream.strided.gather @!p1 [hbm4b:s3+s24], $0x180, s20, s24, $0x38;
	[tilespmem:$0x7900] =	vst v63  }
0x17d: {  	s26 =	simm.s32 @!p1 $0x280;
	s25 =	sadd.s32 @!p1 $0x80, s3  }
0x17e: {  	[tilespmem:s26], [sflag:$0x1] =	stream.strided.gather @!p1 [hbm4b:s25+s24], $0x180, s20, s24, $0x38;
	[tilespmem:$0x7900] =	vst v63  }
0x17f: {  	s25 =	sadd.s32 @!p1 $0x100, s3;
	s26 =	simm.s32 @!p1 $0x480  }
0x180: {  	[tilespmem:s26], [sflag:$0x1] =	stream.strided.gather @!p1 [hbm4b:s25+s24], $0x180, s20, s24, $0x38;
	[tilespmem:$0x7900] =	vst v63  }
0x181: {  	s3 =	sadd.s32 @!p1 $0x180, s3;
	s25 =	simm.s32 @!p1 $0x680  }
0x182: {  	[tilespmem:s25], [sflag:$0x1] =	stream.strided.gather @!p1 [hbm4b:s3+s24], $0x180, s20, s24, $0x38;
	[tilespmem:$0x7900] =	vst v63  }
0x183: {  	s3 =	sadd.s32 @!p1 s2, s7;
	s25 =	simm.s32 @!p1 $0x1E80  }
0x184: {  	[tilespmem:s25], [sflag:$0x1] =	stream.strided.gather @!p1 [hbm4b:s3+s24], $0x180, s20, s24, $0x38;
	[tilespmem:$0x7900] =	vst v63  }
0x185: {  	s26 =	simm.s32 @!p1 $0x2080;
	s25 =	sadd.s32 @!p1 $0x80, s3  }
0x186: {  	[tilespmem:s26], [sflag:$0x1] =	stream.strided.gather @!p1 [hbm4b:s25+s24], $0x180, s20, s24, $0x38;
	[tilespmem:$0x7900] =	vst v63  }
0x187: {  	s25 =	sadd.s32 @!p1 $0x100, s3;
	s26 =	simm.s32 @!p1 $0x2280  }
0x188: {  	[tilespmem:s26], [sflag:$0x1] =	stream.strided.gather @!p1 [hbm4b:s25+s24], $0x180, s20, s24, $0x38;
	[tilespmem:$0x7900] =	vst v63  }
0x189: {  	p2 =	slt.u32 @!p1 s10, $0x201;
	s3 =	sadd.s32 @!p1 $0x180, s3;
	s25 =	simm.s32 @!p1 $0x2480  }
0x18a: {  	[tilespmem:s25], [sflag:$0x1] =	stream.strided.gather @!p1 [hbm4b:s3+s24], $0x180, s20, s24, $0x38;
	[tilespmem:$0x7900] =	vst v63  }
0x18b: {  	p1 =	por p1, p2  }
0x18c: {  	s3 =	sor.u32 @!p1 $0x200, s7;
	s24 =	simm.s32 @!p1 $0x80  }
0x18d: {  	s25 =	simm.s32 @!p1 $0x200000;
	s26 =	simm.s32 @!p1 $0x880;
	s20 =	sadd.s32 @!p1 s1, s3  }
0x18e: {  	[tilespmem:s26], [sflag:$0x1] =	stream.strided.gather @!p1 [hbm4b:s20+s24], $0x180, s25, s24, $0x38;
	[tilespmem:$0x7900] =	vst v63  }
0x18f: {  	s28 =	simm.s32 @!p1 $0xA80;
	s26 =	sadd.s32 @!p1 $0x80, s20  }
0x190: {  	[tilespmem:s28], [sflag:$0x1] =	stream.strided.gather @!p1 [hbm4b:s26+s24], $0x180, s25, s24, $0x38;
	[tilespmem:$0x7900] =	vst v63  }
0x191: {  	s26 =	sadd.s32 @!p1 $0x100, s20;
	s28 =	simm.s32 @!p1 $0xC80  }
0x192: {  	[tilespmem:s28], [sflag:$0x1] =	stream.strided.gather @!p1 [hbm4b:s26+s24], $0x180, s25, s24, $0x38;
	[tilespmem:$0x7900] =	vst v63  }
0x193: {  	s20 =	sadd.s32 @!p1 $0x180, s20;
	s26 =	simm.s32 @!p1 $0xE80  }
0x194: {  	[tilespmem:s26], [sflag:$0x1] =	stream.strided.gather @!p1 [hbm4b:s20+s24], $0x180, s25, s24, $0x38;
	[tilespmem:$0x7900] =	vst v63  }
0x195: {  	s3 =	sadd.s32 @!p1 s2, s3;
	s20 =	simm.s32 @!p1 $0x2680  }
0x196: {  	[tilespmem:s20], [sflag:$0x1] =	stream.strided.gather @!p1 [hbm4b:s3+s24], $0x180, s25, s24, $0x38;
	[tilespmem:$0x7900] =	vst v63  }
0x197: {  	v4 =	vsub.f32 @!p6 v4, v5;
	v5 =	vlaneseq.u32 @!p6;
	s26 =	simm.s32 @!p1 $0x2880;
	s20 =	sadd.s32 @!p1 $0x80, s3  }
0x198: {  	v5 =	vor.u32 @!p6 s8, v5;
	[tilespmem:s26], [sflag:$0x1] =	stream.strided.gather @!p1 [hbm4b:s20+s24], $0x180, s25, s24, $0x38;
	[tilespmem:$0x7900] =	vst v63  }
0x199: {  	vm1 =	vlt.s32 @!p6 v5, s19;
	s19 =	simm.s32 @!p1 $0x2A80;
	s8 =	sadd.s32 @!p1 $0x100, s3  }
0x19a: {  	[tilespmem:s19], [sflag:$0x1] =	stream.strided.gather @!p1 [hbm4b:s8+s24], $0x180, s25, s24, $0x38;
	[tilespmem:$0x7900] =	vst v63  }
0x19b: {  	v6 =	vsub.f32 @!p6 v6, v7;
	v4 =	vmul.f32 @!p6 v4, v4;
	p2 =	slt.u32 @!p1 s10, $0x401;
	s3 =	sadd.s32 @!p1 $0x180, s3;
	s8 =	simm.s32 @!p1 $0x2C80  }
0x19c: {  	[tilespmem:s8], [sflag:$0x1] =	stream.strided.gather @!p1 [hbm4b:s3+s24], $0x180, s25, s24, $0x38;
	[tilespmem:$0x7900] =	vst v63  }
0x19d: {  	v6 =	vmul.f32 @!p6 v6, v6;
	v5 =	vsub.f32 @!p6 v8, v9;
	v4 =	vnsel @!p6 vm1, $0x0, v4;
	p1 =	por p1, p2  }
.Ltmp12:
0x19e: {  	v4 =	vadd.f32 @!p6 v4, v3;
	(pc) =	sbr.rel @p1 .LBB2_19-.Ltmp12, $4  }
0x19f: {  	v6 =	vnsel @!p6 vm1, $0x0, v6;
	v5 =	vmul.f32 @!p6 v5, v5  }
0x1a0: {  	v4 =	vadd.f32 @!p6 v6, v4  }
0x1a1: {  	v5 =	vnsel @!p6 vm1, $0x0, v5;
	s19 =	smov.u32 s9;
	p2 =	slt.s32 s9, $0x780  }
0x1a2: {  	v4 =	vadd.f32 @!p6 v5, v4;
	s19 =	simm.s32 @!p2 $0x780  }
0x1a3: {  	s3 =	sor.u32 $0x400, s7  }
0x1a4: {  	s7 =	sadd.s32 s1, s3  }
0x1a5: {  	[tilespmem:s13], [sflag:$0x1] =	stream.strided.gather [hbm4b:s7+s22], $0x180, s23, s22, $0x38;
	[tilespmem:$0x7900] =	vst v63  }
0x1a6: {  	s8 =	sadd.s32 $0x80, s7  }
0x1a7: {  	[tilespmem:s14], [sflag:$0x1] =	stream.strided.gather [hbm4b:s8+s22], $0x180, s23, s22, $0x38;
	[tilespmem:$0x7900] =	vst v63  }
0x1a8: {  	s25 =	sadd.s32 $0x100, s7  }
0x1a9: {  	[tilespmem:s15], [sflag:$0x1] =	stream.strided.gather [hbm4b:s25+s22], $0x180, s23, s22, $0x38;
	[tilespmem:$0x7900] =	vst v63  }
0x1aa: {  	s7 =	sadd.s32 $0x180, s7  }
0x1ab: {  	[tilespmem:s16], [sflag:$0x1] =	stream.strided.gather [hbm4b:s7+s22], $0x180, s23, s22, $0x38;
	[tilespmem:$0x7900] =	vst v63  }
0x1ac: {  	s3 =	sadd.s32 s2, s3  }
0x1ad: {  	[tilespmem:s17], [sflag:$0x1] =	stream.strided.gather [hbm4b:s3+s22], $0x180, s23, s22, $0x38;
	[tilespmem:$0x7900] =	vst v63  }
0x1ae: {  	s26 =	sadd.s32 $0x80, s3  }
0x1af: {  	[tilespmem:s18], [sflag:$0x1] =	stream.strided.gather [hbm4b:s26+s22], $0x180, s23, s22, $0x38;
	[tilespmem:$0x7900] =	vst v63  }
0x1b0: {  	s28 =	sadd.s32 $0x100, s3  }
0x1b1: {  	[tilespmem:s4], [sflag:$0x1] =	stream.strided.gather [hbm4b:s28+s22], $0x180, s23, s22, $0x38;
	[tilespmem:$0x7900] =	vst v63  }
0x1b2: {  	p1 =	slt.u32 s10, $0x601;
	s3 =	sadd.s32 $0x180, s3  }
0x1b3: {  	[tilespmem:s6], [sflag:$0x1] =	stream.strided.gather [hbm4b:s3+s22], $0x180, s23, s22, $0x38;
	[tilespmem:$0x7900] =	vst v63  }
0x1b4: {  	s3 =	sor.u32 @!p1 s12, s11  }
0x1b5: {  	s20 =	simm.s32 @!p1 $0x1880;
	p2 =	slt.u32 @!p1 s10, $0x681;
	s7 =	sor.u32 @!p1 $0x600, s3  }
0x1b6: {  	s11 =	simm.s32 @!p1 $0x80;
	s12 =	simm.s32 @!p1 $0x200000;
	s8 =	sadd.s32 @!p1 s1, s7  }
0x1b7: {  	[tilespmem:s20], [sflag:$0x1] =	stream.strided.gather @!p1 [hbm4b:s8+s11], $0x180, s12, s11, $0x38;
	[tilespmem:$0x7900] =	vst v63  }
0x1b8: {  	p3 =	por p2, p1;
	s7 =	sadd.s32 @!p1 s2, s7;
	s8 =	simm.s32 @!p1 $0x3680  }
0x1b9: {  	[tilespmem:s8], [sflag:$0x1] =	stream.strided.gather @!p1 [hbm4b:s7+s11], $0x180, s12, s11, $0x38;
	[tilespmem:$0x7900] =	vst v63  }
0x1ba: {  	s20 =	simm.s32 @!p3 $0x1A80;
	s7 =	sor.u32 @!p3 $0x680, s3  }
0x1bb: {  	s11 =	simm.s32 @!p3 $0x80;
	s12 =	simm.s32 @!p3 $0x200000;
	s8 =	sadd.s32 @!p3 s1, s7  }
0x1bc: {  	[tilespmem:s20], [sflag:$0x1] =	stream.strided.gather @!p3 [hbm4b:s8+s11], $0x180, s12, s11, $0x38;
	[tilespmem:$0x7900] =	vst v63  }
0x1bd: {  	s7 =	sadd.s32 @!p3 s2, s7;
	s8 =	simm.s32 @!p3 $0x3880  }
0x1be: {  	[tilespmem:s8], [sflag:$0x1] =	stream.strided.gather @!p3 [hbm4b:s7+s11], $0x180, s12, s11, $0x38;
	[tilespmem:$0x7900] =	vst v63  }
0x1bf: {  	p3 =	slt.u32 @!p3 s10, $0x701  }
0x1c0: {  	p2 =	por @!p1 p3, p2  }
0x1c1: {  	p1 =	por p2, p1  }
0x1c2: {  	s3 =	sor.u32 @!p1 $0x700, s3;
	s8 =	simm.s32 @!p1 $0x80  }
0x1c3: {  	s10 =	simm.s32 @!p1 $0x200000;
	s11 =	simm.s32 @!p1 $0x1C80;
	s7 =	sadd.s32 @!p1 s1, s3  }
0x1c4: {  	[tilespmem:s11], [sflag:$0x1] =	stream.strided.gather @!p1 [hbm4b:s7+s8], $0x180, s10, s8, $0x38;
	[tilespmem:$0x7900] =	vst v63  }
0x1c5: {  	s3 =	sadd.s32 @!p1 s2, s3;
	s7 =	simm.s32 @!p1 $0x3A80  }
0x1c6: {  	[tilespmem:s7], [sflag:$0x1] =	stream.strided.gather @!p1 [hbm4b:s3+s8], $0x180, s10, s8, $0x38;
	[tilespmem:$0x7900] =	vst v63  }
.LBB2_19:
0x1c7: {  	s3 =	simm.s32 @!p0 $0x2  }
0x1c8: {  	_ =	swait.ge @!p0 [sflag:s3], $0x600  }
0x1c9: {  	[sflag:s3] =	ssyncset.done @!p0 $0x0  }
0x1ca: {  	[sflag:s3] =	ssyncadd.s32 @!p0 $0xFFFFFA00  }
0x1cb: {  	_ =	swait.ge @!p0 [sflag:s3], $0x600  }
0x1cc: {  	s20 =	sld [smem:$0x7FC];
	_ =	sdelay $0x1  }
0x1cd: {  	[sflag:s3] =	ssyncset.done @!p0 $0x0  }
0x1ce: {  	[sflag:s3] =	ssyncadd.s32 @!p0 $0xFFFFFA00;
	p0 =	seq.s32 s20, $0x1  }
0x1cf: {  	s3 =	simm.s32 @p0 $0x2  }
0x1d0: {  	_ =	swait.ge @p0 [sflag:s3], $0x600  }
0x1d1: {  	[sflag:s3] =	ssyncset.done @p0 $0x0  }
0x1d2: {  	[sflag:s3] =	ssyncadd.s32 @p0 $0xFFFFFA00  }
0x1d3: {  	_ =	swait.ge @p0 [sflag:s3], $0x600  }
0x1d4: {  	s24 =	sld [smem:$0x7FD];
	_ =	sdelay $0x1  }
0x1d5: {  	[sflag:s3] =	ssyncset.done @p0 $0x0  }
0x1d6: {  	[sflag:s3] =	ssyncadd.s32 @p0 $0xFFFFFA00;
	p0 =	seq.s32 s24, $0x1  }
0x1d7: {  	s3 =	simm.s32 @p0 $0x2  }
0x1d8: {  	_ =	swait.ge @p0 [sflag:s3], $0x600  }
0x1d9: {  	[sflag:s3] =	ssyncset.done @p0 $0x0  }
0x1da: {  	[sflag:s3] =	ssyncadd.s32 @p0 $0xFFFFFA00  }
0x1db: {  	_ =	swait.ge @p0 [sflag:s3], $0x600  }
0x1dc: {  	s25 =	sld [smem:$0x7FB];
	_ =	sdelay $0x1  }
0x1dd: {  	[sflag:s3] =	ssyncset.done @p0 $0x0  }
0x1de: {  	[sflag:s3] =	ssyncadd.s32 @p0 $0xFFFFFA00;
	p0 =	seq.s32 s25, $0x1  }
0x1df: {  	s3 =	simm.s32 @p0 $0x2  }
0x1e0: {  	_ =	swait.ge @p0 [sflag:s3], $0x180  }
0x1e1: {  	[sflag:s3] =	ssyncset.done @p0 $0x0  }
0x1e2: {  	[sflag:s3] =	ssyncadd.s32 @p0 $0xFFFFFE80  }
0x1e3: {  	_ =	swait.ge @p0 [sflag:s3], $0x180  }
0x1e4: {  	[sflag:s3] =	ssyncset.done @p0 $0x0  }
0x1e5: {  	[sflag:s3] =	ssyncadd.s32 @p0 $0xFFFFFE80;
	s3 =	simm.s32 @p5 $0x2  }
0x1e6: {  	_ =	swait.ge @p5 [sflag:s3], $0x180  }
0x1e7: {  	[sflag:s3] =	ssyncset.done @p5 $0x0  }
0x1e8: {  	[sflag:s3] =	ssyncadd.s32 @p5 $0xFFFFFE80  }
0x1e9: {  	_ =	swait.ge @p5 [sflag:s3], $0x180  }
0x1ea: {  	[sflag:s3] =	ssyncset.done @p5 $0x0  }
0x1eb: {  	p0 =	sgt.s32 s9, $0x0;
	[sflag:s3] =	ssyncadd.s32 @p5 $0xFFFFFE80;
	s3 =	simm.s32 $0x1  }
0x1ec: {  	s8 =	sshra.s32 s9, $0x1F;
	s3 =	simm.s32 @!p0 $0x0  }
0x1ed: {  	s26 =	sand.u32 $0xF, s19;
	s28 =	sshra.s32 s19, $0x1F;
	s3 =	sadd.s32 s3, s8  }
0x1ee: {  	p1 =	sne.s32 s26, $0x0;
	s7 =	sld [smem:$0x7FA];
	p5 =	sne.s32 s3, $0x1  }
0x1ef: {  	s3 =	sshrl.u32 s28, $0x1C;
	p0 =	por !p1, !p5  }
0x1f0: {  	s8 =	simm.s32 $0x1;
	s3 =	sadd.s32 s3, s19;
	p0 =	por !p0, !p0  }
0x1f1: {  	p2 =	seq.s32 s7, $0x1;
	s3 =	sshra.s32 s3, $0x4;
	s8 =	simm.s32 @!p0 $0x0  }
0x1f2: {  	s7 =	simm.s32 @p2 $0x2;
	s9 =	ssub.s32 s3, s8  }
0x1f3: {  	_ =	swait.ge @p2 [sflag:s7], $0x180;
	p0 =	slt.s32 s9, $0x1  }
.Ltmp13:
0x1f4: {  	[sflag:s7] =	ssyncset.done @p2 $0x0;
	(pc) =	sbr.rel @p0 .LBB2_27-.Ltmp13, $4  }
0x1f5: {  	[sflag:s7] =	ssyncadd.s32 @p2 $0xFFFFFE80  }
0x1f6: {  	_ =	swait.ge @p2 [sflag:s7], $0x180  }
0x1f7: {  	[sflag:s7] =	ssyncset.done @p2 $0x0  }
0x1f8: {  	v3 =	vpsel p6, v3, v4;
	[sflag:s7] =	ssyncadd.s32 @p2 $0xFFFFFE80;
	s7 =	simm.s32 $0x0  }
0x1f9: {  	s3 =	sand.u32 $0x70, s7;
	s8 =	sand.u32 $0xFFFFFE00, s7;
	p1 =	sne.s32 s9, $0x1  }
.Ltmp14:
0x1fa: {  	s8 =	sor.u32 s3, s8;
	(pc) =	sbr.rel @!p1 .LBB2_21-.Ltmp14, $4  }
0x1fb: {  	v12 =	vld [tilespmem:s8+$0x3C80]  }
0x1fc: {  	v4 =	vld [tilespmem:s8+$0x5A80]  }
0x1fd: {  	s10 =	sadd.s32 $0x40, s7;
	v10 =	vld [tilespmem:s8+$0x3D00]  }
0x1fe: {  	s11 =	sadd.s32 $0x10, s7;
	p0 =	por $0x0, $0x0;
	s3 =	sadd.s32 $0xFFFFFFFF, s9;
	v5 =	vld [tilespmem:s8+$0x5B00]  }
0x1ff: {  	s7 =	sand.u32 $0x70, s11;
	s12 =	sand.u32 $0xFFFFFE00, s10;
	v6 =	vld [tilespmem:s8+$0x3D80];
	p1 =	sne.s32 s3, $0x1  }
.Ltmp15:
0x200: {  	v7 =	vld [tilespmem:s8+$0x5B80];
	s7 =	sor.u32 s7, s12;
	(pc) =	sbr.rel @!p1 .LBB2_23-.Ltmp15, $4  }
0x201: {  	v8 =	vld [tilespmem:s7+$0x3C80];
	v12 =	vsub.f32 v12, v4  }
0x202: {  	v4 =	vld [tilespmem:s7+$0x5A80]  }
0x203: {  	s8 =	sadd.s32 $0xFFFFFFFF, s3;
	v9 =	vld [tilespmem:s7+$0x3D00];
	v11 =	vsub.f32 v10, v5;
	v13 =	vmul.f32 v12, v12  }
0x204: {  	s10 =	sadd.s32 $0x40, s10;
	s11 =	sadd.s32 $0x10, s11;
	p0 =	por $0x1, $0x1;
	v14 =	vmov v3;
	v5 =	vld [tilespmem:s7+$0x5B00]  }
.LBB2_24:
0x205: {  	s3 =	sand.u32 $0x70, s11;
	s12 =	sand.u32 $0xFFFFFE00, s10;
	v10 =	vadd.f32 v13, v14;
	v11 =	vmul.f32 v11, v11;
	v12 =	vsub.f32 v6, v7;
	v6 =	vld [tilespmem:s7+$0x3D80];
	p1 =	sne.s32 s8, $0x1  }
.Ltmp16:
0x206: {  	s8 =	sadd.s32 $0xFFFFFFFF, s8;
	v7 =	vld [tilespmem:s7+$0x5B80];
	s7 =	sor.u32 s3, s12;
	(pc) =	sbr.rel @p1 .LBB2_24-.Ltmp16, $4  }
0x207: {  	v13 =	vsub.f32 v8, v4;
	v8 =	vld [tilespmem:s7+$0x3C80];
	v10 =	vadd.f32 v11, v10;
	v12 =	vmul.f32 v12, v12  }
0x208: {  	v4 =	vld [tilespmem:s7+$0x5A80]  }
0x209: {  	v13 =	vmul.f32 v13, v13;
	v11 =	vsub.f32 v9, v5;
	v9 =	vld [tilespmem:s7+$0x3D00];
	v14 =	vadd.f32 v12, v10  }
0x20a: {  	s10 =	sadd.s32 $0x40, s10;
	s11 =	sadd.s32 $0x10, s11;
	v5 =	vld [tilespmem:s7+$0x5B00]  }
.Ltmp17:
0x20b: {  	(pc) =	sbr.rel .LBB2_26-.Ltmp17, $2  }
0x20c: {  	_ =	sdelay $0x2  }
0x20d: {  	s8 =	smov.u32 s7;
	v12 =	vmov v8;
	v10 =	vmov v9  }
.LBB2_11:
.Ltmp18:
0x20e: {  	(pc) =	sbr.rel .LBB2_16-.Ltmp18, $2  }
0x20f: {  	_ =	sdelay $0x2  }
0x210: {  	v14 =	vmov v3  }
.LBB2_13:
.Ltmp19:
0x211: {  	(pc) =	sbr.rel .LBB2_16-.Ltmp19, $2  }
0x212: {  	_ =	sdelay $0x2  }
0x213: {  	s8 =	smov.u32 s7;
	v14 =	vmov v3;
	v12 =	vmov v8;
	v10 =	vmov v9  }
.LBB2_23:
.Ltmp20:
0x214: {  	(pc) =	sbr.rel .LBB2_26-.Ltmp20, $2  }
0x215: {  	_ =	sdelay $0x2  }
0x216: {  	s8 =	smov.u32 s7;
	v14 =	vmov v3;
	v12 =	vmov v8;
	v10 =	vmov v9  }
.LBB2_29:
0x217: {  	_ =	sfence.sel $0x180000  }
0x218: {  	[bflag:$0x0] =	sbarrier.arrive $0xFFFF  }
0x219: {  	_ =	strace $0x90000047  }
0x21a: {  	s0 =	stileid.u32;
	[bflag:$0x2] =	sbarrier.arrive $0xFFFF  }
0x21b: {  	p0 =	sne.s32 s0, $0x0;
	s0 =	rddreg [dreg:$0x4]  }
0x21c: {  	s0 =	sadd.s32 @!p0 $0x100000, s0  }
0x21d: {  	[sflag:s0] =	ssyncadd.tile.s32 @!p0 $0x1;
	_ =	shalt  }
.Lfunc_end2:
_tile_overlayer_lowered:
.L_overlay_start_2:
0x21e: {  	(tag) =	ssettag $0x2  }
0x21f: {  	s0 =	rddreg [dreg:$0x0];
	s2 =	stileid.u32  }
0x220: {  	s1 =	rddreg [dreg:$0x1];
	p0 =	sne.s32 s2, $0x0  }
0x221: {  	s3 =	rddreg [dreg:$0x2];
	[bflag:$0x3] =	sbarrier.arrive $0xFFFF;
	s2 =	simm.s32 @!p0 $0x1C04  }
0x222: {  	[timem:s3], [sflag:s2] =	dma.local @!p0 [hbm:s0], s1  }
0x223: {  	s0 =	simm.s32 @!p0 $0x4  }
0x224: {  	_ =	swait.ge @!p0 [sflag:s0], s1  }
0x225: {  	s1 =	ssub.s32 @!p0 $0x0, s1;
	[sflag:s0] =	ssyncset.done @!p0 $0x0  }
0x226: {  	[sflag:s0] =	ssyncadd.s32 @!p0 s1  }
0x227: {  	[bflag:$0x3] =	sbarrier.arrive $0xFFFF  }
0x228: {  	_ =	shalt  }

</sc_bundles>
